<compile_context>
chip_gen: v7x
topology: tpu7x:2x2x1
jax: 0.10.2.dev20260603
libtpu: 0.0.44.dev20260713+nightly
codegen_flags: <defaults>
</compile_context>

<pallas_src>
import functools

import jax
import jax.numpy as jnp
from jax import lax
from jax.experimental import pallas as pl
from jax.experimental.pallas import tpu as pltpu
from jax.experimental.pallas import tpu_sc as plsc

N = 10000
E = 320000
D1 = 128
D2 = 64
NC = 2
NS = 16
NW = NC * NS
NPAD = 10240
NR = NPAD // NS
EW = 128
EC = E // EW
ET = 76
EXC = EC - NW * ET
ZR = 32
BM = 1000

_mesh = plsc.VectorSubcoreMesh(core_axis_name="c", subcore_axis_name="s",
                               num_cores=NC, num_subcores=NS)


@functools.partial(
    pl.kernel,
    out_type=jax.ShapeDtypeStruct((NC * NPAD,), jnp.float32),
    mesh=_mesh,
    scratch_types=[
        pltpu.VMEM((2, EW), jnp.int32),
        pltpu.VMEM((2, EW), jnp.int32),
        pltpu.VMEM((2, EW), jnp.int32),
        pltpu.VMEM((2, EW), jnp.int32),
        pltpu.VMEM((EW,), jnp.float32),
        pltpu.VMEM((NR,), jnp.float32),
        pltpu.SemaphoreType.DMA,
        pltpu.VMEM_SHARED((NPAD,), jnp.float32),
    ],
)
def _deg(ei_hbm, out_hbm, a0, a1, b0, b1, ones_v, zero_v, sem, acc):
    cid = lax.axis_index("c")
    sid = lax.axis_index("s")
    wid = cid * NS + sid
    cb = wid * ET

    def _ld(c, buf):
        pltpu.async_copy(ei_hbm.at[:, pl.ds(c * EW, EW)], buf, sem)

    def _wt(buf):
        pltpu.make_async_copy(ei_hbm.at[:, pl.ds(0, EW)], buf, sem).wait()

    _ld(cb, a0)
    _ld(cb + 1, a1)

    def _fill(k, _):
        zero_v[pl.ds(k * 16, 16)] = jnp.zeros((16,), jnp.float32)
        return 0

    lax.fori_loop(0, NR // 16, _fill, 0)

    def _fill1(k, _):
        ones_v[pl.ds(k * 16, 16)] = jnp.ones((16,), jnp.float32)
        return 0

    lax.fori_loop(0, EW // 16, _fill1, 0)
    pltpu.sync_copy(zero_v, acc.at[pl.ds(sid * NR, NR)])
    _wt(a0)
    _wt(a1)
    _ld(cb + 2, b0)
    _ld(cb + 3, b1)
    plsc.subcore_barrier()

    def _sc(buf):
        pltpu.sync_copy(ones_v, acc.at[buf.at[1]], add=True)

    def _quad(q, _):
        c = cb + 4 * q
        _sc(a0)
        _sc(a1)

        @pl.when(q < ET // 4 - 1)
        def _pa():
            _ld(c + 4, a0)
            _ld(c + 5, a1)

        _wt(b0)
        _wt(b1)
        _sc(b0)
        _sc(b1)

        @pl.when(q < ET // 4 - 1)
        def _pb():
            _ld(c + 6, b0)
            _ld(c + 7, b1)
            _wt(a0)
            _wt(a1)

        return 0

    lax.fori_loop(0, ET // 4, _quad, 0)

    def _extra(k, _):
        c = NW * ET + wid + NW * k

        @pl.when(c < EC)
        def _do():
            _ld(c, a0)
            _wt(a0)
            _sc(a0)

        return 0

    lax.fori_loop(0, (EXC + NW - 1) // NW, _extra, 0)
    plsc.subcore_barrier()
    pltpu.sync_copy(acc.at[pl.ds(sid * NR, NR)],
                    out_hbm.at[pl.ds(cid * NPAD + sid * NR, NR)])


def _make_agg(D):
    @functools.partial(
        pl.kernel,
        out_type=jax.ShapeDtypeStruct((NC, NPAD, D), jnp.float32),
        mesh=_mesh,
        scratch_types=[
            pltpu.VMEM((2, EW), jnp.int32),
            pltpu.VMEM((2, EW), jnp.int32),
            pltpu.VMEM((2, EW), jnp.int32),
            pltpu.VMEM((2, EW), jnp.int32),
            pltpu.VMEM((EW, D), jnp.float32),
            pltpu.VMEM((EW, D), jnp.float32),
            pltpu.VMEM((ZR, D), jnp.float32),
            pltpu.SemaphoreType.DMA,
            pltpu.SemaphoreType.DMA,
            pltpu.SemaphoreType.DMA,
            pltpu.VMEM_SHARED((NPAD, D), jnp.float32),
        ],
    )
    def _agg(y_hbm, ei_hbm, out_hbm,
             a0, a1, b0, b1, r0, r1, zb, sem0, sem1, sem_i, acc):
        cid = lax.axis_index("c")
        sid = lax.axis_index("s")
        wid = cid * NS + sid
        cb = wid * ET

        def _ld(c, buf):
            pltpu.async_copy(ei_hbm.at[:, pl.ds(c * EW, EW)], buf, sem_i)

        def _wt(buf):
            pltpu.make_async_copy(ei_hbm.at[:, pl.ds(0, EW)], buf, sem_i).wait()

        _ld(cb, a0)
        _ld(cb + 1, a1)

        def _zrow(i, _):
            def _zcol(j, _):
                zb[i, pl.ds(j * 16, 16)] = jnp.zeros((16,), jnp.float32)
                return 0

            lax.fori_loop(0, D // 16, _zcol, 0)
            return 0

        lax.fori_loop(0, ZR, _zrow, 0)
        _wt(a0)
        _wt(a1)
        _ld(cb + 2, b0)
        _ld(cb + 3, b1)
        pltpu.async_copy(y_hbm.at[a0.at[0]], r0, sem0)

        def _zcp(r, _):
            pltpu.sync_copy(zb, acc.at[pl.ds(sid * NR + r * ZR, ZR)])
            return 0

        lax.fori_loop(0, NR // ZR, _zcp, 0)
        plsc.subcore_barrier()

        NQ = ET // 4

        def _quad(q, _):
            c = cb + 4 * q
            pltpu.async_copy(y_hbm.at[a1.at[0]], r1, sem1)
            pltpu.make_async_copy(y_hbm.at[a1.at[0]], r0, sem0).wait()
            pltpu.sync_copy(r0, acc.at[a0.at[1]], add=True)
            _wt(b0)
            _wt(b1)
            pltpu.async_copy(y_hbm.at[b0.at[0]], r0, sem0)
            pltpu.make_async_copy(y_hbm.at[a1.at[0]], r1, sem1).wait()
            pltpu.sync_copy(r1, acc.at[a1.at[1]], add=True)

            @pl.when(q < NQ - 1)
            def _pa():
                _ld(c + 4, a0)
                _ld(c + 5, a1)

            pltpu.async_copy(y_hbm.at[b1.at[0]], r1, sem1)
            pltpu.make_async_copy(y_hbm.at[b1.at[0]], r0, sem0).wait()
            pltpu.sync_copy(r0, acc.at[b0.at[1]], add=True)

            @pl.when(q < NQ - 1)
            def _pb():
                _wt(a0)
                _wt(a1)
                pltpu.async_copy(y_hbm.at[a0.at[0]], r0, sem0)

            pltpu.make_async_copy(y_hbm.at[b1.at[0]], r1, sem1).wait()
            pltpu.sync_copy(r1, acc.at[b1.at[1]], add=True)

            @pl.when(q < NQ - 1)
            def _pb2():
                _ld(c + 6, b0)
                _ld(c + 7, b1)

            return 0

        lax.fori_loop(0, NQ, _quad, 0)

        def _extra(k, _):
            c = NW * ET + wid + NW * k

            @pl.when(c < EC)
            def _do():
                _ld(c, a0)
                _wt(a0)
                pltpu.async_copy(y_hbm.at[a0.at[0]], r0, sem0)
                pltpu.make_async_copy(y_hbm.at[a0.at[0]], r0, sem0).wait()
                pltpu.sync_copy(r0, acc.at[a0.at[1]], add=True)

            return 0

        lax.fori_loop(0, (EXC + NW - 1) // NW, _extra, 0)
        plsc.subcore_barrier()
        pltpu.sync_copy(acc.at[pl.ds(sid * NR, NR)],
                        out_hbm.at[cid, pl.ds(sid * NR, NR)])

    return _agg


_agg128 = _make_agg(D1)


def _mm_body(x_ref, w_ref, o_ref):
    o_ref[...] = jnp.dot(x_ref[...], w_ref[...],
                         preferred_element_type=jnp.float32)


_mm1 = pl.pallas_call(
    _mm_body,
    grid=(N // BM,),
    in_specs=[pl.BlockSpec((BM, D1), lambda i: (i, 0)),
              pl.BlockSpec((D1, D1), lambda i: (0, 0))],
    out_specs=pl.BlockSpec((BM, D1), lambda i: (i, 0)),
    out_shape=jax.ShapeDtypeStruct((N, D1), jnp.float32),
)


def _y1_body(xw_ref, g0_ref, g1_ref, o_ref):
    dinv = lax.rsqrt(g0_ref[...] + g1_ref[...] + 1.0)
    o_ref[...] = dinv * xw_ref[...]


_y1 = pl.pallas_call(
    _y1_body,
    grid=(N // BM,),
    in_specs=[pl.BlockSpec((BM, D1), lambda i: (i, 0)),
              pl.BlockSpec((BM, 1), lambda i: (i, 0)),
              pl.BlockSpec((BM, 1), lambda i: (i, 0))],
    out_specs=pl.BlockSpec((BM, D1), lambda i: (i, 0)),
    out_shape=jax.ShapeDtypeStruct((N, D1), jnp.float32),
)


def _h_body(p_ref, y1_ref, g0_ref, g1_ref, b1_ref, o_ref):
    dinv = lax.rsqrt(g0_ref[...] + g1_ref[...] + 1.0)
    h = jnp.maximum(
        dinv * (p_ref[0] + p_ref[1] + y1_ref[...]) + b1_ref[...], 0.0)
    o_ref[...] = dinv * h


_h = pl.pallas_call(
    _h_body,
    grid=(N // BM,),
    in_specs=[pl.BlockSpec((NC, BM, D1), lambda i: (0, i, 0)),
              pl.BlockSpec((BM, D1), lambda i: (i, 0)),
              pl.BlockSpec((BM, 1), lambda i: (i, 0)),
              pl.BlockSpec((BM, 1), lambda i: (i, 0)),
              pl.BlockSpec((1, D1), lambda i: (0, 0))],
    out_specs=pl.BlockSpec((BM, D1), lambda i: (i, 0)),
    out_shape=jax.ShapeDtypeStruct((N, D1), jnp.float32),
)


BMZ = 1024


def _z_body(q_ref, u_ref, g0_ref, g1_ref, b2_ref, w2_ref, o_ref):
    dinv = lax.rsqrt(g0_ref[...] + g1_ref[...] + 1.0)
    drow = dinv.reshape(1, BMZ)
    s = q_ref[0] + q_ref[1] + u_ref[...]
    zt = lax.dot_general(w2_ref[...], s, (((0,), (1,)), ((), ())),
                         preferred_element_type=jnp.float32)
    o_ref[...] = drow * zt + b2_ref[...]


_z = pl.pallas_call(
    _z_body,
    grid=(NPAD // BMZ,),
    in_specs=[pl.BlockSpec((NC, BMZ, D1), lambda i: (0, i, 0)),
              pl.BlockSpec((BMZ, D1), lambda i: (i, 0)),
              pl.BlockSpec((BMZ // EW, EW), lambda i: (i, 0)),
              pl.BlockSpec((BMZ // EW, EW), lambda i: (i, 0)),
              pl.BlockSpec((D2, 1), lambda i: (0, 0)),
              pl.BlockSpec((D1, D2), lambda i: (0, 0))],
    out_specs=pl.BlockSpec((D2, BMZ), lambda i: (0, i)),
    out_shape=jax.ShapeDtypeStruct((D2, N), jnp.float32),
)


def kernel(x, edge_index, W1, b1, W2, b2):
    ei = edge_index.astype(jnp.int32)

    xw1 = _mm1(x, W1)
    degp = _deg(ei)
    g0 = degp[:NPAD, None]
    g1 = degp[NPAD:, None]
    y1 = _y1(xw1, g0, g1)
    P = _agg128(y1, ei)
    u = _h(P, y1, g0, g1, b1[None, :])
    Q = _agg128(u, ei)
    g0r = degp[:NPAD].reshape(NPAD // EW, EW)
    g1r = degp[NPAD:].reshape(NPAD // EW, EW)
    zt = _z(Q, u, g0r, g1r, b2[:, None], W2)
    return zt.T

# --- scband reference (transcript-rebuilt; emitter-appended) ---
"""Pipeline reference for scband-net-54803782697308 (READ-ONLY COPY).

The authoritative reference and input builder live on the scoring server;
editing this copy changes nothing except your own understanding.
"""

import jax, jax.numpy as jnp
import numpy as np

N = 10000
E = 320000
D_IN = 128
D_H = 128
D_OUT = 64


def _gcn_conv(x, src, dst, W, b, n):
    # PyG GCNConv: x' = D^{-1/2} (A + I) D^{-1/2} (x W) + b
    xw = x @ W
    loop = jnp.arange(n, dtype=src.dtype)
    s = jnp.concatenate([src, loop])
    d = jnp.concatenate([dst, loop])
    deg = jnp.zeros((n,), xw.dtype).at[d].add(1.0)
    dinv = jnp.where(deg > 0, jax.lax.rsqrt(deg), 0.0)
    norm = dinv[s] * dinv[d]
    msg = xw[s] * norm[:, None]
    out = jnp.zeros((n, xw.shape[1]), xw.dtype).at[d].add(msg)
    return out + b


def setup_inputs(seed: int = 0) -> dict:
    key = jax.random.key(seed)
    ks = jax.random.split(key, 8)
    x = jax.random.normal(ks[0], (N, D_IN), jnp.float32)
    edge_index = jax.random.randint(ks[1], (2, E), 0, N)
    W1 = jax.random.normal(ks[2], (D_IN, D_H), jnp.float32) * (1.0 / np.sqrt(D_IN))
    b1 = jnp.zeros((D_H,), jnp.float32)
    W2 = jax.random.normal(ks[3], (D_H, D_OUT), jnp.float32) * (1.0 / np.sqrt(D_H))
    b2 = jnp.zeros((D_OUT,), jnp.float32)
    return {"x": x, "edge_index": edge_index, "W1": W1, "b1": b1, "W2": W2, "b2": b2}


def reference(x, edge_index, W1, b1, W2, b2):
    # Net.encode: z = GCNConv2(relu(GCNConv1(x, ei)), ei)
    # (self.nl BatchNorm is defined but never used in encode)
    src = edge_index[0]
    dst = edge_index[1]
    h = jax.nn.relu(_gcn_conv(x, src, dst, W1, b1, N))
    z = _gcn_conv(h, src, dst, W2, b2, N)
    return z

if __name__ == "__main__":
    import jax
    _d = setup_inputs()
    print(jax.jit(kernel)(*tuple(_d.values())))

</pallas_src>

<mosaic_0001>
#map = affine_map<(d0, d1) -> (0, 0)>
#map1 = affine_map<(d0, d1) -> (0, 0, 0)>
module attributes {stable_mosaic.version = 14 : i64} {
  func.func @_agg(%arg0: i32, %arg1: i32, %arg2: memref<10000x128xf32, #tpu.memory_space<hbm>>, %arg3: memref<2x320000xi32, #tpu.memory_space<hbm>>, %arg4: memref<2x10240x128xf32, #tpu.memory_space<hbm>>, %arg5: memref<2x128xi32, #tpu.memory_space<vmem>>, %arg6: memref<2x128xi32, #tpu.memory_space<vmem>>, %arg7: memref<2x128xi32, #tpu.memory_space<vmem>>, %arg8: memref<2x128xi32, #tpu.memory_space<vmem>>, %arg9: memref<128x128xf32, #tpu.memory_space<vmem>>, %arg10: memref<128x128xf32, #tpu.memory_space<vmem>>, %arg11: memref<32x128xf32, #tpu.memory_space<vmem>>, %arg12: memref<!tpu.dma_semaphore, #tpu.memory_space<semaphore_mem>>, %arg13: memref<!tpu.dma_semaphore, #tpu.memory_space<semaphore_mem>>, %arg14: memref<!tpu.dma_semaphore, #tpu.memory_space<semaphore_mem>>, %arg15: memref<10240x128xf32, #tpu.memory_space<vmem_shared>>) attributes {dimension_semantics = [#tpu.dimension_semantics<core_parallel>, #tpu.dimension_semantics<subcore_parallel>], iteration_bounds = array<i64: 2, 16>, scalar_prefetch = 0 : i64, scratch_operands = 11 : i64, tpu.core_type = #tpu.core_type<sc_vector_subcore>, window_params = [{transform_indices = #map}, {transform_indices = #map}, {transform_indices = #map1}]} {
    %mul3A = arith.constant 16 : i32
    %mul3A_0 = arith.muli %arg0, %mul3A : i32
    %add3A = arith.addi %mul3A_0, %arg1 : i32
    %mul3A_1 = arith.constant 76 : i32
    %mul3A_2 = arith.muli %add3A, %mul3A_1 : i32
    %mul3A_3 = arith.constant 128 : i32
    %mul3A_4 = arith.muli %mul3A_2, %mul3A_3 : i32
    %dma_start3A = arith.constant 0 : i32
    %dma_start3A_5 = tpu.memref_slice %arg3[%dma_start3A, %mul3A_4] : memref<2x320000xi32, #tpu.memory_space<hbm>> -> memref<2x128xi32, #tpu.memory_space<hbm>>
    %dma_start3A_6 = arith.constant 0 : i32
    %dma_start3A_7 = tpu.memref_slice %arg3[%dma_start3A_6, %mul3A_4] : memref<2x320000xi32, #tpu.memory_space<hbm>> -> memref<2x128xi32, #tpu.memory_space<hbm>>
    tpu.enqueue_dma source(%dma_start3A_7 : memref<2x128xi32, #tpu.memory_space<hbm>>) target(%arg5 : memref<2x128xi32, #tpu.memory_space<vmem>>) target_semaphore(%arg14 : memref<!tpu.dma_semaphore, #tpu.memory_space<semaphore_mem>>)
    %add3A_8 = arith.constant 1 : i32
    %add3A_9 = arith.addi %mul3A_2, %add3A_8 : i32
    %mul3A_10 = arith.constant 128 : i32
    %mul3A_11 = arith.muli %add3A_9, %mul3A_10 : i32
    %dma_start3A_12 = arith.constant 0 : i32
    %dma_start3A_13 = tpu.memref_slice %arg3[%dma_start3A_12, %mul3A_11] : memref<2x320000xi32, #tpu.memory_space<hbm>> -> memref<2x128xi32, #tpu.memory_space<hbm>>
    %dma_start3A_14 = arith.constant 0 : i32
    %dma_start3A_15 = tpu.memref_slice %arg3[%dma_start3A_14, %mul3A_11] : memref<2x320000xi32, #tpu.memory_space<hbm>> -> memref<2x128xi32, #tpu.memory_space<hbm>>
    tpu.enqueue_dma source(%dma_start3A_15 : memref<2x128xi32, #tpu.memory_space<hbm>>) target(%arg6 : memref<2x128xi32, #tpu.memory_space<vmem>>) target_semaphore(%arg14 : memref<!tpu.dma_semaphore, #tpu.memory_space<semaphore_mem>>)
    %scan3A = arith.constant 0 : i32
    %scan3A_16 = arith.constant 0 : i32
    %scan3A_17 = arith.constant 32 : i32
    %scan3A_18 = arith.addi %scan3A_16, %scan3A_17 : i32
    %scan3A_19 = arith.constant 1 : i32
    %scan3A_20 = scf.for %scan3A_82 = %scan3A_16 to %scan3A_18 step %scan3A_19 iter_args(%scan3A_83 = %scan3A) -> (i32)  : i32 {
      %scan3A_84 = arith.constant 0 : i32
      %scan3A_85 = arith.constant 0 : i32
      %scan3A_86 = arith.constant 8 : i32
      %scan3A_87 = arith.addi %scan3A_85, %scan3A_86 : i32
      %scan3A_88 = arith.constant 1 : i32
      %scan3A_89 = scf.for %scan3A_92 = %scan3A_85 to %scan3A_87 step %scan3A_88 iter_args(%scan3A_93 = %scan3A_84) -> (i32)  : i32 {
        %broadcast_in_dim3A = arith.constant 0.000000e+00 : f32
        %broadcast_in_dim3A_94 = vector.broadcast %broadcast_in_dim3A : f32 to vector<16xf32>
        %mul3A_95 = arith.constant 16 : i32
        %mul3A_96 = arith.muli %scan3A_92, %mul3A_95 : i32
        %swap3A = arith.index_cast %scan3A_82 : i32 to index
        %swap3A_97 = arith.index_cast %mul3A_96 : i32 to index
        %swap3A_98 = tpu.vector_load %arg11[%swap3A, %swap3A_97] {strides = array<i32>} : memref<32x128xf32, #tpu.memory_space<vmem>>, vector<1x16xf32>,
        %swap3A_99 = vector.shape_cast %swap3A_98 : vector<1x16xf32> to vector<16xf32>
        %swap3A_100 = vector.shape_cast %broadcast_in_dim3A_94 : vector<16xf32> to vector<1x16xf32>
        tpu.vector_store %arg11[%swap3A, %swap3A_97], %swap3A_100 {strides = array<i32>} : memref<32x128xf32, #tpu.memory_space<vmem>>, vector<1x16xf32>,
        %scan3A_101 = arith.constant 0 : i32
        scf.yield %scan3A_101 : i32
      }
      %scan3A_90 = arith.constant 8 : i32
      %scan3A_91 = arith.constant 0 : i32
      scf.yield %scan3A_91 : i32
    }
    %scan3A_21 = arith.constant 32 : i32
    %dma_wait3A = arith.constant 0 : i32
    %dma_wait3A_22 = arith.constant 0 : i32
    %dma_wait3A_23 = tpu.memref_slice %arg3[%dma_wait3A, %dma_wait3A_22] : memref<2x320000xi32, #tpu.memory_space<hbm>> -> memref<2x128xi32, #tpu.memory_space<hbm>>
    %dma_wait3A_24 = arith.constant 0 : i32
    %dma_wait3A_25 = arith.constant 0 : i32
    %dma_wait3A_26 = tpu.memref_slice %arg3[%dma_wait3A_24, %dma_wait3A_25] : memref<2x320000xi32, #tpu.memory_space<hbm>> -> memref<2x128xi32, #tpu.memory_space<hbm>>
    tpu.wait_dma2 semaphore(%arg14 : memref<!tpu.dma_semaphore, #tpu.memory_space<semaphore_mem>>) src(%dma_wait3A_26 : memref<2x128xi32, #tpu.memory_space<hbm>>) dst(%arg5 : memref<2x128xi32, #tpu.memory_space<vmem>>)
    %dma_wait3A_27 = arith.constant 0 : i32
    %dma_wait3A_28 = arith.constant 0 : i32
    %dma_wait3A_29 = tpu.memref_slice %arg3[%dma_wait3A_27, %dma_wait3A_28] : memref<2x320000xi32, #tpu.memory_space<hbm>> -> memref<2x128xi32, #tpu.memory_space<hbm>>
    %dma_wait3A_30 = arith.constant 0 : i32
    %dma_wait3A_31 = arith.constant 0 : i32
    %dma_wait3A_32 = tpu.memref_slice %arg3[%dma_wait3A_30, %dma_wait3A_31] : memref<2x320000xi32, #tpu.memory_space<hbm>> -> memref<2x128xi32, #tpu.memory_space<hbm>>
    tpu.wait_dma2 semaphore(%arg14 : memref<!tpu.dma_semaphore, #tpu.memory_space<semaphore_mem>>) src(%dma_wait3A_32 : memref<2x128xi32, #tpu.memory_space<hbm>>) dst(%arg6 : memref<2x128xi32, #tpu.memory_space<vmem>>)
    %add3A_33 = arith.constant 2 : i32
    %add3A_34 = arith.addi %mul3A_2, %add3A_33 : i32
    %mul3A_35 = arith.constant 128 : i32
    %mul3A_36 = arith.muli %add3A_34, %mul3A_35 : i32
    %dma_start3A_37 = arith.constant 0 : i32
    %dma_start3A_38 = tpu.memref_slice %arg3[%dma_start3A_37, %mul3A_36] : memref<2x320000xi32, #tpu.memory_space<hbm>> -> memref<2x128xi32, #tpu.memory_space<hbm>>
    %dma_start3A_39 = arith.constant 0 : i32
    %dma_start3A_40 = tpu.memref_slice %arg3[%dma_start3A_39, %mul3A_36] : memref<2x320000xi32, #tpu.memory_space<hbm>> -> memref<2x128xi32, #tpu.memory_space<hbm>>
    tpu.enqueue_dma source(%dma_start3A_40 : memref<2x128xi32, #tpu.memory_space<hbm>>) target(%arg7 : memref<2x128xi32, #tpu.memory_space<vmem>>) target_semaphore(%arg14 : memref<!tpu.dma_semaphore, #tpu.memory_space<semaphore_mem>>)
    %add3A_41 = arith.constant 3 : i32
    %add3A_42 = arith.addi %mul3A_2, %add3A_41 : i32
    %mul3A_43 = arith.constant 128 : i32
    %mul3A_44 = arith.muli %add3A_42, %mul3A_43 : i32
    %dma_start3A_45 = arith.constant 0 : i32
    %dma_start3A_46 = tpu.memref_slice %arg3[%dma_start3A_45, %mul3A_44] : memref<2x320000xi32, #tpu.memory_space<hbm>> -> memref<2x128xi32, #tpu.memory_space<hbm>>
    %dma_start3A_47 = arith.constant 0 : i32
    %dma_start3A_48 = tpu.memref_slice %arg3[%dma_start3A_47, %mul3A_44] : memref<2x320000xi32, #tpu.memory_space<hbm>> -> memref<2x128xi32, #tpu.memory_space<hbm>>
    tpu.enqueue_dma source(%dma_start3A_48 : memref<2x128xi32, #tpu.memory_space<hbm>>) target(%arg8 : memref<2x128xi32, #tpu.memory_space<vmem>>) target_semaphore(%arg14 : memref<!tpu.dma_semaphore, #tpu.memory_space<semaphore_mem>>)
    %dma_start3A_49 = arith.constant 0 : i32
    %dma_start3A_50 = arith.constant 0 : i32
    %dma_start3A_51 = tpu.memref_slice %arg5[%dma_start3A_49, %dma_start3A_50] : memref<2x128xi32, #tpu.memory_space<vmem>> -> memref<1x128xi32, #tpu.memory_space<vmem>>
    %dma_start3A_52 = tpu.memref_squeeze %dma_start3A_51 : memref<1x128xi32, #tpu.memory_space<vmem>> -> memref<128xi32, #tpu.memory_space<vmem>>
    %dma_start3A_53 = arith.constant 0 : i32
    %dma_start3A_54 = arith.constant 0 : i32
    %dma_start3A_55 = tpu.memref_slice %arg2[%dma_start3A_53, %dma_start3A_54] : memref<10000x128xf32, #tpu.memory_space<hbm>> -> memref<10000x128xf32, #tpu.memory_space<hbm>>
    tpu.enqueue_indirect_dma source(%dma_start3A_55 : memref<10000x128xf32, #tpu.memory_space<hbm>>) target(%arg9 : memref<128x128xf32, #tpu.memory_space<vmem>>) offsets(%dma_start3A_52 : memref<128xi32, #tpu.memory_space<vmem>>) semaphore(%arg12 : memref<!tpu.dma_semaphore, #tpu.memory_space<semaphore_mem>>)
    %scan3A_56 = arith.constant 0 : i32
    %scan3A_57 = arith.constant 0 : i32
    %scan3A_58 = arith.constant 20 : i32
    %scan3A_59 = arith.addi %scan3A_57, %scan3A_58 : i32
    %scan3A_60 = arith.constant 1 : i32
    %scan3A_61 = scf.for %scan3A_82 = %scan3A_57 to %scan3A_59 step %scan3A_60 iter_args(%scan3A_83 = %scan3A_56) -> (i32)  : i32 {
      %mul3A_84 = arith.constant 640 : i32
      %mul3A_85 = arith.muli %arg1, %mul3A_84 : i32
      %mul3A_86 = arith.constant 32 : i32
      %mul3A_87 = arith.muli %scan3A_82, %mul3A_86 : i32
      %add3A_88 = arith.addi %mul3A_85, %mul3A_87 : i32
      "tpu.region"() ({
        %run_scoped3A = tpu.sem_alloc : memref<!tpu.dma_semaphore, #tpu.memory_space<semaphore_mem>>
        %dma_start3A_90 = arith.constant 0 : i32
        %dma_start3A_91 = tpu.memref_slice %arg15[%add3A_88, %dma_start3A_90] : memref<10240x128xf32, #tpu.memory_space<vmem_shared>> -> memref<32x128xf32, #tpu.memory_space<vmem_shared>>
        %dma_start3A_92 = arith.constant 0 : i32
        %dma_start3A_93 = tpu.memref_slice %arg15[%add3A_88, %dma_start3A_92] : memref<10240x128xf32, #tpu.memory_space<vmem_shared>> -> memref<32x128xf32, #tpu.memory_space<vmem_shared>>
        tpu.enqueue_dma source(%arg11 : memref<32x128xf32, #tpu.memory_space<vmem>>) target(%dma_start3A_93 : memref<32x128xf32, #tpu.memory_space<vmem_shared>>) target_semaphore(%run_scoped3A : memref<!tpu.dma_semaphore, #tpu.memory_space<semaphore_mem>>)
        %dma_wait3A_94 = arith.constant 0 : i32
        %dma_wait3A_95 = tpu.memref_slice %arg15[%add3A_88, %dma_wait3A_94] : memref<10240x128xf32, #tpu.memory_space<vmem_shared>> -> memref<32x128xf32, #tpu.memory_space<vmem_shared>>
        %dma_wait3A_96 = arith.constant 0 : i32
        %dma_wait3A_97 = tpu.memref_slice %arg15[%add3A_88, %dma_wait3A_96] : memref<10240x128xf32, #tpu.memory_space<vmem_shared>> -> memref<32x128xf32, #tpu.memory_space<vmem_shared>>
        tpu.wait_dma2 semaphore(%run_scoped3A : memref<!tpu.dma_semaphore, #tpu.memory_space<semaphore_mem>>) src(%arg11 : memref<32x128xf32, #tpu.memory_space<vmem>>) dst(%dma_wait3A_97 : memref<32x128xf32, #tpu.memory_space<vmem_shared>>)
        tpu.yield
      }) : () -> ()
      %scan3A_89 = arith.constant 0 : i32
      scf.yield %scan3A_89 : i32
    }
    %scan3A_62 = arith.constant 20 : i32
    %barrier3A = arith.constant 0 : index
    tpu.barrier barrier_id(%barrier3A)
    %scan3A_63 = arith.constant 0 : i32
    %scan3A_64 = arith.constant 0 : i32
    %scan3A_65 = arith.constant 19 : i32
    %scan3A_66 = arith.addi %scan3A_64, %scan3A_65 : i32
    %scan3A_67 = arith.constant 1 : i32
    %scan3A_68 = scf.for %scan3A_82 = %scan3A_64 to %scan3A_66 step %scan3A_67 iter_args(%scan3A_83 = %scan3A_63) -> (i32)  : i32 {
      %mul3A_84 = arith.constant 4 : i32
      %mul3A_85 = arith.muli %mul3A_84, %scan3A_82 : i32
      %add3A_86 = arith.addi %mul3A_2, %mul3A_85 : i32
      %dma_start3A_87 = arith.constant 0 : i32
      %dma_start3A_88 = arith.constant 0 : i32
      %dma_start3A_89 = tpu.memref_slice %arg6[%dma_start3A_87, %dma_start3A_88] : memref<2x128xi32, #tpu.memory_space<vmem>> -> memref<1x128xi32, #tpu.memory_space<vmem>>
      %dma_start3A_90 = tpu.memref_squeeze %dma_start3A_89 : memref<1x128xi32, #tpu.memory_space<vmem>> -> memref<128xi32, #tpu.memory_space<vmem>>
      %dma_start3A_91 = arith.constant 0 : i32
      %dma_start3A_92 = arith.constant 0 : i32
      %dma_start3A_93 = tpu.memref_slice %arg2[%dma_start3A_91, %dma_start3A_92] : memref<10000x128xf32, #tpu.memory_space<hbm>> -> memref<10000x128xf32, #tpu.memory_space<hbm>>
      tpu.enqueue_indirect_dma source(%dma_start3A_93 : memref<10000x128xf32, #tpu.memory_space<hbm>>) target(%arg10 : memref<128x128xf32, #tpu.memory_space<vmem>>) offsets(%dma_start3A_90 : memref<128xi32, #tpu.memory_space<vmem>>) semaphore(%arg13 : memref<!tpu.dma_semaphore, #tpu.memory_space<semaphore_mem>>)
      %dma_wait3A_94 = arith.constant 0 : i32
      %dma_wait3A_95 = arith.constant 0 : i32
      %dma_wait3A_96 = tpu.memref_slice %arg6[%dma_wait3A_94, %dma_wait3A_95] : memref<2x128xi32, #tpu.memory_space<vmem>> -> memref<1x128xi32, #tpu.memory_space<vmem>>
      %dma_wait3A_97 = tpu.memref_squeeze %dma_wait3A_96 : memref<1x128xi32, #tpu.memory_space<vmem>> -> memref<128xi32, #tpu.memory_space<vmem>>
      %dma_wait3A_98 = arith.constant 0 : i32
      %dma_wait3A_99 = arith.constant 0 : i32
      %dma_wait3A_100 = tpu.memref_slice %arg2[%dma_wait3A_98, %dma_wait3A_99] : memref<10000x128xf32, #tpu.memory_space<hbm>> -> memref<10000x128xf32, #tpu.memory_space<hbm>>
      tpu.wait_indirect_dma semaphore(%arg12 : memref<!tpu.dma_semaphore, #tpu.memory_space<semaphore_mem>>) src(%dma_wait3A_100 : memref<10000x128xf32, #tpu.memory_space<hbm>>) dst(%arg9 : memref<128x128xf32, #tpu.memory_space<vmem>>)
      %run_scoped3A = arith.constant 1 : i32
      "tpu.region"() ({
        %run_scoped3A_164 = tpu.sem_alloc : memref<!tpu.dma_semaphore, #tpu.memory_space<semaphore_mem>>
        %dma_start3A_165 = arith.constant 0 : i32
        %dma_start3A_166 = tpu.memref_slice %arg5[%run_scoped3A, %dma_start3A_165] : memref<2x128xi32, #tpu.memory_space<vmem>> -> memref<1x128xi32, #tpu.memory_space<vmem>>
        %dma_start3A_167 = tpu.memref_squeeze %dma_start3A_166 : memref<1x128xi32, #tpu.memory_space<vmem>> -> memref<128xi32, #tpu.memory_space<vmem>>
        %dma_start3A_168 = arith.constant 0 : i32
        %dma_start3A_169 = arith.constant 0 : i32
        %dma_start3A_170 = tpu.memref_slice %arg15[%dma_start3A_168, %dma_start3A_169] : memref<10240x128xf32, #tpu.memory_space<vmem_shared>> -> memref<10240x128xf32, #tpu.memory_space<vmem_shared>>
        tpu.enqueue_indirect_dma source(%arg9 : memref<128x128xf32, #tpu.memory_space<vmem>>) target(%dma_start3A_170 : memref<10240x128xf32, #tpu.memory_space<vmem_shared>>) offsets(%dma_start3A_167 : memref<128xi32, #tpu.memory_space<vmem>>) semaphore(%run_scoped3A_164 : memref<!tpu.dma_semaphore, #tpu.memory_space<semaphore_mem>>) {add = true}
        %dma_wait3A_171 = arith.constant 0 : i32
        %dma_wait3A_172 = tpu.memref_slice %arg5[%run_scoped3A, %dma_wait3A_171] : memref<2x128xi32, #tpu.memory_space<vmem>> -> memref<1x128xi32, #tpu.memory_space<vmem>>
        %dma_wait3A_173 = tpu.memref_squeeze %dma_wait3A_172 : memref<1x128xi32, #tpu.memory_space<vmem>> -> memref<128xi32, #tpu.memory_space<vmem>>
        %dma_wait3A_174 = arith.constant 0 : i32
        %dma_wait3A_175 = arith.constant 0 : i32
        %dma_wait3A_176 = tpu.memref_slice %arg15[%dma_wait3A_174, %dma_wait3A_175] : memref<10240x128xf32, #tpu.memory_space<vmem_shared>> -> memref<10240x128xf32, #tpu.memory_space<vmem_shared>>
        tpu.wait_indirect_dma semaphore(%run_scoped3A_164 : memref<!tpu.dma_semaphore, #tpu.memory_space<semaphore_mem>>) src(%arg9 : memref<128x128xf32, #tpu.memory_space<vmem>>) dst(%dma_wait3A_176 : memref<10240x128xf32, #tpu.memory_space<vmem_shared>>)
        tpu.yield
      }) : () -> ()
      %dma_wait3A_101 = arith.constant 0 : i32
      %dma_wait3A_102 = arith.constant 0 : i32
      %dma_wait3A_103 = tpu.memref_slice %arg3[%dma_wait3A_101, %dma_wait3A_102] : memref<2x320000xi32, #tpu.memory_space<hbm>> -> memref<2x128xi32, #tpu.memory_space<hbm>>
      %dma_wait3A_104 = arith.constant 0 : i32
      %dma_wait3A_105 = arith.constant 0 : i32
      %dma_wait3A_106 = tpu.memref_slice %arg3[%dma_wait3A_104, %dma_wait3A_105] : memref<2x320000xi32, #tpu.memory_space<hbm>> -> memref<2x128xi32, #tpu.memory_space<hbm>>
      tpu.wait_dma2 semaphore(%arg14 : memref<!tpu.dma_semaphore, #tpu.memory_space<semaphore_mem>>) src(%dma_wait3A_106 : memref<2x128xi32, #tpu.memory_space<hbm>>) dst(%arg7 : memref<2x128xi32, #tpu.memory_space<vmem>>)
      %dma_wait3A_107 = arith.constant 0 : i32
      %dma_wait3A_108 = arith.constant 0 : i32
      %dma_wait3A_109 = tpu.memref_slice %arg3[%dma_wait3A_107, %dma_wait3A_108] : memref<2x320000xi32, #tpu.memory_space<hbm>> -> memref<2x128xi32, #tpu.memory_space<hbm>>
      %dma_wait3A_110 = arith.constant 0 : i32
      %dma_wait3A_111 = arith.constant 0 : i32
      %dma_wait3A_112 = tpu.memref_slice %arg3[%dma_wait3A_110, %dma_wait3A_111] : memref<2x320000xi32, #tpu.memory_space<hbm>> -> memref<2x128xi32, #tpu.memory_space<hbm>>
      tpu.wait_dma2 semaphore(%arg14 : memref<!tpu.dma_semaphore, #tpu.memory_space<semaphore_mem>>) src(%dma_wait3A_112 : memref<2x128xi32, #tpu.memory_space<hbm>>) dst(%arg8 : memref<2x128xi32, #tpu.memory_space<vmem>>)
      %dma_start3A_113 = arith.constant 0 : i32
      %dma_start3A_114 = arith.constant 0 : i32
      %dma_start3A_115 = tpu.memref_slice %arg7[%dma_start3A_113, %dma_start3A_114] : memref<2x128xi32, #tpu.memory_space<vmem>> -> memref<1x128xi32, #tpu.memory_space<vmem>>
      %dma_start3A_116 = tpu.memref_squeeze %dma_start3A_115 : memref<1x128xi32, #tpu.memory_space<vmem>> -> memref<128xi32, #tpu.memory_space<vmem>>
      %dma_start3A_117 = arith.constant 0 : i32
      %dma_start3A_118 = arith.constant 0 : i32
      %dma_start3A_119 = tpu.memref_slice %arg2[%dma_start3A_117, %dma_start3A_118] : memref<10000x128xf32, #tpu.memory_space<hbm>> -> memref<10000x128xf32, #tpu.memory_space<hbm>>
      tpu.enqueue_indirect_dma source(%dma_start3A_119 : memref<10000x128xf32, #tpu.memory_space<hbm>>) target(%arg9 : memref<128x128xf32, #tpu.memory_space<vmem>>) offsets(%dma_start3A_116 : memref<128xi32, #tpu.memory_space<vmem>>) semaphore(%arg12 : memref<!tpu.dma_semaphore, #tpu.memory_space<semaphore_mem>>)
      %dma_wait3A_120 = arith.constant 0 : i32
      %dma_wait3A_121 = arith.constant 0 : i32
      %dma_wait3A_122 = tpu.memref_slice %arg6[%dma_wait3A_120, %dma_wait3A_121] : memref<2x128xi32, #tpu.memory_space<vmem>> -> memref<1x128xi32, #tpu.memory_space<vmem>>
      %dma_wait3A_123 = tpu.memref_squeeze %dma_wait3A_122 : memref<1x128xi32, #tpu.memory_space<vmem>> -> memref<128xi32, #tpu.memory_space<vmem>>
      %dma_wait3A_124 = arith.constant 0 : i32
      %dma_wait3A_125 = arith.constant 0 : i32
      %dma_wait3A_126 = tpu.memref_slice %arg2[%dma_wait3A_124, %dma_wait3A_125] : memref<10000x128xf32, #tpu.memory_space<hbm>> -> memref<10000x128xf32, #tpu.memory_space<hbm>>
      tpu.wait_indirect_dma semaphore(%arg13 : memref<!tpu.dma_semaphore, #tpu.memory_space<semaphore_mem>>) src(%dma_wait3A_126 : memref<10000x128xf32, #tpu.memory_space<hbm>>) dst(%arg10 : memref<128x128xf32, #tpu.memory_space<vmem>>)
      %run_scoped3A_127 = arith.constant 1 : i32
      "tpu.region"() ({
        %run_scoped3A_164 = tpu.sem_alloc : memref<!tpu.dma_semaphore, #tpu.memory_space<semaphore_mem>>
        %dma_start3A_165 = arith.constant 0 : i32
        %dma_start3A_166 = tpu.memref_slice %arg6[%run_scoped3A_127, %dma_start3A_165] : memref<2x128xi32, #tpu.memory_space<vmem>> -> memref<1x128xi32, #tpu.memory_space<vmem>>
        %dma_start3A_167 = tpu.memref_squeeze %dma_start3A_166 : memref<1x128xi32, #tpu.memory_space<vmem>> -> memref<128xi32, #tpu.memory_space<vmem>>
        %dma_start3A_168 = arith.constant 0 : i32
        %dma_start3A_169 = arith.constant 0 : i32
        %dma_start3A_170 = tpu.memref_slice %arg15[%dma_start3A_168, %dma_start3A_169] : memref<10240x128xf32, #tpu.memory_space<vmem_shared>> -> memref<10240x128xf32, #tpu.memory_space<vmem_shared>>
        tpu.enqueue_indirect_dma source(%arg10 : memref<128x128xf32, #tpu.memory_space<vmem>>) target(%dma_start3A_170 : memref<10240x128xf32, #tpu.memory_space<vmem_shared>>) offsets(%dma_start3A_167 : memref<128xi32, #tpu.memory_space<vmem>>) semaphore(%run_scoped3A_164 : memref<!tpu.dma_semaphore, #tpu.memory_space<semaphore_mem>>) {add = true}
        %dma_wait3A_171 = arith.constant 0 : i32
        %dma_wait3A_172 = tpu.memref_slice %arg6[%run_scoped3A_127, %dma_wait3A_171] : memref<2x128xi32, #tpu.memory_space<vmem>> -> memref<1x128xi32, #tpu.memory_space<vmem>>
        %dma_wait3A_173 = tpu.memref_squeeze %dma_wait3A_172 : memref<1x128xi32, #tpu.memory_space<vmem>> -> memref<128xi32, #tpu.memory_space<vmem>>
        %dma_wait3A_174 = arith.constant 0 : i32
        %dma_wait3A_175 = arith.constant 0 : i32
        %dma_wait3A_176 = tpu.memref_slice %arg15[%dma_wait3A_174, %dma_wait3A_175] : memref<10240x128xf32, #tpu.memory_space<vmem_shared>> -> memref<10240x128xf32, #tpu.memory_space<vmem_shared>>
        tpu.wait_indirect_dma semaphore(%run_scoped3A_164 : memref<!tpu.dma_semaphore, #tpu.memory_space<semaphore_mem>>) src(%arg10 : memref<128x128xf32, #tpu.memory_space<vmem>>) dst(%dma_wait3A_176 : memref<10240x128xf32, #tpu.memory_space<vmem_shared>>)
        tpu.yield
      }) : () -> ()
      %lt3A = arith.constant 18 : i32
      %lt3A_128 = arith.cmpi slt, %scan3A_82, %lt3A : i32
      %convert_element_type3A = arith.extui %lt3A_128 : i1 to i32
      %cond3A = arith.constant 0 : i32
      %cond3A_129 = arith.cmpi ne, %convert_element_type3A, %cond3A : i32
      scf.if %cond3A_129 {
        %add3A_164 = arith.constant 4 : i32
        %add3A_165 = arith.addi %add3A_86, %add3A_164 : i32
        %mul3A_166 = arith.constant 128 : i32
        %mul3A_167 = arith.muli %add3A_165, %mul3A_166 : i32
        %dma_start3A_168 = arith.constant 0 : i32
        %dma_start3A_169 = tpu.memref_slice %arg3[%dma_start3A_168, %mul3A_167] : memref<2x320000xi32, #tpu.memory_space<hbm>> -> memref<2x128xi32, #tpu.memory_space<hbm>>
        %dma_start3A_170 = arith.constant 0 : i32
        %dma_start3A_171 = tpu.memref_slice %arg3[%dma_start3A_170, %mul3A_167] : memref<2x320000xi32, #tpu.memory_space<hbm>> -> memref<2x128xi32, #tpu.memory_space<hbm>>
        tpu.enqueue_dma source(%dma_start3A_171 : memref<2x128xi32, #tpu.memory_space<hbm>>) target(%arg5 : memref<2x128xi32, #tpu.memory_space<vmem>>) target_semaphore(%arg14 : memref<!tpu.dma_semaphore, #tpu.memory_space<semaphore_mem>>)
        %add3A_172 = arith.constant 5 : i32
        %add3A_173 = arith.addi %add3A_86, %add3A_172 : i32
        %mul3A_174 = arith.constant 128 : i32
        %mul3A_175 = arith.muli %add3A_173, %mul3A_174 : i32
        %dma_start3A_176 = arith.constant 0 : i32
        %dma_start3A_177 = tpu.memref_slice %arg3[%dma_start3A_176, %mul3A_175] : memref<2x320000xi32, #tpu.memory_space<hbm>> -> memref<2x128xi32, #tpu.memory_space<hbm>>
        %dma_start3A_178 = arith.constant 0 : i32
        %dma_start3A_179 = tpu.memref_slice %arg3[%dma_start3A_178, %mul3A_175] : memref<2x320000xi32, #tpu.memory_space<hbm>> -> memref<2x128xi32, #tpu.memory_space<hbm>>
        tpu.enqueue_dma source(%dma_start3A_179 : memref<2x128xi32, #tpu.memory_space<hbm>>) target(%arg6 : memref<2x128xi32, #tpu.memory_space<vmem>>) target_semaphore(%arg14 : memref<!tpu.dma_semaphore, #tpu.memory_space<semaphore_mem>>)
      } else {
      }
      %dma_start3A_130 = arith.constant 0 : i32
      %dma_start3A_131 = arith.constant 0 : i32
      %dma_start3A_132 = tpu.memref_slice %arg8[%dma_start3A_130, %dma_start3A_131] : memref<2x128xi32, #tpu.memory_space<vmem>> -> memref<1x128xi32, #tpu.memory_space<vmem>>
      %dma_start3A_133 = tpu.memref_squeeze %dma_start3A_132 : memref<1x128xi32, #tpu.memory_space<vmem>> -> memref<128xi32, #tpu.memory_space<vmem>>
      %dma_start3A_134 = arith.constant 0 : i32
      %dma_start3A_135 = arith.constant 0 : i32
      %dma_start3A_136 = tpu.memref_slice %arg2[%dma_start3A_134, %dma_start3A_135] : memref<10000x128xf32, #tpu.memory_space<hbm>> -> memref<10000x128xf32, #tpu.memory_space<hbm>>
      tpu.enqueue_indirect_dma source(%dma_start3A_136 : memref<10000x128xf32, #tpu.memory_space<hbm>>) target(%arg10 : memref<128x128xf32, #tpu.memory_space<vmem>>) offsets(%dma_start3A_133 : memref<128xi32, #tpu.memory_space<vmem>>) semaphore(%arg13 : memref<!tpu.dma_semaphore, #tpu.memory_space<semaphore_mem>>)
      %dma_wait3A_137 = arith.constant 0 : i32
      %dma_wait3A_138 = arith.constant 0 : i32
      %dma_wait3A_139 = tpu.memref_slice %arg8[%dma_wait3A_137, %dma_wait3A_138] : memref<2x128xi32, #tpu.memory_space<vmem>> -> memref<1x128xi32, #tpu.memory_space<vmem>>
      %dma_wait3A_140 = tpu.memref_squeeze %dma_wait3A_139 : memref<1x128xi32, #tpu.memory_space<vmem>> -> memref<128xi32, #tpu.memory_space<vmem>>
      %dma_wait3A_141 = arith.constant 0 : i32
      %dma_wait3A_142 = arith.constant 0 : i32
      %dma_wait3A_143 = tpu.memref_slice %arg2[%dma_wait3A_141, %dma_wait3A_142] : memref<10000x128xf32, #tpu.memory_space<hbm>> -> memref<10000x128xf32, #tpu.memory_space<hbm>>
      tpu.wait_indirect_dma semaphore(%arg12 : memref<!tpu.dma_semaphore, #tpu.memory_space<semaphore_mem>>) src(%dma_wait3A_143 : memref<10000x128xf32, #tpu.memory_space<hbm>>) dst(%arg9 : memref<128x128xf32, #tpu.memory_space<vmem>>)
      %run_scoped3A_144 = arith.constant 1 : i32
      "tpu.region"() ({
        %run_scoped3A_164 = tpu.sem_alloc : memref<!tpu.dma_semaphore, #tpu.memory_space<semaphore_mem>>
        %dma_start3A_165 = arith.constant 0 : i32
        %dma_start3A_166 = tpu.memref_slice %arg7[%run_scoped3A_144, %dma_start3A_165] : memref<2x128xi32, #tpu.memory_space<vmem>> -> memref<1x128xi32, #tpu.memory_space<vmem>>
        %dma_start3A_167 = tpu.memref_squeeze %dma_start3A_166 : memref<1x128xi32, #tpu.memory_space<vmem>> -> memref<128xi32, #tpu.memory_space<vmem>>
        %dma_start3A_168 = arith.constant 0 : i32
        %dma_start3A_169 = arith.constant 0 : i32
        %dma_start3A_170 = tpu.memref_slice %arg15[%dma_start3A_168, %dma_start3A_169] : memref<10240x128xf32, #tpu.memory_space<vmem_shared>> -> memref<10240x128xf32, #tpu.memory_space<vmem_shared>>
        tpu.enqueue_indirect_dma source(%arg9 : memref<128x128xf32, #tpu.memory_space<vmem>>) target(%dma_start3A_170 : memref<10240x128xf32, #tpu.memory_space<vmem_shared>>) offsets(%dma_start3A_167 : memref<128xi32, #tpu.memory_space<vmem>>) semaphore(%run_scoped3A_164 : memref<!tpu.dma_semaphore, #tpu.memory_space<semaphore_mem>>) {add = true}
        %dma_wait3A_171 = arith.constant 0 : i32
        %dma_wait3A_172 = tpu.memref_slice %arg7[%run_scoped3A_144, %dma_wait3A_171] : memref<2x128xi32, #tpu.memory_space<vmem>> -> memref<1x128xi32, #tpu.memory_space<vmem>>
        %dma_wait3A_173 = tpu.memref_squeeze %dma_wait3A_172 : memref<1x128xi32, #tpu.memory_space<vmem>> -> memref<128xi32, #tpu.memory_space<vmem>>
        %dma_wait3A_174 = arith.constant 0 : i32
        %dma_wait3A_175 = arith.constant 0 : i32
        %dma_wait3A_176 = tpu.memref_slice %arg15[%dma_wait3A_174, %dma_wait3A_175] : memref<10240x128xf32, #tpu.memory_space<vmem_shared>> -> memref<10240x128xf32, #tpu.memory_space<vmem_shared>>
        tpu.wait_indirect_dma semaphore(%run_scoped3A_164 : memref<!tpu.dma_semaphore, #tpu.memory_space<semaphore_mem>>) src(%arg9 : memref<128x128xf32, #tpu.memory_space<vmem>>) dst(%dma_wait3A_176 : memref<10240x128xf32, #tpu.memory_space<vmem_shared>>)
        tpu.yield
      }) : () -> ()
      %lt3A_145 = arith.constant 18 : i32
      %lt3A_146 = arith.cmpi slt, %scan3A_82, %lt3A_145 : i32
      %convert_element_type3A_147 = arith.extui %lt3A_146 : i1 to i32
      %cond3A_148 = arith.constant 0 : i32
      %cond3A_149 = arith.cmpi ne, %convert_element_type3A_147, %cond3A_148 : i32
      scf.if %cond3A_149 {
        %dma_wait3A_164 = arith.constant 0 : i32
        %dma_wait3A_165 = arith.constant 0 : i32
        %dma_wait3A_166 = tpu.memref_slice %arg3[%dma_wait3A_164, %dma_wait3A_165] : memref<2x320000xi32, #tpu.memory_space<hbm>> -> memref<2x128xi32, #tpu.memory_space<hbm>>
        %dma_wait3A_167 = arith.constant 0 : i32
        %dma_wait3A_168 = arith.constant 0 : i32
        %dma_wait3A_169 = tpu.memref_slice %arg3[%dma_wait3A_167, %dma_wait3A_168] : memref<2x320000xi32, #tpu.memory_space<hbm>> -> memref<2x128xi32, #tpu.memory_space<hbm>>
        tpu.wait_dma2 semaphore(%arg14 : memref<!tpu.dma_semaphore, #tpu.memory_space<semaphore_mem>>) src(%dma_wait3A_169 : memref<2x128xi32, #tpu.memory_space<hbm>>) dst(%arg5 : memref<2x128xi32, #tpu.memory_space<vmem>>)
        %dma_wait3A_170 = arith.constant 0 : i32
        %dma_wait3A_171 = arith.constant 0 : i32
        %dma_wait3A_172 = tpu.memref_slice %arg3[%dma_wait3A_170, %dma_wait3A_171] : memref<2x320000xi32, #tpu.memory_space<hbm>> -> memref<2x128xi32, #tpu.memory_space<hbm>>
        %dma_wait3A_173 = arith.constant 0 : i32
        %dma_wait3A_174 = arith.constant 0 : i32
        %dma_wait3A_175 = tpu.memref_slice %arg3[%dma_wait3A_173, %dma_wait3A_174] : memref<2x320000xi32, #tpu.memory_space<hbm>> -> memref<2x128xi32, #tpu.memory_space<hbm>>
        tpu.wait_dma2 semaphore(%arg14 : memref<!tpu.dma_semaphore, #tpu.memory_space<semaphore_mem>>) src(%dma_wait3A_175 : memref<2x128xi32, #tpu.memory_space<hbm>>) dst(%arg6 : memref<2x128xi32, #tpu.memory_space<vmem>>)
        %dma_start3A_176 = arith.constant 0 : i32
        %dma_start3A_177 = arith.constant 0 : i32
        %dma_start3A_178 = tpu.memref_slice %arg5[%dma_start3A_176, %dma_start3A_177] : memref<2x128xi32, #tpu.memory_space<vmem>> -> memref<1x128xi32, #tpu.memory_space<vmem>>
        %dma_start3A_179 = tpu.memref_squeeze %dma_start3A_178 : memref<1x128xi32, #tpu.memory_space<vmem>> -> memref<128xi32, #tpu.memory_space<vmem>>
        %dma_start3A_180 = arith.constant 0 : i32
        %dma_start3A_181 = arith.constant 0 : i32
        %dma_start3A_182 = tpu.memref_slice %arg2[%dma_start3A_180, %dma_start3A_181] : memref<10000x128xf32, #tpu.memory_space<hbm>> -> memref<10000x128xf32, #tpu.memory_space<hbm>>
        tpu.enqueue_indirect_dma source(%dma_start3A_182 : memref<10000x128xf32, #tpu.memory_space<hbm>>) target(%arg9 : memref<128x128xf32, #tpu.memory_space<vmem>>) offsets(%dma_start3A_179 : memref<128xi32, #tpu.memory_space<vmem>>) semaphore(%arg12 : memref<!tpu.dma_semaphore, #tpu.memory_space<semaphore_mem>>)
      } else {
      }
      %dma_wait3A_150 = arith.constant 0 : i32
      %dma_wait3A_151 = arith.constant 0 : i32
      %dma_wait3A_152 = tpu.memref_slice %arg8[%dma_wait3A_150, %dma_wait3A_151] : memref<2x128xi32, #tpu.memory_space<vmem>> -> memref<1x128xi32, #tpu.memory_space<vmem>>
      %dma_wait3A_153 = tpu.memref_squeeze %dma_wait3A_152 : memref<1x128xi32, #tpu.memory_space<vmem>> -> memref<128xi32, #tpu.memory_space<vmem>>
      %dma_wait3A_154 = arith.constant 0 : i32
      %dma_wait3A_155 = arith.constant 0 : i32
      %dma_wait3A_156 = tpu.memref_slice %arg2[%dma_wait3A_154, %dma_wait3A_155] : memref<10000x128xf32, #tpu.memory_space<hbm>> -> memref<10000x128xf32, #tpu.memory_space<hbm>>
      tpu.wait_indirect_dma semaphore(%arg13 : memref<!tpu.dma_semaphore, #tpu.memory_space<semaphore_mem>>) src(%dma_wait3A_156 : memref<10000x128xf32, #tpu.memory_space<hbm>>) dst(%arg10 : memref<128x128xf32, #tpu.memory_space<vmem>>)
      %run_scoped3A_157 = arith.constant 1 : i32
      "tpu.region"() ({
        %run_scoped3A_164 = tpu.sem_alloc : memref<!tpu.dma_semaphore, #tpu.memory_space<semaphore_mem>>
        %dma_start3A_165 = arith.constant 0 : i32
        %dma_start3A_166 = tpu.memref_slice %arg8[%run_scoped3A_157, %dma_start3A_165] : memref<2x128xi32, #tpu.memory_space<vmem>> -> memref<1x128xi32, #tpu.memory_space<vmem>>
        %dma_start3A_167 = tpu.memref_squeeze %dma_start3A_166 : memref<1x128xi32, #tpu.memory_space<vmem>> -> memref<128xi32, #tpu.memory_space<vmem>>
        %dma_start3A_168 = arith.constant 0 : i32
        %dma_start3A_169 = arith.constant 0 : i32
        %dma_start3A_170 = tpu.memref_slice %arg15[%dma_start3A_168, %dma_start3A_169] : memref<10240x128xf32, #tpu.memory_space<vmem_shared>> -> memref<10240x128xf32, #tpu.memory_space<vmem_shared>>
        tpu.enqueue_indirect_dma source(%arg10 : memref<128x128xf32, #tpu.memory_space<vmem>>) target(%dma_start3A_170 : memref<10240x128xf32, #tpu.memory_space<vmem_shared>>) offsets(%dma_start3A_167 : memref<128xi32, #tpu.memory_space<vmem>>) semaphore(%run_scoped3A_164 : memref<!tpu.dma_semaphore, #tpu.memory_space<semaphore_mem>>) {add = true}
        %dma_wait3A_171 = arith.constant 0 : i32
        %dma_wait3A_172 = tpu.memref_slice %arg8[%run_scoped3A_157, %dma_wait3A_171] : memref<2x128xi32, #tpu.memory_space<vmem>> -> memref<1x128xi32, #tpu.memory_space<vmem>>
        %dma_wait3A_173 = tpu.memref_squeeze %dma_wait3A_172 : memref<1x128xi32, #tpu.memory_space<vmem>> -> memref<128xi32, #tpu.memory_space<vmem>>
        %dma_wait3A_174 = arith.constant 0 : i32
        %dma_wait3A_175 = arith.constant 0 : i32
        %dma_wait3A_176 = tpu.memref_slice %arg15[%dma_wait3A_174, %dma_wait3A_175] : memref<10240x128xf32, #tpu.memory_space<vmem_shared>> -> memref<10240x128xf32, #tpu.memory_space<vmem_shared>>
        tpu.wait_indirect_dma semaphore(%run_scoped3A_164 : memref<!tpu.dma_semaphore, #tpu.memory_space<semaphore_mem>>) src(%arg10 : memref<128x128xf32, #tpu.memory_space<vmem>>) dst(%dma_wait3A_176 : memref<10240x128xf32, #tpu.memory_space<vmem_shared>>)
        tpu.yield
      }) : () -> ()
      %lt3A_158 = arith.constant 18 : i32
      %lt3A_159 = arith.cmpi slt, %scan3A_82, %lt3A_158 : i32
      %convert_element_type3A_160 = arith.extui %lt3A_159 : i1 to i32
      %cond3A_161 = arith.constant 0 : i32
      %cond3A_162 = arith.cmpi ne, %convert_element_type3A_160, %cond3A_161 : i32
      scf.if %cond3A_162 {
        %add3A_164 = arith.constant 6 : i32
        %add3A_165 = arith.addi %add3A_86, %add3A_164 : i32
        %mul3A_166 = arith.constant 128 : i32
        %mul3A_167 = arith.muli %add3A_165, %mul3A_166 : i32
        %dma_start3A_168 = arith.constant 0 : i32
        %dma_start3A_169 = tpu.memref_slice %arg3[%dma_start3A_168, %mul3A_167] : memref<2x320000xi32, #tpu.memory_space<hbm>> -> memref<2x128xi32, #tpu.memory_space<hbm>>
        %dma_start3A_170 = arith.constant 0 : i32
        %dma_start3A_171 = tpu.memref_slice %arg3[%dma_start3A_170, %mul3A_167] : memref<2x320000xi32, #tpu.memory_space<hbm>> -> memref<2x128xi32, #tpu.memory_space<hbm>>
        tpu.enqueue_dma source(%dma_start3A_171 : memref<2x128xi32, #tpu.memory_space<hbm>>) target(%arg7 : memref<2x128xi32, #tpu.memory_space<vmem>>) target_semaphore(%arg14 : memref<!tpu.dma_semaphore, #tpu.memory_space<semaphore_mem>>)
        %add3A_172 = arith.constant 7 : i32
        %add3A_173 = arith.addi %add3A_86, %add3A_172 : i32
        %mul3A_174 = arith.constant 128 : i32
        %mul3A_175 = arith.muli %add3A_173, %mul3A_174 : i32
        %dma_start3A_176 = arith.constant 0 : i32
        %dma_start3A_177 = tpu.memref_slice %arg3[%dma_start3A_176, %mul3A_175] : memref<2x320000xi32, #tpu.memory_space<hbm>> -> memref<2x128xi32, #tpu.memory_space<hbm>>
        %dma_start3A_178 = arith.constant 0 : i32
        %dma_start3A_179 = tpu.memref_slice %arg3[%dma_start3A_178, %mul3A_175] : memref<2x320000xi32, #tpu.memory_space<hbm>> -> memref<2x128xi32, #tpu.memory_space<hbm>>
        tpu.enqueue_dma source(%dma_start3A_179 : memref<2x128xi32, #tpu.memory_space<hbm>>) target(%arg8 : memref<2x128xi32, #tpu.memory_space<vmem>>) target_semaphore(%arg14 : memref<!tpu.dma_semaphore, #tpu.memory_space<semaphore_mem>>)
      } else {
      }
      %scan3A_163 = arith.constant 0 : i32
      scf.yield %scan3A_163 : i32
    }
    %scan3A_69 = arith.constant 19 : i32
    %scan3A_70 = arith.constant 0 : i32
    %scan3A_71 = arith.constant 0 : i32
    %scan3A_72 = arith.constant 3 : i32
    %scan3A_73 = arith.addi %scan3A_71, %scan3A_72 : i32
    %scan3A_74 = arith.constant 1 : i32
    %scan3A_75 = scf.for %scan3A_82 = %scan3A_71 to %scan3A_73 step %scan3A_74 iter_args(%scan3A_83 = %scan3A_70) -> (i32)  : i32 {
      %add3A_84 = arith.constant 2432 : i32
      %add3A_85 = arith.addi %add3A_84, %add3A : i32
      %mul3A_86 = arith.constant 32 : i32
      %mul3A_87 = arith.muli %mul3A_86, %scan3A_82 : i32
      %add3A_88 = arith.addi %add3A_85, %mul3A_87 : i32
      %lt3A = arith.constant 2500 : i32
      %lt3A_89 = arith.cmpi slt, %add3A_88, %lt3A : i32
      %convert_element_type3A = arith.extui %lt3A_89 : i1 to i32
      %cond3A = arith.constant 0 : i32
      %cond3A_90 = arith.cmpi ne, %convert_element_type3A, %cond3A : i32
      scf.if %cond3A_90 {
        %mul3A_92 = arith.constant 128 : i32
        %mul3A_93 = arith.muli %add3A_88, %mul3A_92 : i32
        %dma_start3A_94 = arith.constant 0 : i32
        %dma_start3A_95 = tpu.memref_slice %arg3[%dma_start3A_94, %mul3A_93] : memref<2x320000xi32, #tpu.memory_space<hbm>> -> memref<2x128xi32, #tpu.memory_space<hbm>>
        %dma_start3A_96 = arith.constant 0 : i32
        %dma_start3A_97 = tpu.memref_slice %arg3[%dma_start3A_96, %mul3A_93] : memref<2x320000xi32, #tpu.memory_space<hbm>> -> memref<2x128xi32, #tpu.memory_space<hbm>>
        tpu.enqueue_dma source(%dma_start3A_97 : memref<2x128xi32, #tpu.memory_space<hbm>>) target(%arg5 : memref<2x128xi32, #tpu.memory_space<vmem>>) target_semaphore(%arg14 : memref<!tpu.dma_semaphore, #tpu.memory_space<semaphore_mem>>)
        %dma_wait3A_98 = arith.constant 0 : i32
        %dma_wait3A_99 = arith.constant 0 : i32
        %dma_wait3A_100 = tpu.memref_slice %arg3[%dma_wait3A_98, %dma_wait3A_99] : memref<2x320000xi32, #tpu.memory_space<hbm>> -> memref<2x128xi32, #tpu.memory_space<hbm>>
        %dma_wait3A_101 = arith.constant 0 : i32
        %dma_wait3A_102 = arith.constant 0 : i32
        %dma_wait3A_103 = tpu.memref_slice %arg3[%dma_wait3A_101, %dma_wait3A_102] : memref<2x320000xi32, #tpu.memory_space<hbm>> -> memref<2x128xi32, #tpu.memory_space<hbm>>
        tpu.wait_dma2 semaphore(%arg14 : memref<!tpu.dma_semaphore, #tpu.memory_space<semaphore_mem>>) src(%dma_wait3A_103 : memref<2x128xi32, #tpu.memory_space<hbm>>) dst(%arg5 : memref<2x128xi32, #tpu.memory_space<vmem>>)
        %dma_start3A_104 = arith.constant 0 : i32
        %dma_start3A_105 = arith.constant 0 : i32
        %dma_start3A_106 = tpu.memref_slice %arg5[%dma_start3A_104, %dma_start3A_105] : memref<2x128xi32, #tpu.memory_space<vmem>> -> memref<1x128xi32, #tpu.memory_space<vmem>>
        %dma_start3A_107 = tpu.memref_squeeze %dma_start3A_106 : memref<1x128xi32, #tpu.memory_space<vmem>> -> memref<128xi32, #tpu.memory_space<vmem>>
        %dma_start3A_108 = arith.constant 0 : i32
        %dma_start3A_109 = arith.constant 0 : i32
        %dma_start3A_110 = tpu.memref_slice %arg2[%dma_start3A_108, %dma_start3A_109] : memref<10000x128xf32, #tpu.memory_space<hbm>> -> memref<10000x128xf32, #tpu.memory_space<hbm>>
        tpu.enqueue_indirect_dma source(%dma_start3A_110 : memref<10000x128xf32, #tpu.memory_space<hbm>>) target(%arg9 : memref<128x128xf32, #tpu.memory_space<vmem>>) offsets(%dma_start3A_107 : memref<128xi32, #tpu.memory_space<vmem>>) semaphore(%arg12 : memref<!tpu.dma_semaphore, #tpu.memory_space<semaphore_mem>>)
        %dma_wait3A_111 = arith.constant 0 : i32
        %dma_wait3A_112 = arith.constant 0 : i32
        %dma_wait3A_113 = tpu.memref_slice %arg5[%dma_wait3A_111, %dma_wait3A_112] : memref<2x128xi32, #tpu.memory_space<vmem>> -> memref<1x128xi32, #tpu.memory_space<vmem>>
        %dma_wait3A_114 = tpu.memref_squeeze %dma_wait3A_113 : memref<1x128xi32, #tpu.memory_space<vmem>> -> memref<128xi32, #tpu.memory_space<vmem>>
        %dma_wait3A_115 = arith.constant 0 : i32
        %dma_wait3A_116 = arith.constant 0 : i32
        %dma_wait3A_117 = tpu.memref_slice %arg2[%dma_wait3A_115, %dma_wait3A_116] : memref<10000x128xf32, #tpu.memory_space<hbm>> -> memref<10000x128xf32, #tpu.memory_space<hbm>>
        tpu.wait_indirect_dma semaphore(%arg12 : memref<!tpu.dma_semaphore, #tpu.memory_space<semaphore_mem>>) src(%dma_wait3A_117 : memref<10000x128xf32, #tpu.memory_space<hbm>>) dst(%arg9 : memref<128x128xf32, #tpu.memory_space<vmem>>)
        %run_scoped3A = arith.constant 1 : i32
        "tpu.region"() ({
          %run_scoped3A_118 = tpu.sem_alloc : memref<!tpu.dma_semaphore, #tpu.memory_space<semaphore_mem>>
          %dma_start3A_119 = arith.constant 0 : i32
          %dma_start3A_120 = tpu.memref_slice %arg5[%run_scoped3A, %dma_start3A_119] : memref<2x128xi32, #tpu.memory_space<vmem>> -> memref<1x128xi32, #tpu.memory_space<vmem>>
          %dma_start3A_121 = tpu.memref_squeeze %dma_start3A_120 : memref<1x128xi32, #tpu.memory_space<vmem>> -> memref<128xi32, #tpu.memory_space<vmem>>
          %dma_start3A_122 = arith.constant 0 : i32
          %dma_start3A_123 = arith.constant 0 : i32
          %dma_start3A_124 = tpu.memref_slice %arg15[%dma_start3A_122, %dma_start3A_123] : memref<10240x128xf32, #tpu.memory_space<vmem_shared>> -> memref<10240x128xf32, #tpu.memory_space<vmem_shared>>
          tpu.enqueue_indirect_dma source(%arg9 : memref<128x128xf32, #tpu.memory_space<vmem>>) target(%dma_start3A_124 : memref<10240x128xf32, #tpu.memory_space<vmem_shared>>) offsets(%dma_start3A_121 : memref<128xi32, #tpu.memory_space<vmem>>) semaphore(%run_scoped3A_118 : memref<!tpu.dma_semaphore, #tpu.memory_space<semaphore_mem>>) {add = true}
          %dma_wait3A_125 = arith.constant 0 : i32
          %dma_wait3A_126 = tpu.memref_slice %arg5[%run_scoped3A, %dma_wait3A_125] : memref<2x128xi32, #tpu.memory_space<vmem>> -> memref<1x128xi32, #tpu.memory_space<vmem>>
          %dma_wait3A_127 = tpu.memref_squeeze %dma_wait3A_126 : memref<1x128xi32, #tpu.memory_space<vmem>> -> memref<128xi32, #tpu.memory_space<vmem>>
          %dma_wait3A_128 = arith.constant 0 : i32
          %dma_wait3A_129 = arith.constant 0 : i32
          %dma_wait3A_130 = tpu.memref_slice %arg15[%dma_wait3A_128, %dma_wait3A_129] : memref<10240x128xf32, #tpu.memory_space<vmem_shared>> -> memref<10240x128xf32, #tpu.memory_space<vmem_shared>>
          tpu.wait_indirect_dma semaphore(%run_scoped3A_118 : memref<!tpu.dma_semaphore, #tpu.memory_space<semaphore_mem>>) src(%arg9 : memref<128x128xf32, #tpu.memory_space<vmem>>) dst(%dma_wait3A_130 : memref<10240x128xf32, #tpu.memory_space<vmem_shared>>)
          tpu.yield
        }) : () -> ()
      } else {
      }
      %scan3A_91 = arith.constant 0 : i32
      scf.yield %scan3A_91 : i32
    }
    %scan3A_76 = arith.constant 3 : i32
    %barrier3A_77 = arith.constant 0 : index
    tpu.barrier barrier_id(%barrier3A_77)
    %mul3A_78 = arith.constant 640 : i32
    %mul3A_79 = arith.muli %arg1, %mul3A_78 : i32
    %mul3A_80 = arith.constant 640 : i32
    %mul3A_81 = arith.muli %arg1, %mul3A_80 : i32
    "tpu.region"() ({
      %run_scoped3A = tpu.sem_alloc : memref<!tpu.dma_semaphore, #tpu.memory_space<semaphore_mem>>
      %dma_start3A_82 = arith.constant 0 : i32
      %dma_start3A_83 = tpu.memref_slice %arg4[%arg0, %mul3A_81, %dma_start3A_82] : memref<2x10240x128xf32, #tpu.memory_space<hbm>> -> memref<1x640x128xf32, #tpu.memory_space<hbm>>
      %dma_start3A_84 = tpu.memref_squeeze %dma_start3A_83 : memref<1x640x128xf32, #tpu.memory_space<hbm>> -> memref<640x128xf32, #tpu.memory_space<hbm>>
      %dma_start3A_85 = arith.constant 0 : i32
      %dma_start3A_86 = tpu.memref_slice %arg15[%mul3A_79, %dma_start3A_85] : memref<10240x128xf32, #tpu.memory_space<vmem_shared>> -> memref<640x128xf32, #tpu.memory_space<vmem_shared>>
      tpu.enqueue_dma source(%dma_start3A_86 : memref<640x128xf32, #tpu.memory_space<vmem_shared>>) target(%dma_start3A_84 : memref<640x128xf32, #tpu.memory_space<hbm>>) target_semaphore(%run_scoped3A : memref<!tpu.dma_semaphore, #tpu.memory_space<semaphore_mem>>)
      %dma_wait3A_87 = arith.constant 0 : i32
      %dma_wait3A_88 = tpu.memref_slice %arg4[%arg0, %mul3A_81, %dma_wait3A_87] : memref<2x10240x128xf32, #tpu.memory_space<hbm>> -> memref<1x640x128xf32, #tpu.memory_space<hbm>>
      %dma_wait3A_89 = tpu.memref_squeeze %dma_wait3A_88 : memref<1x640x128xf32, #tpu.memory_space<hbm>> -> memref<640x128xf32, #tpu.memory_space<hbm>>
      %dma_wait3A_90 = arith.constant 0 : i32
      %dma_wait3A_91 = tpu.memref_slice %arg15[%mul3A_79, %dma_wait3A_90] : memref<10240x128xf32, #tpu.memory_space<vmem_shared>> -> memref<640x128xf32, #tpu.memory_space<vmem_shared>>
      tpu.wait_dma2 semaphore(%run_scoped3A : memref<!tpu.dma_semaphore, #tpu.memory_space<semaphore_mem>>) src(%dma_wait3A_91 : memref<640x128xf32, #tpu.memory_space<vmem_shared>>) dst(%dma_wait3A_89 : memref<640x128xf32, #tpu.memory_space<hbm>>)
      tpu.yield
    }) : () -> ()
    return
  }
}

#map = affine_map<(d0, d1) -> (0, 0)>
#map1 = affine_map<(d0, d1) -> (0, 0, 0)>
module attributes {stable_mosaic.version = 14 : i64} {
  func.func @_agg(%arg0: i32, %arg1: i32, %arg2: memref<10000x128xf32, #tpu.memory_space<hbm>>, %arg3: memref<2x320000xi32, #tpu.memory_space<hbm>>, %arg4: memref<2x10240x128xf32, #tpu.memory_space<hbm>>, %arg5: memref<2x128xi32, #tpu.memory_space<vmem>>, %arg6: memref<2x128xi32, #tpu.memory_space<vmem>>, %arg7: memref<2x128xi32, #tpu.memory_space<vmem>>, %arg8: memref<2x128xi32, #tpu.memory_space<vmem>>, %arg9: memref<128x128xf32, #tpu.memory_space<vmem>>, %arg10: memref<128x128xf32, #tpu.memory_space<vmem>>, %arg11: memref<32x128xf32, #tpu.memory_space<vmem>>, %arg12: memref<!tpu.dma_semaphore, #tpu.memory_space<semaphore_mem>>, %arg13: memref<!tpu.dma_semaphore, #tpu.memory_space<semaphore_mem>>, %arg14: memref<!tpu.dma_semaphore, #tpu.memory_space<semaphore_mem>>, %arg15: memref<10240x128xf32, #tpu.memory_space<vmem_shared>>) attributes {dimension_semantics = [#tpu.dimension_semantics<core_parallel>, #tpu.dimension_semantics<subcore_parallel>], iteration_bounds = array<i64: 2, 16>, scalar_prefetch = 0 : i64, scratch_operands = 11 : i64, tpu.core_type = #tpu.core_type<sc_vector_subcore>, window_params = [{transform_indices = #map}, {transform_indices = #map}, {transform_indices = #map1}]} {
    %mul3A = arith.constant 16 : i32
    %mul3A_0 = arith.muli %arg0, %mul3A : i32
    %add3A = arith.addi %mul3A_0, %arg1 : i32
    %mul3A_1 = arith.constant 76 : i32
    %mul3A_2 = arith.muli %add3A, %mul3A_1 : i32
    %mul3A_3 = arith.constant 128 : i32
    %mul3A_4 = arith.muli %mul3A_2, %mul3A_3 : i32
    %dma_start3A = arith.constant 0 : i32
    %dma_start3A_5 = tpu.memref_slice %arg3[%dma_start3A, %mul3A_4] : memref<2x320000xi32, #tpu.memory_space<hbm>> -> memref<2x128xi32, #tpu.memory_space<hbm>>
    %dma_start3A_6 = arith.constant 0 : i32
    %dma_start3A_7 = tpu.memref_slice %arg3[%dma_start3A_6, %mul3A_4] : memref<2x320000xi32, #tpu.memory_space<hbm>> -> memref<2x128xi32, #tpu.memory_space<hbm>>
    tpu.enqueue_dma source(%dma_start3A_7 : memref<2x128xi32, #tpu.memory_space<hbm>>) target(%arg5 : memref<2x128xi32, #tpu.memory_space<vmem>>) target_semaphore(%arg14 : memref<!tpu.dma_semaphore, #tpu.memory_space<semaphore_mem>>)
    %add3A_8 = arith.constant 1 : i32
    %add3A_9 = arith.addi %mul3A_2, %add3A_8 : i32
    %mul3A_10 = arith.constant 128 : i32
    %mul3A_11 = arith.muli %add3A_9, %mul3A_10 : i32
    %dma_start3A_12 = arith.constant 0 : i32
    %dma_start3A_13 = tpu.memref_slice %arg3[%dma_start3A_12, %mul3A_11] : memref<2x320000xi32, #tpu.memory_space<hbm>> -> memref<2x128xi32, #tpu.memory_space<hbm>>
    %dma_start3A_14 = arith.constant 0 : i32
    %dma_start3A_15 = tpu.memref_slice %arg3[%dma_start3A_14, %mul3A_11] : memref<2x320000xi32, #tpu.memory_space<hbm>> -> memref<2x128xi32, #tpu.memory_space<hbm>>
    tpu.enqueue_dma source(%dma_start3A_15 : memref<2x128xi32, #tpu.memory_space<hbm>>) target(%arg6 : memref<2x128xi32, #tpu.memory_space<vmem>>) target_semaphore(%arg14 : memref<!tpu.dma_semaphore, #tpu.memory_space<semaphore_mem>>)
    %scan3A = arith.constant 0 : i32
    %scan3A_16 = arith.constant 0 : i32
    %scan3A_17 = arith.constant 32 : i32
    %scan3A_18 = arith.addi %scan3A_16, %scan3A_17 : i32
    %scan3A_19 = arith.constant 1 : i32
    %scan3A_20 = scf.for %scan3A_82 = %scan3A_16 to %scan3A_18 step %scan3A_19 iter_args(%scan3A_83 = %scan3A) -> (i32)  : i32 {
      %scan3A_84 = arith.constant 0 : i32
      %scan3A_85 = arith.constant 0 : i32
      %scan3A_86 = arith.constant 8 : i32
      %scan3A_87 = arith.addi %scan3A_85, %scan3A_86 : i32
      %scan3A_88 = arith.constant 1 : i32
      %scan3A_89 = scf.for %scan3A_92 = %scan3A_85 to %scan3A_87 step %scan3A_88 iter_args(%scan3A_93 = %scan3A_84) -> (i32)  : i32 {
        %broadcast_in_dim3A = arith.constant 0.000000e+00 : f32
        %broadcast_in_dim3A_94 = vector.broadcast %broadcast_in_dim3A : f32 to vector<16xf32>
        %mul3A_95 = arith.constant 16 : i32
        %mul3A_96 = arith.muli %scan3A_92, %mul3A_95 : i32
        %swap3A = arith.index_cast %scan3A_82 : i32 to index
        %swap3A_97 = arith.index_cast %mul3A_96 : i32 to index
        %swap3A_98 = tpu.vector_load %arg11[%swap3A, %swap3A_97] {strides = array<i32>} : memref<32x128xf32, #tpu.memory_space<vmem>>, vector<1x16xf32>,
        %swap3A_99 = vector.shape_cast %swap3A_98 : vector<1x16xf32> to vector<16xf32>
        %swap3A_100 = vector.shape_cast %broadcast_in_dim3A_94 : vector<16xf32> to vector<1x16xf32>
        tpu.vector_store %arg11[%swap3A, %swap3A_97], %swap3A_100 {strides = array<i32>} : memref<32x128xf32, #tpu.memory_space<vmem>>, vector<1x16xf32>,
        %scan3A_101 = arith.constant 0 : i32
        scf.yield %scan3A_101 : i32
      }
      %scan3A_90 = arith.constant 8 : i32
      %scan3A_91 = arith.constant 0 : i32
      scf.yield %scan3A_91 : i32
    }
    %scan3A_21 = arith.constant 32 : i32
    %dma_wait3A = arith.constant 0 : i32
    %dma_wait3A_22 = arith.constant 0 : i32
    %dma_wait3A_23 = tpu.memref_slice %arg3[%dma_wait3A, %dma_wait3A_22] : memref<2x320000xi32, #tpu.memory_space<hbm>> -> memref<2x128xi32, #tpu.memory_space<hbm>>
    %dma_wait3A_24 = arith.constant 0 : i32
    %dma_wait3A_25 = arith.constant 0 : i32
    %dma_wait3A_26 = tpu.memref_slice %arg3[%dma_wait3A_24, %dma_wait3A_25] : memref<2x320000xi32, #tpu.memory_space<hbm>> -> memref<2x128xi32, #tpu.memory_space<hbm>>
    tpu.wait_dma2 semaphore(%arg14 : memref<!tpu.dma_semaphore, #tpu.memory_space<semaphore_mem>>) src(%dma_wait3A_26 : memref<2x128xi32, #tpu.memory_space<hbm>>) dst(%arg5 : memref<2x128xi32, #tpu.memory_space<vmem>>)
    %dma_wait3A_27 = arith.constant 0 : i32
    %dma_wait3A_28 = arith.constant 0 : i32
    %dma_wait3A_29 = tpu.memref_slice %arg3[%dma_wait3A_27, %dma_wait3A_28] : memref<2x320000xi32, #tpu.memory_space<hbm>> -> memref<2x128xi32, #tpu.memory_space<hbm>>
    %dma_wait3A_30 = arith.constant 0 : i32
    %dma_wait3A_31 = arith.constant 0 : i32
    %dma_wait3A_32 = tpu.memref_slice %arg3[%dma_wait3A_30, %dma_wait3A_31] : memref<2x320000xi32, #tpu.memory_space<hbm>> -> memref<2x128xi32, #tpu.memory_space<hbm>>
    tpu.wait_dma2 semaphore(%arg14 : memref<!tpu.dma_semaphore, #tpu.memory_space<semaphore_mem>>) src(%dma_wait3A_32 : memref<2x128xi32, #tpu.memory_space<hbm>>) dst(%arg6 : memref<2x128xi32, #tpu.memory_space<vmem>>)
    %add3A_33 = arith.constant 2 : i32
    %add3A_34 = arith.addi %mul3A_2, %add3A_33 : i32
    %mul3A_35 = arith.constant 128 : i32
    %mul3A_36 = arith.muli %add3A_34, %mul3A_35 : i32
    %dma_start3A_37 = arith.constant 0 : i32
    %dma_start3A_38 = tpu.memref_slice %arg3[%dma_start3A_37, %mul3A_36] : memref<2x320000xi32, #tpu.memory_space<hbm>> -> memref<2x128xi32, #tpu.memory_space<hbm>>
    %dma_start3A_39 = arith.constant 0 : i32
    %dma_start3A_40 = tpu.memref_slice %arg3[%dma_start3A_39, %mul3A_36] : memref<2x320000xi32, #tpu.memory_space<hbm>> -> memref<2x128xi32, #tpu.memory_space<hbm>>
    tpu.enqueue_dma source(%dma_start3A_40 : memref<2x128xi32, #tpu.memory_space<hbm>>) target(%arg7 : memref<2x128xi32, #tpu.memory_space<vmem>>) target_semaphore(%arg14 : memref<!tpu.dma_semaphore, #tpu.memory_space<semaphore_mem>>)
    %add3A_41 = arith.constant 3 : i32
    %add3A_42 = arith.addi %mul3A_2, %add3A_41 : i32
    %mul3A_43 = arith.constant 128 : i32
    %mul3A_44 = arith.muli %add3A_42, %mul3A_43 : i32
    %dma_start3A_45 = arith.constant 0 : i32
    %dma_start3A_46 = tpu.memref_slice %arg3[%dma_start3A_45, %mul3A_44] : memref<2x320000xi32, #tpu.memory_space<hbm>> -> memref<2x128xi32, #tpu.memory_space<hbm>>
    %dma_start3A_47 = arith.constant 0 : i32
    %dma_start3A_48 = tpu.memref_slice %arg3[%dma_start3A_47, %mul3A_44] : memref<2x320000xi32, #tpu.memory_space<hbm>> -> memref<2x128xi32, #tpu.memory_space<hbm>>
    tpu.enqueue_dma source(%dma_start3A_48 : memref<2x128xi32, #tpu.memory_space<hbm>>) target(%arg8 : memref<2x128xi32, #tpu.memory_space<vmem>>) target_semaphore(%arg14 : memref<!tpu.dma_semaphore, #tpu.memory_space<semaphore_mem>>)
    %dma_start3A_49 = arith.constant 0 : i32
    %dma_start3A_50 = arith.constant 0 : i32
    %dma_start3A_51 = tpu.memref_slice %arg5[%dma_start3A_49, %dma_start3A_50] : memref<2x128xi32, #tpu.memory_space<vmem>> -> memref<1x128xi32, #tpu.memory_space<vmem>>
    %dma_start3A_52 = tpu.memref_squeeze %dma_start3A_51 : memref<1x128xi32, #tpu.memory_space<vmem>> -> memref<128xi32, #tpu.memory_space<vmem>>
    %dma_start3A_53 = arith.constant 0 : i32
    %dma_start3A_54 = arith.constant 0 : i32
    %dma_start3A_55 = tpu.memref_slice %arg2[%dma_start3A_53, %dma_start3A_54] : memref<10000x128xf32, #tpu.memory_space<hbm>> -> memref<10000x128xf32, #tpu.memory_space<hbm>>
    tpu.enqueue_indirect_dma source(%dma_start3A_55 : memref<10000x128xf32, #tpu.memory_space<hbm>>) target(%arg9 : memref<128x128xf32, #tpu.memory_space<vmem>>) offsets(%dma_start3A_52 : memref<128xi32, #tpu.memory_space<vmem>>) semaphore(%arg12 : memref<!tpu.dma_semaphore, #tpu.memory_space<semaphore_mem>>)
    %scan3A_56 = arith.constant 0 : i32
    %scan3A_57 = arith.constant 0 : i32
    %scan3A_58 = arith.constant 20 : i32
    %scan3A_59 = arith.addi %scan3A_57, %scan3A_58 : i32
    %scan3A_60 = arith.constant 1 : i32
    %scan3A_61 = scf.for %scan3A_82 = %scan3A_57 to %scan3A_59 step %scan3A_60 iter_args(%scan3A_83 = %scan3A_56) -> (i32)  : i32 {
      %mul3A_84 = arith.constant 640 : i32
      %mul3A_85 = arith.muli %arg1, %mul3A_84 : i32
      %mul3A_86 = arith.constant 32 : i32
      %mul3A_87 = arith.muli %scan3A_82, %mul3A_86 : i32
      %add3A_88 = arith.addi %mul3A_85, %mul3A_87 : i32
      "tpu.region"() ({
        %run_scoped3A = tpu.sem_alloc : memref<!tpu.dma_semaphore, #tpu.memory_space<semaphore_mem>>
        %dma_start3A_90 = arith.constant 0 : i32
        %dma_start3A_91 = tpu.memref_slice %arg15[%add3A_88, %dma_start3A_90] : memref<10240x128xf32, #tpu.memory_space<vmem_shared>> -> memref<32x128xf32, #tpu.memory_space<vmem_shared>>
        %dma_start3A_92 = arith.constant 0 : i32
        %dma_start3A_93 = tpu.memref_slice %arg15[%add3A_88, %dma_start3A_92] : memref<10240x128xf32, #tpu.memory_space<vmem_shared>> -> memref<32x128xf32, #tpu.memory_space<vmem_shared>>
        tpu.enqueue_dma source(%arg11 : memref<32x128xf32, #tpu.memory_space<vmem>>) target(%dma_start3A_93 : memref<32x128xf32, #tpu.memory_space<vmem_shared>>) target_semaphore(%run_scoped3A : memref<!tpu.dma_semaphore, #tpu.memory_space<semaphore_mem>>)
        %dma_wait3A_94 = arith.constant 0 : i32
        %dma_wait3A_95 = tpu.memref_slice %arg15[%add3A_88, %dma_wait3A_94] : memref<10240x128xf32, #tpu.memory_space<vmem_shared>> -> memref<32x128xf32, #tpu.memory_space<vmem_shared>>
        %dma_wait3A_96 = arith.constant 0 : i32
        %dma_wait3A_97 = tpu.memref_slice %arg15[%add3A_88, %dma_wait3A_96] : memref<10240x128xf32, #tpu.memory_space<vmem_shared>> -> memref<32x128xf32, #tpu.memory_space<vmem_shared>>
        tpu.wait_dma2 semaphore(%run_scoped3A : memref<!tpu.dma_semaphore, #tpu.memory_space<semaphore_mem>>) src(%arg11 : memref<32x128xf32, #tpu.memory_space<vmem>>) dst(%dma_wait3A_97 : memref<32x128xf32, #tpu.memory_space<vmem_shared>>)
        tpu.yield
      }) : () -> ()
      %scan3A_89 = arith.constant 0 : i32
      scf.yield %scan3A_89 : i32
    }
    %scan3A_62 = arith.constant 20 : i32
    %barrier3A = arith.constant 0 : index
    tpu.barrier barrier_id(%barrier3A)
    %scan3A_63 = arith.constant 0 : i32
    %scan3A_64 = arith.constant 0 : i32
    %scan3A_65 = arith.constant 19 : i32
    %scan3A_66 = arith.addi %scan3A_64, %scan3A_65 : i32
    %scan3A_67 = arith.constant 1 : i32
    %scan3A_68 = scf.for %scan3A_82 = %scan3A_64 to %scan3A_66 step %scan3A_67 iter_args(%scan3A_83 = %scan3A_63) -> (i32)  : i32 {
      %mul3A_84 = arith.constant 4 : i32
      %mul3A_85 = arith.muli %mul3A_84, %scan3A_82 : i32
      %add3A_86 = arith.addi %mul3A_2, %mul3A_85 : i32
      %dma_start3A_87 = arith.constant 0 : i32
      %dma_start3A_88 = arith.constant 0 : i32
      %dma_start3A_89 = tpu.memref_slice %arg6[%dma_start3A_87, %dma_start3A_88] : memref<2x128xi32, #tpu.memory_space<vmem>> -> memref<1x128xi32, #tpu.memory_space<vmem>>
      %dma_start3A_90 = tpu.memref_squeeze %dma_start3A_89 : memref<1x128xi32, #tpu.memory_space<vmem>> -> memref<128xi32, #tpu.memory_space<vmem>>
      %dma_start3A_91 = arith.constant 0 : i32
      %dma_start3A_92 = arith.constant 0 : i32
      %dma_start3A_93 = tpu.memref_slice %arg2[%dma_start3A_91, %dma_start3A_92] : memref<10000x128xf32, #tpu.memory_space<hbm>> -> memref<10000x128xf32, #tpu.memory_space<hbm>>
      tpu.enqueue_indirect_dma source(%dma_start3A_93 : memref<10000x128xf32, #tpu.memory_space<hbm>>) target(%arg10 : memref<128x128xf32, #tpu.memory_space<vmem>>) offsets(%dma_start3A_90 : memref<128xi32, #tpu.memory_space<vmem>>) semaphore(%arg13 : memref<!tpu.dma_semaphore, #tpu.memory_space<semaphore_mem>>)
      %dma_wait3A_94 = arith.constant 0 : i32
      %dma_wait3A_95 = arith.constant 0 : i32
      %dma_wait3A_96 = tpu.memref_slice %arg6[%dma_wait3A_94, %dma_wait3A_95] : memref<2x128xi32, #tpu.memory_space<vmem>> -> memref<1x128xi32, #tpu.memory_space<vmem>>
      %dma_wait3A_97 = tpu.memref_squeeze %dma_wait3A_96 : memref<1x128xi32, #tpu.memory_space<vmem>> -> memref<128xi32, #tpu.memory_space<vmem>>
      %dma_wait3A_98 = arith.constant 0 : i32
      %dma_wait3A_99 = arith.constant 0 : i32
      %dma_wait3A_100 = tpu.memref_slice %arg2[%dma_wait3A_98, %dma_wait3A_99] : memref<10000x128xf32, #tpu.memory_space<hbm>> -> memref<10000x128xf32, #tpu.memory_space<hbm>>
      tpu.wait_indirect_dma semaphore(%arg12 : memref<!tpu.dma_semaphore, #tpu.memory_space<semaphore_mem>>) src(%dma_wait3A_100 : memref<10000x128xf32, #tpu.memory_space<hbm>>) dst(%arg9 : memref<128x128xf32, #tpu.memory_space<vmem>>)
      %run_scoped3A = arith.constant 1 : i32
      "tpu.region"() ({
        %run_scoped3A_164 = tpu.sem_alloc : memref<!tpu.dma_semaphore, #tpu.memory_space<semaphore_mem>>
        %dma_start3A_165 = arith.constant 0 : i32
        %dma_start3A_166 = tpu.memref_slice %arg5[%run_scoped3A, %dma_start3A_165] : memref<2x128xi32, #tpu.memory_space<vmem>> -> memref<1x128xi32, #tpu.memory_space<vmem>>
        %dma_start3A_167 = tpu.memref_squeeze %dma_start3A_166 : memref<1x128xi32, #tpu.memory_space<vmem>> -> memref<128xi32, #tpu.memory_space<vmem>>
        %dma_start3A_168 = arith.constant 0 : i32
        %dma_start3A_169 = arith.constant 0 : i32
        %dma_start3A_170 = tpu.memref_slice %arg15[%dma_start3A_168, %dma_start3A_169] : memref<10240x128xf32, #tpu.memory_space<vmem_shared>> -> memref<10240x128xf32, #tpu.memory_space<vmem_shared>>
        tpu.enqueue_indirect_dma source(%arg9 : memref<128x128xf32, #tpu.memory_space<vmem>>) target(%dma_start3A_170 : memref<10240x128xf32, #tpu.memory_space<vmem_shared>>) offsets(%dma_start3A_167 : memref<128xi32, #tpu.memory_space<vmem>>) semaphore(%run_scoped3A_164 : memref<!tpu.dma_semaphore, #tpu.memory_space<semaphore_mem>>) {add = true}
        %dma_wait3A_171 = arith.constant 0 : i32
        %dma_wait3A_172 = tpu.memref_slice %arg5[%run_scoped3A, %dma_wait3A_171] : memref<2x128xi32, #tpu.memory_space<vmem>> -> memref<1x128xi32, #tpu.memory_space<vmem>>
        %dma_wait3A_173 = tpu.memref_squeeze %dma_wait3A_172 : memref<1x128xi32, #tpu.memory_space<vmem>> -> memref<128xi32, #tpu.memory_space<vmem>>
        %dma_wait3A_174 = arith.constant 0 : i32
        %dma_wait3A_175 = arith.constant 0 : i32
        %dma_wait3A_176 = tpu.memref_slice %arg15[%dma_wait3A_174, %dma_wait3A_175] : memref<10240x128xf32, #tpu.memory_space<vmem_shared>> -> memref<10240x128xf32, #tpu.memory_space<vmem_shared>>
        tpu.wait_indirect_dma semaphore(%run_scoped3A_164 : memref<!tpu.dma_semaphore, #tpu.memory_space<semaphore_mem>>) src(%arg9 : memref<128x128xf32, #tpu.memory_space<vmem>>) dst(%dma_wait3A_176 : memref<10240x128xf32, #tpu.memory_space<vmem_shared>>)
        tpu.yield
      }) : () -> ()
      %dma_wait3A_101 = arith.constant 0 : i32
      %dma_wait3A_102 = arith.constant 0 : i32
      %dma_wait3A_103 = tpu.memref_slice %arg3[%dma_wait3A_101, %dma_wait3A_102] : memref<2x320000xi32, #tpu.memory_space<hbm>> -> memref<2x128xi32, #tpu.memory_space<hbm>>
      %dma_wait3A_104 = arith.constant 0 : i32
      %dma_wait3A_105 = arith.constant 0 : i32
      %dma_wait3A_106 = tpu.memref_slice %arg3[%dma_wait3A_104, %dma_wait3A_105] : memref<2x320000xi32, #tpu.memory_space<hbm>> -> memref<2x128xi32, #tpu.memory_space<hbm>>
      tpu.wait_dma2 semaphore(%arg14 : memref<!tpu.dma_semaphore, #tpu.memory_space<semaphore_mem>>) src(%dma_wait3A_106 : memref<2x128xi32, #tpu.memory_space<hbm>>) dst(%arg7 : memref<2x128xi32, #tpu.memory_space<vmem>>)
      %dma_wait3A_107 = arith.constant 0 : i32
      %dma_wait3A_108 = arith.constant 0 : i32
      %dma_wait3A_109 = tpu.memref_slice %arg3[%dma_wait3A_107, %dma_wait3A_108] : memref<2x320000xi32, #tpu.memory_space<hbm>> -> memref<2x128xi32, #tpu.memory_space<hbm>>
      %dma_wait3A_110 = arith.constant 0 : i32
      %dma_wait3A_111 = arith.constant 0 : i32
      %dma_wait3A_112 = tpu.memref_slice %arg3[%dma_wait3A_110, %dma_wait3A_111] : memref<2x320000xi32, #tpu.memory_space<hbm>> -> memref<2x128xi32, #tpu.memory_space<hbm>>
      tpu.wait_dma2 semaphore(%arg14 : memref<!tpu.dma_semaphore, #tpu.memory_space<semaphore_mem>>) src(%dma_wait3A_112 : memref<2x128xi32, #tpu.memory_space<hbm>>) dst(%arg8 : memref<2x128xi32, #tpu.memory_space<vmem>>)
      %dma_start3A_113 = arith.constant 0 : i32
      %dma_start3A_114 = arith.constant 0 : i32
      %dma_start3A_115 = tpu.memref_slice %arg7[%dma_start3A_113, %dma_start3A_114] : memref<2x128xi32, #tpu.memory_space<vmem>> -> memref<1x128xi32, #tpu.memory_space<vmem>>
      %dma_start3A_116 = tpu.memref_squeeze %dma_start3A_115 : memref<1x128xi32, #tpu.memory_space<vmem>> -> memref<128xi32, #tpu.memory_space<vmem>>
      %dma_start3A_117 = arith.constant 0 : i32
      %dma_start3A_118 = arith.constant 0 : i32
      %dma_start3A_119 = tpu.memref_slice %arg2[%dma_start3A_117, %dma_start3A_118] : memref<10000x128xf32, #tpu.memory_space<hbm>> -> memref<10000x128xf32, #tpu.memory_space<hbm>>
      tpu.enqueue_indirect_dma source(%dma_start3A_119 : memref<10000x128xf32, #tpu.memory_space<hbm>>) target(%arg9 : memref<128x128xf32, #tpu.memory_space<vmem>>) offsets(%dma_start3A_116 : memref<128xi32, #tpu.memory_space<vmem>>) semaphore(%arg12 : memref<!tpu.dma_semaphore, #tpu.memory_space<semaphore_mem>>)
      %dma_wait3A_120 = arith.constant 0 : i32
      %dma_wait3A_121 = arith.constant 0 : i32
      %dma_wait3A_122 = tpu.memref_slice %arg6[%dma_wait3A_120, %dma_wait3A_121] : memref<2x128xi32, #tpu.memory_space<vmem>> -> memref<1x128xi32, #tpu.memory_space<vmem>>
      %dma_wait3A_123 = tpu.memref_squeeze %dma_wait3A_122 : memref<1x128xi32, #tpu.memory_space<vmem>> -> memref<128xi32, #tpu.memory_space<vmem>>
      %dma_wait3A_124 = arith.constant 0 : i32
      %dma_wait3A_125 = arith.constant 0 : i32
      %dma_wait3A_126 = tpu.memref_slice %arg2[%dma_wait3A_124, %dma_wait3A_125] : memref<10000x128xf32, #tpu.memory_space<hbm>> -> memref<10000x128xf32, #tpu.memory_space<hbm>>
      tpu.wait_indirect_dma semaphore(%arg13 : memref<!tpu.dma_semaphore, #tpu.memory_space<semaphore_mem>>) src(%dma_wait3A_126 : memref<10000x128xf32, #tpu.memory_space<hbm>>) dst(%arg10 : memref<128x128xf32, #tpu.memory_space<vmem>>)
      %run_scoped3A_127 = arith.constant 1 : i32
      "tpu.region"() ({
        %run_scoped3A_164 = tpu.sem_alloc : memref<!tpu.dma_semaphore, #tpu.memory_space<semaphore_mem>>
        %dma_start3A_165 = arith.constant 0 : i32
        %dma_start3A_166 = tpu.memref_slice %arg6[%run_scoped3A_127, %dma_start3A_165] : memref<2x128xi32, #tpu.memory_space<vmem>> -> memref<1x128xi32, #tpu.memory_space<vmem>>
        %dma_start3A_167 = tpu.memref_squeeze %dma_start3A_166 : memref<1x128xi32, #tpu.memory_space<vmem>> -> memref<128xi32, #tpu.memory_space<vmem>>
        %dma_start3A_168 = arith.constant 0 : i32
        %dma_start3A_169 = arith.constant 0 : i32
        %dma_start3A_170 = tpu.memref_slice %arg15[%dma_start3A_168, %dma_start3A_169] : memref<10240x128xf32, #tpu.memory_space<vmem_shared>> -> memref<10240x128xf32, #tpu.memory_space<vmem_shared>>
        tpu.enqueue_indirect_dma source(%arg10 : memref<128x128xf32, #tpu.memory_space<vmem>>) target(%dma_start3A_170 : memref<10240x128xf32, #tpu.memory_space<vmem_shared>>) offsets(%dma_start3A_167 : memref<128xi32, #tpu.memory_space<vmem>>) semaphore(%run_scoped3A_164 : memref<!tpu.dma_semaphore, #tpu.memory_space<semaphore_mem>>) {add = true}
        %dma_wait3A_171 = arith.constant 0 : i32
        %dma_wait3A_172 = tpu.memref_slice %arg6[%run_scoped3A_127, %dma_wait3A_171] : memref<2x128xi32, #tpu.memory_space<vmem>> -> memref<1x128xi32, #tpu.memory_space<vmem>>
        %dma_wait3A_173 = tpu.memref_squeeze %dma_wait3A_172 : memref<1x128xi32, #tpu.memory_space<vmem>> -> memref<128xi32, #tpu.memory_space<vmem>>
        %dma_wait3A_174 = arith.constant 0 : i32
        %dma_wait3A_175 = arith.constant 0 : i32
        %dma_wait3A_176 = tpu.memref_slice %arg15[%dma_wait3A_174, %dma_wait3A_175] : memref<10240x128xf32, #tpu.memory_space<vmem_shared>> -> memref<10240x128xf32, #tpu.memory_space<vmem_shared>>
        tpu.wait_indirect_dma semaphore(%run_scoped3A_164 : memref<!tpu.dma_semaphore, #tpu.memory_space<semaphore_mem>>) src(%arg10 : memref<128x128xf32, #tpu.memory_space<vmem>>) dst(%dma_wait3A_176 : memref<10240x128xf32, #tpu.memory_space<vmem_shared>>)
        tpu.yield
      }) : () -> ()
      %lt3A = arith.constant 18 : i32
      %lt3A_128 = arith.cmpi slt, %scan3A_82, %lt3A : i32
      %convert_element_type3A = arith.extui %lt3A_128 : i1 to i32
      %cond3A = arith.constant 0 : i32
      %cond3A_129 = arith.cmpi ne, %convert_element_type3A, %cond3A : i32
      scf.if %cond3A_129 {
        %add3A_164 = arith.constant 4 : i32
        %add3A_165 = arith.addi %add3A_86, %add3A_164 : i32
        %mul3A_166 = arith.constant 128 : i32
        %mul3A_167 = arith.muli %add3A_165, %mul3A_166 : i32
        %dma_start3A_168 = arith.constant 0 : i32
        %dma_start3A_169 = tpu.memref_slice %arg3[%dma_start3A_168, %mul3A_167] : memref<2x320000xi32, #tpu.memory_space<hbm>> -> memref<2x128xi32, #tpu.memory_space<hbm>>
        %dma_start3A_170 = arith.constant 0 : i32
        %dma_start3A_171 = tpu.memref_slice %arg3[%dma_start3A_170, %mul3A_167] : memref<2x320000xi32, #tpu.memory_space<hbm>> -> memref<2x128xi32, #tpu.memory_space<hbm>>
        tpu.enqueue_dma source(%dma_start3A_171 : memref<2x128xi32, #tpu.memory_space<hbm>>) target(%arg5 : memref<2x128xi32, #tpu.memory_space<vmem>>) target_semaphore(%arg14 : memref<!tpu.dma_semaphore, #tpu.memory_space<semaphore_mem>>)
        %add3A_172 = arith.constant 5 : i32
        %add3A_173 = arith.addi %add3A_86, %add3A_172 : i32
        %mul3A_174 = arith.constant 128 : i32
        %mul3A_175 = arith.muli %add3A_173, %mul3A_174 : i32
        %dma_start3A_176 = arith.constant 0 : i32
        %dma_start3A_177 = tpu.memref_slice %arg3[%dma_start3A_176, %mul3A_175] : memref<2x320000xi32, #tpu.memory_space<hbm>> -> memref<2x128xi32, #tpu.memory_space<hbm>>
        %dma_start3A_178 = arith.constant 0 : i32
        %dma_start3A_179 = tpu.memref_slice %arg3[%dma_start3A_178, %mul3A_175] : memref<2x320000xi32, #tpu.memory_space<hbm>> -> memref<2x128xi32, #tpu.memory_space<hbm>>
        tpu.enqueue_dma source(%dma_start3A_179 : memref<2x128xi32, #tpu.memory_space<hbm>>) target(%arg6 : memref<2x128xi32, #tpu.memory_space<vmem>>) target_semaphore(%arg14 : memref<!tpu.dma_semaphore, #tpu.memory_space<semaphore_mem>>)
      } else {
      }
      %dma_start3A_130 = arith.constant 0 : i32
      %dma_start3A_131 = arith.constant 0 : i32
      %dma_start3A_132 = tpu.memref_slice %arg8[%dma_start3A_130, %dma_start3A_131] : memref<2x128xi32, #tpu.memory_space<vmem>> -> memref<1x128xi32, #tpu.memory_space<vmem>>
      %dma_start3A_133 = tpu.memref_squeeze %dma_start3A_132 : memref<1x128xi32, #tpu.memory_space<vmem>> -> memref<128xi32, #tpu.memory_space<vmem>>
      %dma_start3A_134 = arith.constant 0 : i32
      %dma_start3A_135 = arith.constant 0 : i32
      %dma_start3A_136 = tpu.memref_slice %arg2[%dma_start3A_134, %dma_start3A_135] : memref<10000x128xf32, #tpu.memory_space<hbm>> -> memref<10000x128xf32, #tpu.memory_space<hbm>>
      tpu.enqueue_indirect_dma source(%dma_start3A_136 : memref<10000x128xf32, #tpu.memory_space<hbm>>) target(%arg10 : memref<128x128xf32, #tpu.memory_space<vmem>>) offsets(%dma_start3A_133 : memref<128xi32, #tpu.memory_space<vmem>>) semaphore(%arg13 : memref<!tpu.dma_semaphore, #tpu.memory_space<semaphore_mem>>)
      %dma_wait3A_137 = arith.constant 0 : i32
      %dma_wait3A_138 = arith.constant 0 : i32
      %dma_wait3A_139 = tpu.memref_slice %arg8[%dma_wait3A_137, %dma_wait3A_138] : memref<2x128xi32, #tpu.memory_space<vmem>> -> memref<1x128xi32, #tpu.memory_space<vmem>>
      %dma_wait3A_140 = tpu.memref_squeeze %dma_wait3A_139 : memref<1x128xi32, #tpu.memory_space<vmem>> -> memref<128xi32, #tpu.memory_space<vmem>>
      %dma_wait3A_141 = arith.constant 0 : i32
      %dma_wait3A_142 = arith.constant 0 : i32
      %dma_wait3A_143 = tpu.memref_slice %arg2[%dma_wait3A_141, %dma_wait3A_142] : memref<10000x128xf32, #tpu.memory_space<hbm>> -> memref<10000x128xf32, #tpu.memory_space<hbm>>
      tpu.wait_indirect_dma semaphore(%arg12 : memref<!tpu.dma_semaphore, #tpu.memory_space<semaphore_mem>>) src(%dma_wait3A_143 : memref<10000x128xf32, #tpu.memory_space<hbm>>) dst(%arg9 : memref<128x128xf32, #tpu.memory_space<vmem>>)
      %run_scoped3A_144 = arith.constant 1 : i32
      "tpu.region"() ({
        %run_scoped3A_164 = tpu.sem_alloc : memref<!tpu.dma_semaphore, #tpu.memory_space<semaphore_mem>>
        %dma_start3A_165 = arith.constant 0 : i32
        %dma_start3A_166 = tpu.memref_slice %arg7[%run_scoped3A_144, %dma_start3A_165] : memref<2x128xi32, #tpu.memory_space<vmem>> -> memref<1x128xi32, #tpu.memory_space<vmem>>
        %dma_start3A_167 = tpu.memref_squeeze %dma_start3A_166 : memref<1x128xi32, #tpu.memory_space<vmem>> -> memref<128xi32, #tpu.memory_space<vmem>>
        %dma_start3A_168 = arith.constant 0 : i32
        %dma_start3A_169 = arith.constant 0 : i32
        %dma_start3A_170 = tpu.memref_slice %arg15[%dma_start3A_168, %dma_start3A_169] : memref<10240x128xf32, #tpu.memory_space<vmem_shared>> -> memref<10240x128xf32, #tpu.memory_space<vmem_shared>>
        tpu.enqueue_indirect_dma source(%arg9 : memref<128x128xf32, #tpu.memory_space<vmem>>) target(%dma_start3A_170 : memref<10240x128xf32, #tpu.memory_space<vmem_shared>>) offsets(%dma_start3A_167 : memref<128xi32, #tpu.memory_space<vmem>>) semaphore(%run_scoped3A_164 : memref<!tpu.dma_semaphore, #tpu.memory_space<semaphore_mem>>) {add = true}
        %dma_wait3A_171 = arith.constant 0 : i32
        %dma_wait3A_172 = tpu.memref_slice %arg7[%run_scoped3A_144, %dma_wait3A_171] : memref<2x128xi32, #tpu.memory_space<vmem>> -> memref<1x128xi32, #tpu.memory_space<vmem>>
        %dma_wait3A_173 = tpu.memref_squeeze %dma_wait3A_172 : memref<1x128xi32, #tpu.memory_space<vmem>> -> memref<128xi32, #tpu.memory_space<vmem>>
        %dma_wait3A_174 = arith.constant 0 : i32
        %dma_wait3A_175 = arith.constant 0 : i32
        %dma_wait3A_176 = tpu.memref_slice %arg15[%dma_wait3A_174, %dma_wait3A_175] : memref<10240x128xf32, #tpu.memory_space<vmem_shared>> -> memref<10240x128xf32, #tpu.memory_space<vmem_shared>>
        tpu.wait_indirect_dma semaphore(%run_scoped3A_164 : memref<!tpu.dma_semaphore, #tpu.memory_space<semaphore_mem>>) src(%arg9 : memref<128x128xf32, #tpu.memory_space<vmem>>) dst(%dma_wait3A_176 : memref<10240x128xf32, #tpu.memory_space<vmem_shared>>)
        tpu.yield
      }) : () -> ()
      %lt3A_145 = arith.constant 18 : i32
      %lt3A_146 = arith.cmpi slt, %scan3A_82, %lt3A_145 : i32
      %convert_element_type3A_147 = arith.extui %lt3A_146 : i1 to i32
      %cond3A_148 = arith.constant 0 : i32
      %cond3A_149 = arith.cmpi ne, %convert_element_type3A_147, %cond3A_148 : i32
      scf.if %cond3A_149 {
        %dma_wait3A_164 = arith.constant 0 : i32
        %dma_wait3A_165 = arith.constant 0 : i32
        %dma_wait3A_166 = tpu.memref_slice %arg3[%dma_wait3A_164, %dma_wait3A_165] : memref<2x320000xi32, #tpu.memory_space<hbm>> -> memref<2x128xi32, #tpu.memory_space<hbm>>
        %dma_wait3A_167 = arith.constant 0 : i32
        %dma_wait3A_168 = arith.constant 0 : i32
        %dma_wait3A_169 = tpu.memref_slice %arg3[%dma_wait3A_167, %dma_wait3A_168] : memref<2x320000xi32, #tpu.memory_space<hbm>> -> memref<2x128xi32, #tpu.memory_space<hbm>>
        tpu.wait_dma2 semaphore(%arg14 : memref<!tpu.dma_semaphore, #tpu.memory_space<semaphore_mem>>) src(%dma_wait3A_169 : memref<2x128xi32, #tpu.memory_space<hbm>>) dst(%arg5 : memref<2x128xi32, #tpu.memory_space<vmem>>)
        %dma_wait3A_170 = arith.constant 0 : i32
        %dma_wait3A_171 = arith.constant 0 : i32
        %dma_wait3A_172 = tpu.memref_slice %arg3[%dma_wait3A_170, %dma_wait3A_171] : memref<2x320000xi32, #tpu.memory_space<hbm>> -> memref<2x128xi32, #tpu.memory_space<hbm>>
        %dma_wait3A_173 = arith.constant 0 : i32
        %dma_wait3A_174 = arith.constant 0 : i32
        %dma_wait3A_175 = tpu.memref_slice %arg3[%dma_wait3A_173, %dma_wait3A_174] : memref<2x320000xi32, #tpu.memory_space<hbm>> -> memref<2x128xi32, #tpu.memory_space<hbm>>
        tpu.wait_dma2 semaphore(%arg14 : memref<!tpu.dma_semaphore, #tpu.memory_space<semaphore_mem>>) src(%dma_wait3A_175 : memref<2x128xi32, #tpu.memory_space<hbm>>) dst(%arg6 : memref<2x128xi32, #tpu.memory_space<vmem>>)
        %dma_start3A_176 = arith.constant 0 : i32
        %dma_start3A_177 = arith.constant 0 : i32
        %dma_start3A_178 = tpu.memref_slice %arg5[%dma_start3A_176, %dma_start3A_177] : memref<2x128xi32, #tpu.memory_space<vmem>> -> memref<1x128xi32, #tpu.memory_space<vmem>>
        %dma_start3A_179 = tpu.memref_squeeze %dma_start3A_178 : memref<1x128xi32, #tpu.memory_space<vmem>> -> memref<128xi32, #tpu.memory_space<vmem>>
        %dma_start3A_180 = arith.constant 0 : i32
        %dma_start3A_181 = arith.constant 0 : i32
        %dma_start3A_182 = tpu.memref_slice %arg2[%dma_start3A_180, %dma_start3A_181] : memref<10000x128xf32, #tpu.memory_space<hbm>> -> memref<10000x128xf32, #tpu.memory_space<hbm>>
        tpu.enqueue_indirect_dma source(%dma_start3A_182 : memref<10000x128xf32, #tpu.memory_space<hbm>>) target(%arg9 : memref<128x128xf32, #tpu.memory_space<vmem>>) offsets(%dma_start3A_179 : memref<128xi32, #tpu.memory_space<vmem>>) semaphore(%arg12 : memref<!tpu.dma_semaphore, #tpu.memory_space<semaphore_mem>>)
      } else {
      }
      %dma_wait3A_150 = arith.constant 0 : i32
      %dma_wait3A_151 = arith.constant 0 : i32
      %dma_wait3A_152 = tpu.memref_slice %arg8[%dma_wait3A_150, %dma_wait3A_151] : memref<2x128xi32, #tpu.memory_space<vmem>> -> memref<1x128xi32, #tpu.memory_space<vmem>>
      %dma_wait3A_153 = tpu.memref_squeeze %dma_wait3A_152 : memref<1x128xi32, #tpu.memory_space<vmem>> -> memref<128xi32, #tpu.memory_space<vmem>>
      %dma_wait3A_154 = arith.constant 0 : i32
      %dma_wait3A_155 = arith.constant 0 : i32
      %dma_wait3A_156 = tpu.memref_slice %arg2[%dma_wait3A_154, %dma_wait3A_155] : memref<10000x128xf32, #tpu.memory_space<hbm>> -> memref<10000x128xf32, #tpu.memory_space<hbm>>
      tpu.wait_indirect_dma semaphore(%arg13 : memref<!tpu.dma_semaphore, #tpu.memory_space<semaphore_mem>>) src(%dma_wait3A_156 : memref<10000x128xf32, #tpu.memory_space<hbm>>) dst(%arg10 : memref<128x128xf32, #tpu.memory_space<vmem>>)
      %run_scoped3A_157 = arith.constant 1 : i32
      "tpu.region"() ({
        %run_scoped3A_164 = tpu.sem_alloc : memref<!tpu.dma_semaphore, #tpu.memory_space<semaphore_mem>>
        %dma_start3A_165 = arith.constant 0 : i32
        %dma_start3A_166 = tpu.memref_slice %arg8[%run_scoped3A_157, %dma_start3A_165] : memref<2x128xi32, #tpu.memory_space<vmem>> -> memref<1x128xi32, #tpu.memory_space<vmem>>
        %dma_start3A_167 = tpu.memref_squeeze %dma_start3A_166 : memref<1x128xi32, #tpu.memory_space<vmem>> -> memref<128xi32, #tpu.memory_space<vmem>>
        %dma_start3A_168 = arith.constant 0 : i32
        %dma_start3A_169 = arith.constant 0 : i32
        %dma_start3A_170 = tpu.memref_slice %arg15[%dma_start3A_168, %dma_start3A_169] : memref<10240x128xf32, #tpu.memory_space<vmem_shared>> -> memref<10240x128xf32, #tpu.memory_space<vmem_shared>>
        tpu.enqueue_indirect_dma source(%arg10 : memref<128x128xf32, #tpu.memory_space<vmem>>) target(%dma_start3A_170 : memref<10240x128xf32, #tpu.memory_space<vmem_shared>>) offsets(%dma_start3A_167 : memref<128xi32, #tpu.memory_space<vmem>>) semaphore(%run_scoped3A_164 : memref<!tpu.dma_semaphore, #tpu.memory_space<semaphore_mem>>) {add = true}
        %dma_wait3A_171 = arith.constant 0 : i32
        %dma_wait3A_172 = tpu.memref_slice %arg8[%run_scoped3A_157, %dma_wait3A_171] : memref<2x128xi32, #tpu.memory_space<vmem>> -> memref<1x128xi32, #tpu.memory_space<vmem>>
        %dma_wait3A_173 = tpu.memref_squeeze %dma_wait3A_172 : memref<1x128xi32, #tpu.memory_space<vmem>> -> memref<128xi32, #tpu.memory_space<vmem>>
        %dma_wait3A_174 = arith.constant 0 : i32
        %dma_wait3A_175 = arith.constant 0 : i32
        %dma_wait3A_176 = tpu.memref_slice %arg15[%dma_wait3A_174, %dma_wait3A_175] : memref<10240x128xf32, #tpu.memory_space<vmem_shared>> -> memref<10240x128xf32, #tpu.memory_space<vmem_shared>>
        tpu.wait_indirect_dma semaphore(%run_scoped3A_164 : memref<!tpu.dma_semaphore, #tpu.memory_space<semaphore_mem>>) src(%arg10 : memref<128x128xf32, #tpu.memory_space<vmem>>) dst(%dma_wait3A_176 : memref<10240x128xf32, #tpu.memory_space<vmem_shared>>)
        tpu.yield
      }) : () -> ()
      %lt3A_158 = arith.constant 18 : i32
      %lt3A_159 = arith.cmpi slt, %scan3A_82, %lt3A_158 : i32
      %convert_element_type3A_160 = arith.extui %lt3A_159 : i1 to i32
      %cond3A_161 = arith.constant 0 : i32
      %cond3A_162 = arith.cmpi ne, %convert_element_type3A_160, %cond3A_161 : i32
      scf.if %cond3A_162 {
        %add3A_164 = arith.constant 6 : i32
        %add3A_165 = arith.addi %add3A_86, %add3A_164 : i32
        %mul3A_166 = arith.constant 128 : i32
        %mul3A_167 = arith.muli %add3A_165, %mul3A_166 : i32
        %dma_start3A_168 = arith.constant 0 : i32
        %dma_start3A_169 = tpu.memref_slice %arg3[%dma_start3A_168, %mul3A_167] : memref<2x320000xi32, #tpu.memory_space<hbm>> -> memref<2x128xi32, #tpu.memory_space<hbm>>
        %dma_start3A_170 = arith.constant 0 : i32
        %dma_start3A_171 = tpu.memref_slice %arg3[%dma_start3A_170, %mul3A_167] : memref<2x320000xi32, #tpu.memory_space<hbm>> -> memref<2x128xi32, #tpu.memory_space<hbm>>
        tpu.enqueue_dma source(%dma_start3A_171 : memref<2x128xi32, #tpu.memory_space<hbm>>) target(%arg7 : memref<2x128xi32, #tpu.memory_space<vmem>>) target_semaphore(%arg14 : memref<!tpu.dma_semaphore, #tpu.memory_space<semaphore_mem>>)
        %add3A_172 = arith.constant 7 : i32
        %add3A_173 = arith.addi %add3A_86, %add3A_172 : i32
        %mul3A_174 = arith.constant 128 : i32
        %mul3A_175 = arith.muli %add3A_173, %mul3A_174 : i32
        %dma_start3A_176 = arith.constant 0 : i32
        %dma_start3A_177 = tpu.memref_slice %arg3[%dma_start3A_176, %mul3A_175] : memref<2x320000xi32, #tpu.memory_space<hbm>> -> memref<2x128xi32, #tpu.memory_space<hbm>>
        %dma_start3A_178 = arith.constant 0 : i32
        %dma_start3A_179 = tpu.memref_slice %arg3[%dma_start3A_178, %mul3A_175] : memref<2x320000xi32, #tpu.memory_space<hbm>> -> memref<2x128xi32, #tpu.memory_space<hbm>>
        tpu.enqueue_dma source(%dma_start3A_179 : memref<2x128xi32, #tpu.memory_space<hbm>>) target(%arg8 : memref<2x128xi32, #tpu.memory_space<vmem>>) target_semaphore(%arg14 : memref<!tpu.dma_semaphore, #tpu.memory_space<semaphore_mem>>)
      } else {
      }
      %scan3A_163 = arith.constant 0 : i32
      scf.yield %scan3A_163 : i32
    }
    %scan3A_69 = arith.constant 19 : i32
    %scan3A_70 = arith.constant 0 : i32
    %scan3A_71 = arith.constant 0 : i32
    %scan3A_72 = arith.constant 3 : i32
    %scan3A_73 = arith.addi %scan3A_71, %scan3A_72 : i32
    %scan3A_74 = arith.constant 1 : i32
    %scan3A_75 = scf.for %scan3A_82 = %scan3A_71 to %scan3A_73 step %scan3A_74 iter_args(%scan3A_83 = %scan3A_70) -> (i32)  : i32 {
      %add3A_84 = arith.constant 2432 : i32
      %add3A_85 = arith.addi %add3A_84, %add3A : i32
      %mul3A_86 = arith.constant 32 : i32
      %mul3A_87 = arith.muli %mul3A_86, %scan3A_82 : i32
      %add3A_88 = arith.addi %add3A_85, %mul3A_87 : i32
      %lt3A = arith.constant 2500 : i32
      %lt3A_89 = arith.cmpi slt, %add3A_88, %lt3A : i32
      %convert_element_type3A = arith.extui %lt3A_89 : i1 to i32
      %cond3A = arith.constant 0 : i32
      %cond3A_90 = arith.cmpi ne, %convert_element_type3A, %cond3A : i32
      scf.if %cond3A_90 {
        %mul3A_92 = arith.constant 128 : i32
        %mul3A_93 = arith.muli %add3A_88, %mul3A_92 : i32
        %dma_start3A_94 = arith.constant 0 : i32
        %dma_start3A_95 = tpu.memref_slice %arg3[%dma_start3A_94, %mul3A_93] : memref<2x320000xi32, #tpu.memory_space<hbm>> -> memref<2x128xi32, #tpu.memory_space<hbm>>
        %dma_start3A_96 = arith.constant 0 : i32
        %dma_start3A_97 = tpu.memref_slice %arg3[%dma_start3A_96, %mul3A_93] : memref<2x320000xi32, #tpu.memory_space<hbm>> -> memref<2x128xi32, #tpu.memory_space<hbm>>
        tpu.enqueue_dma source(%dma_start3A_97 : memref<2x128xi32, #tpu.memory_space<hbm>>) target(%arg5 : memref<2x128xi32, #tpu.memory_space<vmem>>) target_semaphore(%arg14 : memref<!tpu.dma_semaphore, #tpu.memory_space<semaphore_mem>>)
        %dma_wait3A_98 = arith.constant 0 : i32
        %dma_wait3A_99 = arith.constant 0 : i32
        %dma_wait3A_100 = tpu.memref_slice %arg3[%dma_wait3A_98, %dma_wait3A_99] : memref<2x320000xi32, #tpu.memory_space<hbm>> -> memref<2x128xi32, #tpu.memory_space<hbm>>
        %dma_wait3A_101 = arith.constant 0 : i32
        %dma_wait3A_102 = arith.constant 0 : i32
        %dma_wait3A_103 = tpu.memref_slice %arg3[%dma_wait3A_101, %dma_wait3A_102] : memref<2x320000xi32, #tpu.memory_space<hbm>> -> memref<2x128xi32, #tpu.memory_space<hbm>>
        tpu.wait_dma2 semaphore(%arg14 : memref<!tpu.dma_semaphore, #tpu.memory_space<semaphore_mem>>) src(%dma_wait3A_103 : memref<2x128xi32, #tpu.memory_space<hbm>>) dst(%arg5 : memref<2x128xi32, #tpu.memory_space<vmem>>)
        %dma_start3A_104 = arith.constant 0 : i32
        %dma_start3A_105 = arith.constant 0 : i32
        %dma_start3A_106 = tpu.memref_slice %arg5[%dma_start3A_104, %dma_start3A_105] : memref<2x128xi32, #tpu.memory_space<vmem>> -> memref<1x128xi32, #tpu.memory_space<vmem>>
        %dma_start3A_107 = tpu.memref_squeeze %dma_start3A_106 : memref<1x128xi32, #tpu.memory_space<vmem>> -> memref<128xi32, #tpu.memory_space<vmem>>
        %dma_start3A_108 = arith.constant 0 : i32
        %dma_start3A_109 = arith.constant 0 : i32
        %dma_start3A_110 = tpu.memref_slice %arg2[%dma_start3A_108, %dma_start3A_109] : memref<10000x128xf32, #tpu.memory_space<hbm>> -> memref<10000x128xf32, #tpu.memory_space<hbm>>
        tpu.enqueue_indirect_dma source(%dma_start3A_110 : memref<10000x128xf32, #tpu.memory_space<hbm>>) target(%arg9 : memref<128x128xf32, #tpu.memory_space<vmem>>) offsets(%dma_start3A_107 : memref<128xi32, #tpu.memory_space<vmem>>) semaphore(%arg12 : memref<!tpu.dma_semaphore, #tpu.memory_space<semaphore_mem>>)
        %dma_wait3A_111 = arith.constant 0 : i32
        %dma_wait3A_112 = arith.constant 0 : i32
        %dma_wait3A_113 = tpu.memref_slice %arg5[%dma_wait3A_111, %dma_wait3A_112] : memref<2x128xi32, #tpu.memory_space<vmem>> -> memref<1x128xi32, #tpu.memory_space<vmem>>
        %dma_wait3A_114 = tpu.memref_squeeze %dma_wait3A_113 : memref<1x128xi32, #tpu.memory_space<vmem>> -> memref<128xi32, #tpu.memory_space<vmem>>
        %dma_wait3A_115 = arith.constant 0 : i32
        %dma_wait3A_116 = arith.constant 0 : i32
        %dma_wait3A_117 = tpu.memref_slice %arg2[%dma_wait3A_115, %dma_wait3A_116] : memref<10000x128xf32, #tpu.memory_space<hbm>> -> memref<10000x128xf32, #tpu.memory_space<hbm>>
        tpu.wait_indirect_dma semaphore(%arg12 : memref<!tpu.dma_semaphore, #tpu.memory_space<semaphore_mem>>) src(%dma_wait3A_117 : memref<10000x128xf32, #tpu.memory_space<hbm>>) dst(%arg9 : memref<128x128xf32, #tpu.memory_space<vmem>>)
        %run_scoped3A = arith.constant 1 : i32
        "tpu.region"() ({
          %run_scoped3A_118 = tpu.sem_alloc : memref<!tpu.dma_semaphore, #tpu.memory_space<semaphore_mem>>
          %dma_start3A_119 = arith.constant 0 : i32
          %dma_start3A_120 = tpu.memref_slice %arg5[%run_scoped3A, %dma_start3A_119] : memref<2x128xi32, #tpu.memory_space<vmem>> -> memref<1x128xi32, #tpu.memory_space<vmem>>
          %dma_start3A_121 = tpu.memref_squeeze %dma_start3A_120 : memref<1x128xi32, #tpu.memory_space<vmem>> -> memref<128xi32, #tpu.memory_space<vmem>>
          %dma_start3A_122 = arith.constant 0 : i32
          %dma_start3A_123 = arith.constant 0 : i32
          %dma_start3A_124 = tpu.memref_slice %arg15[%dma_start3A_122, %dma_start3A_123] : memref<10240x128xf32, #tpu.memory_space<vmem_shared>> -> memref<10240x128xf32, #tpu.memory_space<vmem_shared>>
          tpu.enqueue_indirect_dma source(%arg9 : memref<128x128xf32, #tpu.memory_space<vmem>>) target(%dma_start3A_124 : memref<10240x128xf32, #tpu.memory_space<vmem_shared>>) offsets(%dma_start3A_121 : memref<128xi32, #tpu.memory_space<vmem>>) semaphore(%run_scoped3A_118 : memref<!tpu.dma_semaphore, #tpu.memory_space<semaphore_mem>>) {add = true}
          %dma_wait3A_125 = arith.constant 0 : i32
          %dma_wait3A_126 = tpu.memref_slice %arg5[%run_scoped3A, %dma_wait3A_125] : memref<2x128xi32, #tpu.memory_space<vmem>> -> memref<1x128xi32, #tpu.memory_space<vmem>>
          %dma_wait3A_127 = tpu.memref_squeeze %dma_wait3A_126 : memref<1x128xi32, #tpu.memory_space<vmem>> -> memref<128xi32, #tpu.memory_space<vmem>>
          %dma_wait3A_128 = arith.constant 0 : i32
          %dma_wait3A_129 = arith.constant 0 : i32
          %dma_wait3A_130 = tpu.memref_slice %arg15[%dma_wait3A_128, %dma_wait3A_129] : memref<10240x128xf32, #tpu.memory_space<vmem_shared>> -> memref<10240x128xf32, #tpu.memory_space<vmem_shared>>
          tpu.wait_indirect_dma semaphore(%run_scoped3A_118 : memref<!tpu.dma_semaphore, #tpu.memory_space<semaphore_mem>>) src(%arg9 : memref<128x128xf32, #tpu.memory_space<vmem>>) dst(%dma_wait3A_130 : memref<10240x128xf32, #tpu.memory_space<vmem_shared>>)
          tpu.yield
        }) : () -> ()
      } else {
      }
      %scan3A_91 = arith.constant 0 : i32
      scf.yield %scan3A_91 : i32
    }
    %scan3A_76 = arith.constant 3 : i32
    %barrier3A_77 = arith.constant 0 : index
    tpu.barrier barrier_id(%barrier3A_77)
    %mul3A_78 = arith.constant 640 : i32
    %mul3A_79 = arith.muli %arg1, %mul3A_78 : i32
    %mul3A_80 = arith.constant 640 : i32
    %mul3A_81 = arith.muli %arg1, %mul3A_80 : i32
    "tpu.region"() ({
      %run_scoped3A = tpu.sem_alloc : memref<!tpu.dma_semaphore, #tpu.memory_space<semaphore_mem>>
      %dma_start3A_82 = arith.constant 0 : i32
      %dma_start3A_83 = tpu.memref_slice %arg4[%arg0, %mul3A_81, %dma_start3A_82] : memref<2x10240x128xf32, #tpu.memory_space<hbm>> -> memref<1x640x128xf32, #tpu.memory_space<hbm>>
      %dma_start3A_84 = tpu.memref_squeeze %dma_start3A_83 : memref<1x640x128xf32, #tpu.memory_space<hbm>> -> memref<640x128xf32, #tpu.memory_space<hbm>>
      %dma_start3A_85 = arith.constant 0 : i32
      %dma_start3A_86 = tpu.memref_slice %arg15[%mul3A_79, %dma_start3A_85] : memref<10240x128xf32, #tpu.memory_space<vmem_shared>> -> memref<640x128xf32, #tpu.memory_space<vmem_shared>>
      tpu.enqueue_dma source(%dma_start3A_86 : memref<640x128xf32, #tpu.memory_space<vmem_shared>>) target(%dma_start3A_84 : memref<640x128xf32, #tpu.memory_space<hbm>>) target_semaphore(%run_scoped3A : memref<!tpu.dma_semaphore, #tpu.memory_space<semaphore_mem>>)
      %dma_wait3A_87 = arith.constant 0 : i32
      %dma_wait3A_88 = tpu.memref_slice %arg4[%arg0, %mul3A_81, %dma_wait3A_87] : memref<2x10240x128xf32, #tpu.memory_space<hbm>> -> memref<1x640x128xf32, #tpu.memory_space<hbm>>
      %dma_wait3A_89 = tpu.memref_squeeze %dma_wait3A_88 : memref<1x640x128xf32, #tpu.memory_space<hbm>> -> memref<640x128xf32, #tpu.memory_space<hbm>>
      %dma_wait3A_90 = arith.constant 0 : i32
      %dma_wait3A_91 = tpu.memref_slice %arg15[%mul3A_79, %dma_wait3A_90] : memref<10240x128xf32, #tpu.memory_space<vmem_shared>> -> memref<640x128xf32, #tpu.memory_space<vmem_shared>>
      tpu.wait_dma2 semaphore(%run_scoped3A : memref<!tpu.dma_semaphore, #tpu.memory_space<semaphore_mem>>) src(%dma_wait3A_91 : memref<640x128xf32, #tpu.memory_space<vmem_shared>>) dst(%dma_wait3A_89 : memref<640x128xf32, #tpu.memory_space<hbm>>)
      tpu.yield
    }) : () -> ()
    return
  }
}

#map = affine_map<(d0, d1) -> (0, 0)>
#map1 = affine_map<(d0, d1) -> (0)>
module attributes {stable_mosaic.version = 14 : i64} {
  func.func @_deg(%arg0: i32, %arg1: i32, %arg2: memref<2x320000xi32, #tpu.memory_space<hbm>>, %arg3: memref<20480xf32, #tpu.memory_space<hbm>>, %arg4: memref<2x128xi32, #tpu.memory_space<vmem>>, %arg5: memref<2x128xi32, #tpu.memory_space<vmem>>, %arg6: memref<2x128xi32, #tpu.memory_space<vmem>>, %arg7: memref<2x128xi32, #tpu.memory_space<vmem>>, %arg8: memref<128xf32, #tpu.memory_space<vmem>>, %arg9: memref<640xf32, #tpu.memory_space<vmem>>, %arg10: memref<!tpu.dma_semaphore, #tpu.memory_space<semaphore_mem>>, %arg11: memref<10240xf32, #tpu.memory_space<vmem_shared>>) attributes {dimension_semantics = [#tpu.dimension_semantics<core_parallel>, #tpu.dimension_semantics<subcore_parallel>], iteration_bounds = array<i64: 2, 16>, scalar_prefetch = 0 : i64, scratch_operands = 8 : i64, tpu.core_type = #tpu.core_type<sc_vector_subcore>, window_params = [{transform_indices = #map}, {transform_indices = #map1}]} {
    %mul3A = arith.constant 16 : i32
    %mul3A_0 = arith.muli %arg0, %mul3A : i32
    %add3A = arith.addi %mul3A_0, %arg1 : i32
    %mul3A_1 = arith.constant 76 : i32
    %mul3A_2 = arith.muli %add3A, %mul3A_1 : i32
    %mul3A_3 = arith.constant 128 : i32
    %mul3A_4 = arith.muli %mul3A_2, %mul3A_3 : i32
    %dma_start3A = arith.constant 0 : i32
    %dma_start3A_5 = tpu.memref_slice %arg2[%dma_start3A, %mul3A_4] : memref<2x320000xi32, #tpu.memory_space<hbm>> -> memref<2x128xi32, #tpu.memory_space<hbm>>
    %dma_start3A_6 = arith.constant 0 : i32
    %dma_start3A_7 = tpu.memref_slice %arg2[%dma_start3A_6, %mul3A_4] : memref<2x320000xi32, #tpu.memory_space<hbm>> -> memref<2x128xi32, #tpu.memory_space<hbm>>
    tpu.enqueue_dma source(%dma_start3A_7 : memref<2x128xi32, #tpu.memory_space<hbm>>) target(%arg4 : memref<2x128xi32, #tpu.memory_space<vmem>>) target_semaphore(%arg10 : memref<!tpu.dma_semaphore, #tpu.memory_space<semaphore_mem>>)
    %add3A_8 = arith.constant 1 : i32
    %add3A_9 = arith.addi %mul3A_2, %add3A_8 : i32
    %mul3A_10 = arith.constant 128 : i32
    %mul3A_11 = arith.muli %add3A_9, %mul3A_10 : i32
    %dma_start3A_12 = arith.constant 0 : i32
    %dma_start3A_13 = tpu.memref_slice %arg2[%dma_start3A_12, %mul3A_11] : memref<2x320000xi32, #tpu.memory_space<hbm>> -> memref<2x128xi32, #tpu.memory_space<hbm>>
    %dma_start3A_14 = arith.constant 0 : i32
    %dma_start3A_15 = tpu.memref_slice %arg2[%dma_start3A_14, %mul3A_11] : memref<2x320000xi32, #tpu.memory_space<hbm>> -> memref<2x128xi32, #tpu.memory_space<hbm>>
    tpu.enqueue_dma source(%dma_start3A_15 : memref<2x128xi32, #tpu.memory_space<hbm>>) target(%arg5 : memref<2x128xi32, #tpu.memory_space<vmem>>) target_semaphore(%arg10 : memref<!tpu.dma_semaphore, #tpu.memory_space<semaphore_mem>>)
    %scan3A = arith.constant 0 : i32
    %scan3A_16 = arith.constant 0 : i32
    %scan3A_17 = arith.constant 40 : i32
    %scan3A_18 = arith.addi %scan3A_16, %scan3A_17 : i32
    %scan3A_19 = arith.constant 1 : i32
    %scan3A_20 = scf.for %scan3A_80 = %scan3A_16 to %scan3A_18 step %scan3A_19 iter_args(%scan3A_81 = %scan3A) -> (i32)  : i32 {
      %broadcast_in_dim3A = arith.constant 0.000000e+00 : f32
      %broadcast_in_dim3A_82 = vector.broadcast %broadcast_in_dim3A : f32 to vector<16xf32>
      %mul3A_83 = arith.constant 16 : i32
      %mul3A_84 = arith.muli %scan3A_80, %mul3A_83 : i32
      %swap3A = arith.index_cast %mul3A_84 : i32 to index
      %swap3A_85 = tpu.vector_load %arg9[%swap3A] {strides = array<i32>} : memref<640xf32, #tpu.memory_space<vmem>>, vector<16xf32>,
      %swap3A_86 = vector.shape_cast %swap3A_85 : vector<16xf32> to vector<16xf32>
      %swap3A_87 = vector.shape_cast %broadcast_in_dim3A_82 : vector<16xf32> to vector<16xf32>
      tpu.vector_store %arg9[%swap3A], %swap3A_87 {strides = array<i32>} : memref<640xf32, #tpu.memory_space<vmem>>, vector<16xf32>,
      %scan3A_88 = arith.constant 0 : i32
      scf.yield %scan3A_88 : i32
    }
    %scan3A_21 = arith.constant 40 : i32
    %scan3A_22 = arith.constant 0 : i32
    %scan3A_23 = arith.constant 0 : i32
    %scan3A_24 = arith.constant 8 : i32
    %scan3A_25 = arith.addi %scan3A_23, %scan3A_24 : i32
    %scan3A_26 = arith.constant 1 : i32
    %scan3A_27 = scf.for %scan3A_80 = %scan3A_23 to %scan3A_25 step %scan3A_26 iter_args(%scan3A_81 = %scan3A_22) -> (i32)  : i32 {
      %broadcast_in_dim3A = arith.constant 1.000000e+00 : f32
      %broadcast_in_dim3A_82 = vector.broadcast %broadcast_in_dim3A : f32 to vector<16xf32>
      %mul3A_83 = arith.constant 16 : i32
      %mul3A_84 = arith.muli %scan3A_80, %mul3A_83 : i32
      %swap3A = arith.index_cast %mul3A_84 : i32 to index
      %swap3A_85 = tpu.vector_load %arg8[%swap3A] {strides = array<i32>} : memref<128xf32, #tpu.memory_space<vmem>>, vector<16xf32>,
      %swap3A_86 = vector.shape_cast %swap3A_85 : vector<16xf32> to vector<16xf32>
      %swap3A_87 = vector.shape_cast %broadcast_in_dim3A_82 : vector<16xf32> to vector<16xf32>
      tpu.vector_store %arg8[%swap3A], %swap3A_87 {strides = array<i32>} : memref<128xf32, #tpu.memory_space<vmem>>, vector<16xf32>,
      %scan3A_88 = arith.constant 0 : i32
      scf.yield %scan3A_88 : i32
    }
    %scan3A_28 = arith.constant 8 : i32
    %mul3A_29 = arith.constant 640 : i32
    %mul3A_30 = arith.muli %arg1, %mul3A_29 : i32
    "tpu.region"() ({
      %run_scoped3A = tpu.sem_alloc : memref<!tpu.dma_semaphore, #tpu.memory_space<semaphore_mem>>
      %dma_start3A_80 = tpu.memref_slice %arg11[%mul3A_30] : memref<10240xf32, #tpu.memory_space<vmem_shared>> -> memref<640xf32, #tpu.memory_space<vmem_shared>>
      %dma_start3A_81 = tpu.memref_slice %arg11[%mul3A_30] : memref<10240xf32, #tpu.memory_space<vmem_shared>> -> memref<640xf32, #tpu.memory_space<vmem_shared>>
      tpu.enqueue_dma source(%arg9 : memref<640xf32, #tpu.memory_space<vmem>>) target(%dma_start3A_81 : memref<640xf32, #tpu.memory_space<vmem_shared>>) target_semaphore(%run_scoped3A : memref<!tpu.dma_semaphore, #tpu.memory_space<semaphore_mem>>)
      %dma_wait3A_82 = tpu.memref_slice %arg11[%mul3A_30] : memref<10240xf32, #tpu.memory_space<vmem_shared>> -> memref<640xf32, #tpu.memory_space<vmem_shared>>
      %dma_wait3A_83 = tpu.memref_slice %arg11[%mul3A_30] : memref<10240xf32, #tpu.memory_space<vmem_shared>> -> memref<640xf32, #tpu.memory_space<vmem_shared>>
      tpu.wait_dma2 semaphore(%run_scoped3A : memref<!tpu.dma_semaphore, #tpu.memory_space<semaphore_mem>>) src(%arg9 : memref<640xf32, #tpu.memory_space<vmem>>) dst(%dma_wait3A_83 : memref<640xf32, #tpu.memory_space<vmem_shared>>)
      tpu.yield
    }) : () -> ()
    %dma_wait3A = arith.constant 0 : i32
    %dma_wait3A_31 = arith.constant 0 : i32
    %dma_wait3A_32 = tpu.memref_slice %arg2[%dma_wait3A, %dma_wait3A_31] : memref<2x320000xi32, #tpu.memory_space<hbm>> -> memref<2x128xi32, #tpu.memory_space<hbm>>
    %dma_wait3A_33 = arith.constant 0 : i32
    %dma_wait3A_34 = arith.constant 0 : i32
    %dma_wait3A_35 = tpu.memref_slice %arg2[%dma_wait3A_33, %dma_wait3A_34] : memref<2x320000xi32, #tpu.memory_space<hbm>> -> memref<2x128xi32, #tpu.memory_space<hbm>>
    tpu.wait_dma2 semaphore(%arg10 : memref<!tpu.dma_semaphore, #tpu.memory_space<semaphore_mem>>) src(%dma_wait3A_35 : memref<2x128xi32, #tpu.memory_space<hbm>>) dst(%arg4 : memref<2x128xi32, #tpu.memory_space<vmem>>)
    %dma_wait3A_36 = arith.constant 0 : i32
    %dma_wait3A_37 = arith.constant 0 : i32
    %dma_wait3A_38 = tpu.memref_slice %arg2[%dma_wait3A_36, %dma_wait3A_37] : memref<2x320000xi32, #tpu.memory_space<hbm>> -> memref<2x128xi32, #tpu.memory_space<hbm>>
    %dma_wait3A_39 = arith.constant 0 : i32
    %dma_wait3A_40 = arith.constant 0 : i32
    %dma_wait3A_41 = tpu.memref_slice %arg2[%dma_wait3A_39, %dma_wait3A_40] : memref<2x320000xi32, #tpu.memory_space<hbm>> -> memref<2x128xi32, #tpu.memory_space<hbm>>
    tpu.wait_dma2 semaphore(%arg10 : memref<!tpu.dma_semaphore, #tpu.memory_space<semaphore_mem>>) src(%dma_wait3A_41 : memref<2x128xi32, #tpu.memory_space<hbm>>) dst(%arg5 : memref<2x128xi32, #tpu.memory_space<vmem>>)
    %add3A_42 = arith.constant 2 : i32
    %add3A_43 = arith.addi %mul3A_2, %add3A_42 : i32
    %mul3A_44 = arith.constant 128 : i32
    %mul3A_45 = arith.muli %add3A_43, %mul3A_44 : i32
    %dma_start3A_46 = arith.constant 0 : i32
    %dma_start3A_47 = tpu.memref_slice %arg2[%dma_start3A_46, %mul3A_45] : memref<2x320000xi32, #tpu.memory_space<hbm>> -> memref<2x128xi32, #tpu.memory_space<hbm>>
    %dma_start3A_48 = arith.constant 0 : i32
    %dma_start3A_49 = tpu.memref_slice %arg2[%dma_start3A_48, %mul3A_45] : memref<2x320000xi32, #tpu.memory_space<hbm>> -> memref<2x128xi32, #tpu.memory_space<hbm>>
    tpu.enqueue_dma source(%dma_start3A_49 : memref<2x128xi32, #tpu.memory_space<hbm>>) target(%arg6 : memref<2x128xi32, #tpu.memory_space<vmem>>) target_semaphore(%arg10 : memref<!tpu.dma_semaphore, #tpu.memory_space<semaphore_mem>>)
    %add3A_50 = arith.constant 3 : i32
    %add3A_51 = arith.addi %mul3A_2, %add3A_50 : i32
    %mul3A_52 = arith.constant 128 : i32
    %mul3A_53 = arith.muli %add3A_51, %mul3A_52 : i32
    %dma_start3A_54 = arith.constant 0 : i32
    %dma_start3A_55 = tpu.memref_slice %arg2[%dma_start3A_54, %mul3A_53] : memref<2x320000xi32, #tpu.memory_space<hbm>> -> memref<2x128xi32, #tpu.memory_space<hbm>>
    %dma_start3A_56 = arith.constant 0 : i32
    %dma_start3A_57 = tpu.memref_slice %arg2[%dma_start3A_56, %mul3A_53] : memref<2x320000xi32, #tpu.memory_space<hbm>> -> memref<2x128xi32, #tpu.memory_space<hbm>>
    tpu.enqueue_dma source(%dma_start3A_57 : memref<2x128xi32, #tpu.memory_space<hbm>>) target(%arg7 : memref<2x128xi32, #tpu.memory_space<vmem>>) target_semaphore(%arg10 : memref<!tpu.dma_semaphore, #tpu.memory_space<semaphore_mem>>)
    %barrier3A = arith.constant 0 : index
    tpu.barrier barrier_id(%barrier3A)
    %scan3A_58 = arith.constant 0 : i32
    %scan3A_59 = arith.constant 0 : i32
    %scan3A_60 = arith.constant 19 : i32
    %scan3A_61 = arith.addi %scan3A_59, %scan3A_60 : i32
    %scan3A_62 = arith.constant 1 : i32
    %scan3A_63 = scf.for %scan3A_80 = %scan3A_59 to %scan3A_61 step %scan3A_62 iter_args(%scan3A_81 = %scan3A_58) -> (i32)  : i32 {
      %mul3A_82 = arith.constant 4 : i32
      %mul3A_83 = arith.muli %mul3A_82, %scan3A_80 : i32
      %add3A_84 = arith.addi %mul3A_2, %mul3A_83 : i32
      %run_scoped3A = arith.constant 1 : i32
      "tpu.region"() ({
        %run_scoped3A_108 = tpu.sem_alloc : memref<!tpu.dma_semaphore, #tpu.memory_space<semaphore_mem>>
        %dma_start3A_109 = arith.constant 0 : i32
        %dma_start3A_110 = tpu.memref_slice %arg4[%run_scoped3A, %dma_start3A_109] : memref<2x128xi32, #tpu.memory_space<vmem>> -> memref<1x128xi32, #tpu.memory_space<vmem>>
        %dma_start3A_111 = tpu.memref_squeeze %dma_start3A_110 : memref<1x128xi32, #tpu.memory_space<vmem>> -> memref<128xi32, #tpu.memory_space<vmem>>
        %dma_start3A_112 = arith.constant 0 : i32
        %dma_start3A_113 = tpu.memref_slice %arg11[%dma_start3A_112] : memref<10240xf32, #tpu.memory_space<vmem_shared>> -> memref<10240xf32, #tpu.memory_space<vmem_shared>>
        tpu.enqueue_indirect_dma source(%arg8 : memref<128xf32, #tpu.memory_space<vmem>>) target(%dma_start3A_113 : memref<10240xf32, #tpu.memory_space<vmem_shared>>) offsets(%dma_start3A_111 : memref<128xi32, #tpu.memory_space<vmem>>) semaphore(%run_scoped3A_108 : memref<!tpu.dma_semaphore, #tpu.memory_space<semaphore_mem>>) {add = true}
        %dma_wait3A_114 = arith.constant 0 : i32
        %dma_wait3A_115 = tpu.memref_slice %arg4[%run_scoped3A, %dma_wait3A_114] : memref<2x128xi32, #tpu.memory_space<vmem>> -> memref<1x128xi32, #tpu.memory_space<vmem>>
        %dma_wait3A_116 = tpu.memref_squeeze %dma_wait3A_115 : memref<1x128xi32, #tpu.memory_space<vmem>> -> memref<128xi32, #tpu.memory_space<vmem>>
        %dma_wait3A_117 = arith.constant 0 : i32
        %dma_wait3A_118 = tpu.memref_slice %arg11[%dma_wait3A_117] : memref<10240xf32, #tpu.memory_space<vmem_shared>> -> memref<10240xf32, #tpu.memory_space<vmem_shared>>
        tpu.wait_indirect_dma semaphore(%run_scoped3A_108 : memref<!tpu.dma_semaphore, #tpu.memory_space<semaphore_mem>>) src(%arg8 : memref<128xf32, #tpu.memory_space<vmem>>) dst(%dma_wait3A_118 : memref<10240xf32, #tpu.memory_space<vmem_shared>>)
        tpu.yield
      }) : () -> ()
      %run_scoped3A_85 = arith.constant 1 : i32
      "tpu.region"() ({
        %run_scoped3A_108 = tpu.sem_alloc : memref<!tpu.dma_semaphore, #tpu.memory_space<semaphore_mem>>
        %dma_start3A_109 = arith.constant 0 : i32
        %dma_start3A_110 = tpu.memref_slice %arg5[%run_scoped3A_85, %dma_start3A_109] : memref<2x128xi32, #tpu.memory_space<vmem>> -> memref<1x128xi32, #tpu.memory_space<vmem>>
        %dma_start3A_111 = tpu.memref_squeeze %dma_start3A_110 : memref<1x128xi32, #tpu.memory_space<vmem>> -> memref<128xi32, #tpu.memory_space<vmem>>
        %dma_start3A_112 = arith.constant 0 : i32
        %dma_start3A_113 = tpu.memref_slice %arg11[%dma_start3A_112] : memref<10240xf32, #tpu.memory_space<vmem_shared>> -> memref<10240xf32, #tpu.memory_space<vmem_shared>>
        tpu.enqueue_indirect_dma source(%arg8 : memref<128xf32, #tpu.memory_space<vmem>>) target(%dma_start3A_113 : memref<10240xf32, #tpu.memory_space<vmem_shared>>) offsets(%dma_start3A_111 : memref<128xi32, #tpu.memory_space<vmem>>) semaphore(%run_scoped3A_108 : memref<!tpu.dma_semaphore, #tpu.memory_space<semaphore_mem>>) {add = true}
        %dma_wait3A_114 = arith.constant 0 : i32
        %dma_wait3A_115 = tpu.memref_slice %arg5[%run_scoped3A_85, %dma_wait3A_114] : memref<2x128xi32, #tpu.memory_space<vmem>> -> memref<1x128xi32, #tpu.memory_space<vmem>>
        %dma_wait3A_116 = tpu.memref_squeeze %dma_wait3A_115 : memref<1x128xi32, #tpu.memory_space<vmem>> -> memref<128xi32, #tpu.memory_space<vmem>>
        %dma_wait3A_117 = arith.constant 0 : i32
        %dma_wait3A_118 = tpu.memref_slice %arg11[%dma_wait3A_117] : memref<10240xf32, #tpu.memory_space<vmem_shared>> -> memref<10240xf32, #tpu.memory_space<vmem_shared>>
        tpu.wait_indirect_dma semaphore(%run_scoped3A_108 : memref<!tpu.dma_semaphore, #tpu.memory_space<semaphore_mem>>) src(%arg8 : memref<128xf32, #tpu.memory_space<vmem>>) dst(%dma_wait3A_118 : memref<10240xf32, #tpu.memory_space<vmem_shared>>)
        tpu.yield
      }) : () -> ()
      %lt3A = arith.constant 18 : i32
      %lt3A_86 = arith.cmpi slt, %scan3A_80, %lt3A : i32
      %convert_element_type3A = arith.extui %lt3A_86 : i1 to i32
      %cond3A = arith.constant 0 : i32
      %cond3A_87 = arith.cmpi ne, %convert_element_type3A, %cond3A : i32
      scf.if %cond3A_87 {
        %add3A_108 = arith.constant 4 : i32
        %add3A_109 = arith.addi %add3A_84, %add3A_108 : i32
        %mul3A_110 = arith.constant 128 : i32
        %mul3A_111 = arith.muli %add3A_109, %mul3A_110 : i32
        %dma_start3A_112 = arith.constant 0 : i32
        %dma_start3A_113 = tpu.memref_slice %arg2[%dma_start3A_112, %mul3A_111] : memref<2x320000xi32, #tpu.memory_space<hbm>> -> memref<2x128xi32, #tpu.memory_space<hbm>>
        %dma_start3A_114 = arith.constant 0 : i32
        %dma_start3A_115 = tpu.memref_slice %arg2[%dma_start3A_114, %mul3A_111] : memref<2x320000xi32, #tpu.memory_space<hbm>> -> memref<2x128xi32, #tpu.memory_space<hbm>>
        tpu.enqueue_dma source(%dma_start3A_115 : memref<2x128xi32, #tpu.memory_space<hbm>>) target(%arg4 : memref<2x128xi32, #tpu.memory_space<vmem>>) target_semaphore(%arg10 : memref<!tpu.dma_semaphore, #tpu.memory_space<semaphore_mem>>)
        %add3A_116 = arith.constant 5 : i32
        %add3A_117 = arith.addi %add3A_84, %add3A_116 : i32
        %mul3A_118 = arith.constant 128 : i32
        %mul3A_119 = arith.muli %add3A_117, %mul3A_118 : i32
        %dma_start3A_120 = arith.constant 0 : i32
        %dma_start3A_121 = tpu.memref_slice %arg2[%dma_start3A_120, %mul3A_119] : memref<2x320000xi32, #tpu.memory_space<hbm>> -> memref<2x128xi32, #tpu.memory_space<hbm>>
        %dma_start3A_122 = arith.constant 0 : i32
        %dma_start3A_123 = tpu.memref_slice %arg2[%dma_start3A_122, %mul3A_119] : memref<2x320000xi32, #tpu.memory_space<hbm>> -> memref<2x128xi32, #tpu.memory_space<hbm>>
        tpu.enqueue_dma source(%dma_start3A_123 : memref<2x128xi32, #tpu.memory_space<hbm>>) target(%arg5 : memref<2x128xi32, #tpu.memory_space<vmem>>) target_semaphore(%arg10 : memref<!tpu.dma_semaphore, #tpu.memory_space<semaphore_mem>>)
      } else {
      }
      %dma_wait3A_88 = arith.constant 0 : i32
      %dma_wait3A_89 = arith.constant 0 : i32
      %dma_wait3A_90 = tpu.memref_slice %arg2[%dma_wait3A_88, %dma_wait3A_89] : memref<2x320000xi32, #tpu.memory_space<hbm>> -> memref<2x128xi32, #tpu.memory_space<hbm>>
      %dma_wait3A_91 = arith.constant 0 : i32
      %dma_wait3A_92 = arith.constant 0 : i32
      %dma_wait3A_93 = tpu.memref_slice %arg2[%dma_wait3A_91, %dma_wait3A_92] : memref<2x320000xi32, #tpu.memory_space<hbm>> -> memref<2x128xi32, #tpu.memory_space<hbm>>
      tpu.wait_dma2 semaphore(%arg10 : memref<!tpu.dma_semaphore, #tpu.memory_space<semaphore_mem>>) src(%dma_wait3A_93 : memref<2x128xi32, #tpu.memory_space<hbm>>) dst(%arg6 : memref<2x128xi32, #tpu.memory_space<vmem>>)
      %dma_wait3A_94 = arith.constant 0 : i32
      %dma_wait3A_95 = arith.constant 0 : i32
      %dma_wait3A_96 = tpu.memref_slice %arg2[%dma_wait3A_94, %dma_wait3A_95] : memref<2x320000xi32, #tpu.memory_space<hbm>> -> memref<2x128xi32, #tpu.memory_space<hbm>>
      %dma_wait3A_97 = arith.constant 0 : i32
      %dma_wait3A_98 = arith.constant 0 : i32
      %dma_wait3A_99 = tpu.memref_slice %arg2[%dma_wait3A_97, %dma_wait3A_98] : memref<2x320000xi32, #tpu.memory_space<hbm>> -> memref<2x128xi32, #tpu.memory_space<hbm>>
      tpu.wait_dma2 semaphore(%arg10 : memref<!tpu.dma_semaphore, #tpu.memory_space<semaphore_mem>>) src(%dma_wait3A_99 : memref<2x128xi32, #tpu.memory_space<hbm>>) dst(%arg7 : memref<2x128xi32, #tpu.memory_space<vmem>>)
      %run_scoped3A_100 = arith.constant 1 : i32
      "tpu.region"() ({
        %run_scoped3A_108 = tpu.sem_alloc : memref<!tpu.dma_semaphore, #tpu.memory_space<semaphore_mem>>
        %dma_start3A_109 = arith.constant 0 : i32
        %dma_start3A_110 = tpu.memref_slice %arg6[%run_scoped3A_100, %dma_start3A_109] : memref<2x128xi32, #tpu.memory_space<vmem>> -> memref<1x128xi32, #tpu.memory_space<vmem>>
        %dma_start3A_111 = tpu.memref_squeeze %dma_start3A_110 : memref<1x128xi32, #tpu.memory_space<vmem>> -> memref<128xi32, #tpu.memory_space<vmem>>
        %dma_start3A_112 = arith.constant 0 : i32
        %dma_start3A_113 = tpu.memref_slice %arg11[%dma_start3A_112] : memref<10240xf32, #tpu.memory_space<vmem_shared>> -> memref<10240xf32, #tpu.memory_space<vmem_shared>>
        tpu.enqueue_indirect_dma source(%arg8 : memref<128xf32, #tpu.memory_space<vmem>>) target(%dma_start3A_113 : memref<10240xf32, #tpu.memory_space<vmem_shared>>) offsets(%dma_start3A_111 : memref<128xi32, #tpu.memory_space<vmem>>) semaphore(%run_scoped3A_108 : memref<!tpu.dma_semaphore, #tpu.memory_space<semaphore_mem>>) {add = true}
        %dma_wait3A_114 = arith.constant 0 : i32
        %dma_wait3A_115 = tpu.memref_slice %arg6[%run_scoped3A_100, %dma_wait3A_114] : memref<2x128xi32, #tpu.memory_space<vmem>> -> memref<1x128xi32, #tpu.memory_space<vmem>>
        %dma_wait3A_116 = tpu.memref_squeeze %dma_wait3A_115 : memref<1x128xi32, #tpu.memory_space<vmem>> -> memref<128xi32, #tpu.memory_space<vmem>>
        %dma_wait3A_117 = arith.constant 0 : i32
        %dma_wait3A_118 = tpu.memref_slice %arg11[%dma_wait3A_117] : memref<10240xf32, #tpu.memory_space<vmem_shared>> -> memref<10240xf32, #tpu.memory_space<vmem_shared>>
        tpu.wait_indirect_dma semaphore(%run_scoped3A_108 : memref<!tpu.dma_semaphore, #tpu.memory_space<semaphore_mem>>) src(%arg8 : memref<128xf32, #tpu.memory_space<vmem>>) dst(%dma_wait3A_118 : memref<10240xf32, #tpu.memory_space<vmem_shared>>)
        tpu.yield
      }) : () -> ()
      %run_scoped3A_101 = arith.constant 1 : i32
      "tpu.region"() ({
        %run_scoped3A_108 = tpu.sem_alloc : memref<!tpu.dma_semaphore, #tpu.memory_space<semaphore_mem>>
        %dma_start3A_109 = arith.constant 0 : i32
        %dma_start3A_110 = tpu.memref_slice %arg7[%run_scoped3A_101, %dma_start3A_109] : memref<2x128xi32, #tpu.memory_space<vmem>> -> memref<1x128xi32, #tpu.memory_space<vmem>>
        %dma_start3A_111 = tpu.memref_squeeze %dma_start3A_110 : memref<1x128xi32, #tpu.memory_space<vmem>> -> memref<128xi32, #tpu.memory_space<vmem>>
        %dma_start3A_112 = arith.constant 0 : i32
        %dma_start3A_113 = tpu.memref_slice %arg11[%dma_start3A_112] : memref<10240xf32, #tpu.memory_space<vmem_shared>> -> memref<10240xf32, #tpu.memory_space<vmem_shared>>
        tpu.enqueue_indirect_dma source(%arg8 : memref<128xf32, #tpu.memory_space<vmem>>) target(%dma_start3A_113 : memref<10240xf32, #tpu.memory_space<vmem_shared>>) offsets(%dma_start3A_111 : memref<128xi32, #tpu.memory_space<vmem>>) semaphore(%run_scoped3A_108 : memref<!tpu.dma_semaphore, #tpu.memory_space<semaphore_mem>>) {add = true}
        %dma_wait3A_114 = arith.constant 0 : i32
        %dma_wait3A_115 = tpu.memref_slice %arg7[%run_scoped3A_101, %dma_wait3A_114] : memref<2x128xi32, #tpu.memory_space<vmem>> -> memref<1x128xi32, #tpu.memory_space<vmem>>
        %dma_wait3A_116 = tpu.memref_squeeze %dma_wait3A_115 : memref<1x128xi32, #tpu.memory_space<vmem>> -> memref<128xi32, #tpu.memory_space<vmem>>
        %dma_wait3A_117 = arith.constant 0 : i32
        %dma_wait3A_118 = tpu.memref_slice %arg11[%dma_wait3A_117] : memref<10240xf32, #tpu.memory_space<vmem_shared>> -> memref<10240xf32, #tpu.memory_space<vmem_shared>>
        tpu.wait_indirect_dma semaphore(%run_scoped3A_108 : memref<!tpu.dma_semaphore, #tpu.memory_space<semaphore_mem>>) src(%arg8 : memref<128xf32, #tpu.memory_space<vmem>>) dst(%dma_wait3A_118 : memref<10240xf32, #tpu.memory_space<vmem_shared>>)
        tpu.yield
      }) : () -> ()
      %lt3A_102 = arith.constant 18 : i32
      %lt3A_103 = arith.cmpi slt, %scan3A_80, %lt3A_102 : i32
      %convert_element_type3A_104 = arith.extui %lt3A_103 : i1 to i32
      %cond3A_105 = arith.constant 0 : i32
      %cond3A_106 = arith.cmpi ne, %convert_element_type3A_104, %cond3A_105 : i32
      scf.if %cond3A_106 {
        %add3A_108 = arith.constant 6 : i32
        %add3A_109 = arith.addi %add3A_84, %add3A_108 : i32
        %mul3A_110 = arith.constant 128 : i32
        %mul3A_111 = arith.muli %add3A_109, %mul3A_110 : i32
        %dma_start3A_112 = arith.constant 0 : i32
        %dma_start3A_113 = tpu.memref_slice %arg2[%dma_start3A_112, %mul3A_111] : memref<2x320000xi32, #tpu.memory_space<hbm>> -> memref<2x128xi32, #tpu.memory_space<hbm>>
        %dma_start3A_114 = arith.constant 0 : i32
        %dma_start3A_115 = tpu.memref_slice %arg2[%dma_start3A_114, %mul3A_111] : memref<2x320000xi32, #tpu.memory_space<hbm>> -> memref<2x128xi32, #tpu.memory_space<hbm>>
        tpu.enqueue_dma source(%dma_start3A_115 : memref<2x128xi32, #tpu.memory_space<hbm>>) target(%arg6 : memref<2x128xi32, #tpu.memory_space<vmem>>) target_semaphore(%arg10 : memref<!tpu.dma_semaphore, #tpu.memory_space<semaphore_mem>>)
        %add3A_116 = arith.constant 7 : i32
        %add3A_117 = arith.addi %add3A_84, %add3A_116 : i32
        %mul3A_118 = arith.constant 128 : i32
        %mul3A_119 = arith.muli %add3A_117, %mul3A_118 : i32
        %dma_start3A_120 = arith.constant 0 : i32
        %dma_start3A_121 = tpu.memref_slice %arg2[%dma_start3A_120, %mul3A_119] : memref<2x320000xi32, #tpu.memory_space<hbm>> -> memref<2x128xi32, #tpu.memory_space<hbm>>
        %dma_start3A_122 = arith.constant 0 : i32
        %dma_start3A_123 = tpu.memref_slice %arg2[%dma_start3A_122, %mul3A_119] : memref<2x320000xi32, #tpu.memory_space<hbm>> -> memref<2x128xi32, #tpu.memory_space<hbm>>
        tpu.enqueue_dma source(%dma_start3A_123 : memref<2x128xi32, #tpu.memory_space<hbm>>) target(%arg7 : memref<2x128xi32, #tpu.memory_space<vmem>>) target_semaphore(%arg10 : memref<!tpu.dma_semaphore, #tpu.memory_space<semaphore_mem>>)
        %dma_wait3A_124 = arith.constant 0 : i32
        %dma_wait3A_125 = arith.constant 0 : i32
        %dma_wait3A_126 = tpu.memref_slice %arg2[%dma_wait3A_124, %dma_wait3A_125] : memref<2x320000xi32, #tpu.memory_space<hbm>> -> memref<2x128xi32, #tpu.memory_space<hbm>>
        %dma_wait3A_127 = arith.constant 0 : i32
        %dma_wait3A_128 = arith.constant 0 : i32
        %dma_wait3A_129 = tpu.memref_slice %arg2[%dma_wait3A_127, %dma_wait3A_128] : memref<2x320000xi32, #tpu.memory_space<hbm>> -> memref<2x128xi32, #tpu.memory_space<hbm>>
        tpu.wait_dma2 semaphore(%arg10 : memref<!tpu.dma_semaphore, #tpu.memory_space<semaphore_mem>>) src(%dma_wait3A_129 : memref<2x128xi32, #tpu.memory_space<hbm>>) dst(%arg4 : memref<2x128xi32, #tpu.memory_space<vmem>>)
        %dma_wait3A_130 = arith.constant 0 : i32
        %dma_wait3A_131 = arith.constant 0 : i32
        %dma_wait3A_132 = tpu.memref_slice %arg2[%dma_wait3A_130, %dma_wait3A_131] : memref<2x320000xi32, #tpu.memory_space<hbm>> -> memref<2x128xi32, #tpu.memory_space<hbm>>
        %dma_wait3A_133 = arith.constant 0 : i32
        %dma_wait3A_134 = arith.constant 0 : i32
        %dma_wait3A_135 = tpu.memref_slice %arg2[%dma_wait3A_133, %dma_wait3A_134] : memref<2x320000xi32, #tpu.memory_space<hbm>> -> memref<2x128xi32, #tpu.memory_space<hbm>>
        tpu.wait_dma2 semaphore(%arg10 : memref<!tpu.dma_semaphore, #tpu.memory_space<semaphore_mem>>) src(%dma_wait3A_135 : memref<2x128xi32, #tpu.memory_space<hbm>>) dst(%arg5 : memref<2x128xi32, #tpu.memory_space<vmem>>)
      } else {
      }
      %scan3A_107 = arith.constant 0 : i32
      scf.yield %scan3A_107 : i32
    }
    %scan3A_64 = arith.constant 19 : i32
    %scan3A_65 = arith.constant 0 : i32
    %scan3A_66 = arith.constant 0 : i32
    %scan3A_67 = arith.constant 3 : i32
    %scan3A_68 = arith.addi %scan3A_66, %scan3A_67 : i32
    %scan3A_69 = arith.constant 1 : i32
    %scan3A_70 = scf.for %scan3A_80 = %scan3A_66 to %scan3A_68 step %scan3A_69 iter_args(%scan3A_81 = %scan3A_65) -> (i32)  : i32 {
      %add3A_82 = arith.constant 2432 : i32
      %add3A_83 = arith.addi %add3A_82, %add3A : i32
      %mul3A_84 = arith.constant 32 : i32
      %mul3A_85 = arith.muli %mul3A_84, %scan3A_80 : i32
      %add3A_86 = arith.addi %add3A_83, %mul3A_85 : i32
      %lt3A = arith.constant 2500 : i32
      %lt3A_87 = arith.cmpi slt, %add3A_86, %lt3A : i32
      %convert_element_type3A = arith.extui %lt3A_87 : i1 to i32
      %cond3A = arith.constant 0 : i32
      %cond3A_88 = arith.cmpi ne, %convert_element_type3A, %cond3A : i32
      scf.if %cond3A_88 {
        %mul3A_90 = arith.constant 128 : i32
        %mul3A_91 = arith.muli %add3A_86, %mul3A_90 : i32
        %dma_start3A_92 = arith.constant 0 : i32
        %dma_start3A_93 = tpu.memref_slice %arg2[%dma_start3A_92, %mul3A_91] : memref<2x320000xi32, #tpu.memory_space<hbm>> -> memref<2x128xi32, #tpu.memory_space<hbm>>
        %dma_start3A_94 = arith.constant 0 : i32
        %dma_start3A_95 = tpu.memref_slice %arg2[%dma_start3A_94, %mul3A_91] : memref<2x320000xi32, #tpu.memory_space<hbm>> -> memref<2x128xi32, #tpu.memory_space<hbm>>
        tpu.enqueue_dma source(%dma_start3A_95 : memref<2x128xi32, #tpu.memory_space<hbm>>) target(%arg4 : memref<2x128xi32, #tpu.memory_space<vmem>>) target_semaphore(%arg10 : memref<!tpu.dma_semaphore, #tpu.memory_space<semaphore_mem>>)
        %dma_wait3A_96 = arith.constant 0 : i32
        %dma_wait3A_97 = arith.constant 0 : i32
        %dma_wait3A_98 = tpu.memref_slice %arg2[%dma_wait3A_96, %dma_wait3A_97] : memref<2x320000xi32, #tpu.memory_space<hbm>> -> memref<2x128xi32, #tpu.memory_space<hbm>>
        %dma_wait3A_99 = arith.constant 0 : i32
        %dma_wait3A_100 = arith.constant 0 : i32
        %dma_wait3A_101 = tpu.memref_slice %arg2[%dma_wait3A_99, %dma_wait3A_100] : memref<2x320000xi32, #tpu.memory_space<hbm>> -> memref<2x128xi32, #tpu.memory_space<hbm>>
        tpu.wait_dma2 semaphore(%arg10 : memref<!tpu.dma_semaphore, #tpu.memory_space<semaphore_mem>>) src(%dma_wait3A_101 : memref<2x128xi32, #tpu.memory_space<hbm>>) dst(%arg4 : memref<2x128xi32, #tpu.memory_space<vmem>>)
        %run_scoped3A = arith.constant 1 : i32
        "tpu.region"() ({
          %run_scoped3A_102 = tpu.sem_alloc : memref<!tpu.dma_semaphore, #tpu.memory_space<semaphore_mem>>
          %dma_start3A_103 = arith.constant 0 : i32
          %dma_start3A_104 = tpu.memref_slice %arg4[%run_scoped3A, %dma_start3A_103] : memref<2x128xi32, #tpu.memory_space<vmem>> -> memref<1x128xi32, #tpu.memory_space<vmem>>
          %dma_start3A_105 = tpu.memref_squeeze %dma_start3A_104 : memref<1x128xi32, #tpu.memory_space<vmem>> -> memref<128xi32, #tpu.memory_space<vmem>>
          %dma_start3A_106 = arith.constant 0 : i32
          %dma_start3A_107 = tpu.memref_slice %arg11[%dma_start3A_106] : memref<10240xf32, #tpu.memory_space<vmem_shared>> -> memref<10240xf32, #tpu.memory_space<vmem_shared>>
          tpu.enqueue_indirect_dma source(%arg8 : memref<128xf32, #tpu.memory_space<vmem>>) target(%dma_start3A_107 : memref<10240xf32, #tpu.memory_space<vmem_shared>>) offsets(%dma_start3A_105 : memref<128xi32, #tpu.memory_space<vmem>>) semaphore(%run_scoped3A_102 : memref<!tpu.dma_semaphore, #tpu.memory_space<semaphore_mem>>) {add = true}
          %dma_wait3A_108 = arith.constant 0 : i32
          %dma_wait3A_109 = tpu.memref_slice %arg4[%run_scoped3A, %dma_wait3A_108] : memref<2x128xi32, #tpu.memory_space<vmem>> -> memref<1x128xi32, #tpu.memory_space<vmem>>
          %dma_wait3A_110 = tpu.memref_squeeze %dma_wait3A_109 : memref<1x128xi32, #tpu.memory_space<vmem>> -> memref<128xi32, #tpu.memory_space<vmem>>
          %dma_wait3A_111 = arith.constant 0 : i32
          %dma_wait3A_112 = tpu.memref_slice %arg11[%dma_wait3A_111] : memref<10240xf32, #tpu.memory_space<vmem_shared>> -> memref<10240xf32, #tpu.memory_space<vmem_shared>>
          tpu.wait_indirect_dma semaphore(%run_scoped3A_102 : memref<!tpu.dma_semaphore, #tpu.memory_space<semaphore_mem>>) src(%arg8 : memref<128xf32, #tpu.memory_space<vmem>>) dst(%dma_wait3A_112 : memref<10240xf32, #tpu.memory_space<vmem_shared>>)
          tpu.yield
        }) : () -> ()
      } else {
      }
      %scan3A_89 = arith.constant 0 : i32
      scf.yield %scan3A_89 : i32
    }
    %scan3A_71 = arith.constant 3 : i32
    %barrier3A_72 = arith.constant 0 : index
    tpu.barrier barrier_id(%barrier3A_72)
    %mul3A_73 = arith.constant 640 : i32
    %mul3A_74 = arith.muli %arg1, %mul3A_73 : i32
    %mul3A_75 = arith.constant 10240 : i32
    %mul3A_76 = arith.muli %arg0, %mul3A_75 : i32
    %mul3A_77 = arith.constant 640 : i32
    %mul3A_78 = arith.muli %arg1, %mul3A_77 : i32
    %add3A_79 = arith.addi %mul3A_76, %mul3A_78 : i32
    "tpu.region"() ({
      %run_scoped3A = tpu.sem_alloc : memref<!tpu.dma_semaphore, #tpu.memory_space<semaphore_mem>>
      %dma_start3A_80 = tpu.memref_slice %arg3[%add3A_79] : memref<20480xf32, #tpu.memory_space<hbm>> -> memref<640xf32, #tpu.memory_space<hbm>>
      %dma_start3A_81 = tpu.memref_slice %arg11[%mul3A_74] : memref<10240xf32, #tpu.memory_space<vmem_shared>> -> memref<640xf32, #tpu.memory_space<vmem_shared>>
      tpu.enqueue_dma source(%dma_start3A_81 : memref<640xf32, #tpu.memory_space<vmem_shared>>) target(%dma_start3A_80 : memref<640xf32, #tpu.memory_space<hbm>>) target_semaphore(%run_scoped3A : memref<!tpu.dma_semaphore, #tpu.memory_space<semaphore_mem>>)
      %dma_wait3A_82 = tpu.memref_slice %arg3[%add3A_79] : memref<20480xf32, #tpu.memory_space<hbm>> -> memref<640xf32, #tpu.memory_space<hbm>>
      %dma_wait3A_83 = tpu.memref_slice %arg11[%mul3A_74] : memref<10240xf32, #tpu.memory_space<vmem_shared>> -> memref<640xf32, #tpu.memory_space<vmem_shared>>
      tpu.wait_dma2 semaphore(%run_scoped3A : memref<!tpu.dma_semaphore, #tpu.memory_space<semaphore_mem>>) src(%dma_wait3A_83 : memref<640xf32, #tpu.memory_space<vmem_shared>>) dst(%dma_wait3A_82 : memref<640xf32, #tpu.memory_space<hbm>>)
      tpu.yield
    }) : () -> ()
    return
  }
}

module attributes {stable_mosaic.version = 14 : i64} {
  func.func @_y1_body(%arg0: i32, %arg1: memref<1000x128xf32, #tpu.memory_space<vmem>>, %arg2: memref<1000x1xf32, #tpu.memory_space<vmem>>, %arg3: memref<1000x1xf32, #tpu.memory_space<vmem>>, %arg4: memref<1000x128xf32, #tpu.memory_space<vmem>>) attributes {dimension_semantics = [#tpu.dimension_semantics<arbitrary>], iteration_bounds = array<i64: 10>, scalar_prefetch = 0 : i64, scratch_operands = 0 : i64, tpu.core_type = #tpu.core_type<tc>, window_params = [{transform_indices = @transform_0, window_bounds = array<i64: 1000, 128>}, {transform_indices = @transform_1, window_bounds = array<i64: 1000, 1>}, {transform_indices = @transform_2, window_bounds = array<i64: 1000, 1>}, {transform_indices = @transform_3, window_bounds = array<i64: 1000, 128>}]} {
    %get3A = arith.constant 0 : index
    %get3A_0 = arith.constant 0 : index
    %get3A_1 = vector.load %arg2[%get3A, %get3A_0] : memref<1000x1xf32, #tpu.memory_space<vmem>>, vector<1000x1xf32>
    %get3A_2 = arith.constant 0 : index
    %get3A_3 = arith.constant 0 : index
    %get3A_4 = vector.load %arg3[%get3A_2, %get3A_3] : memref<1000x1xf32, #tpu.memory_space<vmem>>, vector<1000x1xf32>
    %add3A = arith.addf %get3A_1, %get3A_4 : vector<1000x1xf32>
    %add3A_5 = arith.constant 1.000000e+00 : f32
    %add3A_6 = vector.broadcast %add3A_5 : f32 to vector<1000x1xf32>
    %add3A_7 = arith.addf %add3A, %add3A_6 : vector<1000x1xf32>
    %rsqrt3A = math.rsqrt %add3A_7 : vector<1000x1xf32>
    %get3A_8 = arith.constant 0 : index
    %get3A_9 = arith.constant 0 : index
    %get3A_10 = vector.load %arg1[%get3A_8, %get3A_9] : memref<1000x128xf32, #tpu.memory_space<vmem>>, vector<1000x128xf32>
    %mul3A = vector.broadcast %rsqrt3A : vector<1000x1xf32> to vector<1000x128xf32>
    %mul3A_11 = arith.mulf %mul3A, %get3A_10 : vector<1000x128xf32>
    %swap3A = arith.constant 0 : index
    %swap3A_12 = arith.constant 0 : index
    %swap3A_13 = vector.load %arg4[%swap3A, %swap3A_12] : memref<1000x128xf32, #tpu.memory_space<vmem>>, vector<1000x128xf32>
    tpu.vector_store %arg4[%swap3A, %swap3A_12], %mul3A_11 {strides = array<i32>} : memref<1000x128xf32, #tpu.memory_space<vmem>>, vector<1000x128xf32>,
    return
  }
  func.func @transform_0(%arg0: i32) -> (i32, i32) {
    %c0_i32 = arith.constant 0 : i32
    %c0_i32_0 = arith.constant 0 : i32
    return %arg0, %c0_i32 : i32, i32
  }
  func.func @transform_1(%arg0: i32) -> (i32, i32) {
    %c0_i32 = arith.constant 0 : i32
    %c0_i32_0 = arith.constant 0 : i32
    return %arg0, %c0_i32 : i32, i32
  }
  func.func @transform_2(%arg0: i32) -> (i32, i32) {
    %c0_i32 = arith.constant 0 : i32
    %c0_i32_0 = arith.constant 0 : i32
    return %arg0, %c0_i32 : i32, i32
  }
  func.func @transform_3(%arg0: i32) -> (i32, i32) {
    %c0_i32 = arith.constant 0 : i32
    %c0_i32_0 = arith.constant 0 : i32
    return %arg0, %c0_i32 : i32, i32
  }
}

module attributes {stable_mosaic.version = 14 : i64} {
  func.func @_mm_body(%arg0: i32, %arg1: memref<1000x128xf32, #tpu.memory_space<vmem>>, %arg2: memref<128x128xf32, #tpu.memory_space<vmem>>, %arg3: memref<1000x128xf32, #tpu.memory_space<vmem>>) attributes {dimension_semantics = [#tpu.dimension_semantics<arbitrary>], iteration_bounds = array<i64: 10>, scalar_prefetch = 0 : i64, scratch_operands = 0 : i64, tpu.core_type = #tpu.core_type<tc>, window_params = [{transform_indices = @transform_0, window_bounds = array<i64: 1000, 128>}, {pipeline_mode = #tpu.pipeline_mode<synchronous>, transform_indices = @transform_1, window_bounds = array<i64: 128, 128>}, {transform_indices = @transform_2, window_bounds = array<i64: 1000, 128>}]} {
    %get3A = arith.constant 0 : index
    %get3A_0 = arith.constant 0 : index
    %get3A_1 = vector.load %arg1[%get3A, %get3A_0] : memref<1000x128xf32, #tpu.memory_space<vmem>>, vector<1000x128xf32>
    %get3A_2 = arith.constant 0 : index
    %get3A_3 = arith.constant 0 : index
    %get3A_4 = vector.load %arg2[%get3A_2, %get3A_3] : memref<128x128xf32, #tpu.memory_space<vmem>>, vector<128x128xf32>
    %dot_general3A = arith.constant dense<0.000000e+00> : vector<1000x128xf32>
    %dot_general3A_5 = tpu.matmul %get3A_1, %get3A_4, %dot_general3A {dimension_numbers = #tpu.dot_dimension_numbers<[1], [0], [0], [1], [0, 0, 1, 1], [], []>, transpose_lhs_hint = false} : vector<1000x128xf32>, vector<128x128xf32>, vector<1000x128xf32> -> vector<1000x128xf32>
    %swap3A = arith.constant 0 : index
    %swap3A_6 = arith.constant 0 : index
    %swap3A_7 = vector.load %arg3[%swap3A, %swap3A_6] : memref<1000x128xf32, #tpu.memory_space<vmem>>, vector<1000x128xf32>
    tpu.vector_store %arg3[%swap3A, %swap3A_6], %dot_general3A_5 {strides = array<i32>} : memref<1000x128xf32, #tpu.memory_space<vmem>>, vector<1000x128xf32>,
    return
  }
  func.func @transform_0(%arg0: i32) -> (i32, i32) {
    %c0_i32 = arith.constant 0 : i32
    %c0_i32_0 = arith.constant 0 : i32
    return %arg0, %c0_i32 : i32, i32
  }
  func.func @transform_1(%arg0: i32) -> (i32, i32) {
    %c0_i32 = arith.constant 0 : i32
    %c0_i32_0 = arith.constant 0 : i32
    %c0_i32_1 = arith.constant 0 : i32
    return %c0_i32, %c0_i32_0 : i32, i32
  }
  func.func @transform_2(%arg0: i32) -> (i32, i32) {
    %c0_i32 = arith.constant 0 : i32
    %c0_i32_0 = arith.constant 0 : i32
    return %arg0, %c0_i32 : i32, i32
  }
}

module attributes {stable_mosaic.version = 14 : i64} {
  func.func @_h_body(%arg0: i32, %arg1: memref<2x1000x128xf32, #tpu.memory_space<vmem>>, %arg2: memref<1000x128xf32, #tpu.memory_space<vmem>>, %arg3: memref<1000x1xf32, #tpu.memory_space<vmem>>, %arg4: memref<1000x1xf32, #tpu.memory_space<vmem>>, %arg5: memref<1x128xf32, #tpu.memory_space<vmem>>, %arg6: memref<1000x128xf32, #tpu.memory_space<vmem>>) attributes {dimension_semantics = [#tpu.dimension_semantics<arbitrary>], iteration_bounds = array<i64: 10>, scalar_prefetch = 0 : i64, scratch_operands = 0 : i64, tpu.core_type = #tpu.core_type<tc>, window_params = [{transform_indices = @transform_0, window_bounds = array<i64: 2, 1000, 128>}, {transform_indices = @transform_1, window_bounds = array<i64: 1000, 128>}, {transform_indices = @transform_2, window_bounds = array<i64: 1000, 1>}, {transform_indices = @transform_3, window_bounds = array<i64: 1000, 1>}, {pipeline_mode = #tpu.pipeline_mode<synchronous>, transform_indices = @transform_4, window_bounds = array<i64: 1, 128>}, {transform_indices = @transform_5, window_bounds = array<i64: 1000, 128>}]} {
    %get3A = arith.constant 0 : index
    %get3A_0 = arith.constant 0 : index
    %get3A_1 = vector.load %arg3[%get3A, %get3A_0] : memref<1000x1xf32, #tpu.memory_space<vmem>>, vector<1000x1xf32>
    %get3A_2 = arith.constant 0 : index
    %get3A_3 = arith.constant 0 : index
    %get3A_4 = vector.load %arg4[%get3A_2, %get3A_3] : memref<1000x1xf32, #tpu.memory_space<vmem>>, vector<1000x1xf32>
    %add3A = arith.addf %get3A_1, %get3A_4 : vector<1000x1xf32>
    %add3A_5 = arith.constant 1.000000e+00 : f32
    %add3A_6 = vector.broadcast %add3A_5 : f32 to vector<1000x1xf32>
    %add3A_7 = arith.addf %add3A, %add3A_6 : vector<1000x1xf32>
    %rsqrt3A = math.rsqrt %add3A_7 : vector<1000x1xf32>
    %get3A_8 = arith.constant 0 : index
    %get3A_9 = arith.constant 0 : index
    %get3A_10 = arith.constant 0 : index
    %get3A_11 = vector.load %arg1[%get3A_8, %get3A_9, %get3A_10] : memref<2x1000x128xf32, #tpu.memory_space<vmem>>, vector<1x1000x128xf32>
    %get3A_12 = vector.shape_cast %get3A_11 : vector<1x1000x128xf32> to vector<1000x128xf32>
    %get3A_13 = arith.constant 1 : index
    %get3A_14 = arith.constant 0 : index
    %get3A_15 = arith.constant 0 : index
    %get3A_16 = vector.load %arg1[%get3A_13, %get3A_14, %get3A_15] : memref<2x1000x128xf32, #tpu.memory_space<vmem>>, vector<1x1000x128xf32>
    %get3A_17 = vector.shape_cast %get3A_16 : vector<1x1000x128xf32> to vector<1000x128xf32>
    %add3A_18 = arith.addf %get3A_12, %get3A_17 : vector<1000x128xf32>
    %get3A_19 = arith.constant 0 : index
    %get3A_20 = arith.constant 0 : index
    %get3A_21 = vector.load %arg2[%get3A_19, %get3A_20] : memref<1000x128xf32, #tpu.memory_space<vmem>>, vector<1000x128xf32>
    %add3A_22 = arith.addf %add3A_18, %get3A_21 : vector<1000x128xf32>
    %mul3A = vector.broadcast %rsqrt3A : vector<1000x1xf32> to vector<1000x128xf32>
    %mul3A_23 = arith.mulf %mul3A, %add3A_22 : vector<1000x128xf32>
    %get3A_24 = arith.constant 0 : index
    %get3A_25 = arith.constant 0 : index
    %get3A_26 = vector.load %arg5[%get3A_24, %get3A_25] : memref<1x128xf32, #tpu.memory_space<vmem>>, vector<1x128xf32>
    %add3A_27 = vector.broadcast %get3A_26 : vector<1x128xf32> to vector<1000x128xf32>
    %add3A_28 = arith.addf %mul3A_23, %add3A_27 : vector<1000x128xf32>
    %max3A = arith.constant 0.000000e+00 : f32
    %max3A_29 = vector.broadcast %max3A : f32 to vector<1000x128xf32>
    %max3A_30 = arith.maximumf %add3A_28, %max3A_29 : vector<1000x128xf32>
    %mul3A_31 = vector.broadcast %rsqrt3A : vector<1000x1xf32> to vector<1000x128xf32>
    %mul3A_32 = arith.mulf %mul3A_31, %max3A_30 : vector<1000x128xf32>
    %swap3A = arith.constant 0 : index
    %swap3A_33 = arith.constant 0 : index
    %swap3A_34 = vector.load %arg6[%swap3A, %swap3A_33] : memref<1000x128xf32, #tpu.memory_space<vmem>>, vector<1000x128xf32>
    tpu.vector_store %arg6[%swap3A, %swap3A_33], %mul3A_32 {strides = array<i32>} : memref<1000x128xf32, #tpu.memory_space<vmem>>, vector<1000x128xf32>,
    return
  }
  func.func @transform_0(%arg0: i32) -> (i32, i32, i32) {
    %c0_i32 = arith.constant 0 : i32
    %c0_i32_0 = arith.constant 0 : i32
    %c0_i32_1 = arith.constant 0 : i32
    return %c0_i32, %arg0, %c0_i32_0 : i32, i32, i32
  }
  func.func @transform_1(%arg0: i32) -> (i32, i32) {
    %c0_i32 = arith.constant 0 : i32
    %c0_i32_0 = arith.constant 0 : i32
    return %arg0, %c0_i32 : i32, i32
  }
  func.func @transform_2(%arg0: i32) -> (i32, i32) {
    %c0_i32 = arith.constant 0 : i32
    %c0_i32_0 = arith.constant 0 : i32
    return %arg0, %c0_i32 : i32, i32
  }
  func.func @transform_3(%arg0: i32) -> (i32, i32) {
    %c0_i32 = arith.constant 0 : i32
    %c0_i32_0 = arith.constant 0 : i32
    return %arg0, %c0_i32 : i32, i32
  }
  func.func @transform_4(%arg0: i32) -> (i32, i32) {
    %c0_i32 = arith.constant 0 : i32
    %c0_i32_0 = arith.constant 0 : i32
    %c0_i32_1 = arith.constant 0 : i32
    return %c0_i32, %c0_i32_0 : i32, i32
  }
  func.func @transform_5(%arg0: i32) -> (i32, i32) {
    %c0_i32 = arith.constant 0 : i32
    %c0_i32_0 = arith.constant 0 : i32
    return %arg0, %c0_i32 : i32, i32
  }
}

module attributes {stable_mosaic.version = 14 : i64} {
  func.func @_z_body(%arg0: i32, %arg1: memref<2x1024x128xf32, #tpu.memory_space<vmem>>, %arg2: memref<1024x128xf32, #tpu.memory_space<vmem>>, %arg3: memref<8x128xf32, #tpu.memory_space<vmem>>, %arg4: memref<8x128xf32, #tpu.memory_space<vmem>>, %arg5: memref<64x1xf32, #tpu.memory_space<vmem>>, %arg6: memref<128x64xf32, #tpu.memory_space<vmem>>, %arg7: memref<64x1024xf32, #tpu.memory_space<vmem>>) attributes {dimension_semantics = [#tpu.dimension_semantics<arbitrary>], iteration_bounds = array<i64: 10>, scalar_prefetch = 0 : i64, scratch_operands = 0 : i64, tpu.core_type = #tpu.core_type<tc>, window_params = [{transform_indices = @transform_0, window_bounds = array<i64: 2, 1024, 128>}, {transform_indices = @transform_1, window_bounds = array<i64: 1024, 128>}, {transform_indices = @transform_2, window_bounds = array<i64: 8, 128>}, {transform_indices = @transform_3, window_bounds = array<i64: 8, 128>}, {pipeline_mode = #tpu.pipeline_mode<synchronous>, transform_indices = @transform_4, window_bounds = array<i64: 64, 1>}, {pipeline_mode = #tpu.pipeline_mode<synchronous>, transform_indices = @transform_5, window_bounds = array<i64: 128, 64>}, {transform_indices = @transform_6, window_bounds = array<i64: 64, 1024>}]} {
    %get3A = arith.constant 0 : index
    %get3A_0 = arith.constant 0 : index
    %get3A_1 = vector.load %arg3[%get3A, %get3A_0] : memref<8x128xf32, #tpu.memory_space<vmem>>, vector<8x128xf32>
    %get3A_2 = arith.constant 0 : index
    %get3A_3 = arith.constant 0 : index
    %get3A_4 = vector.load %arg4[%get3A_2, %get3A_3] : memref<8x128xf32, #tpu.memory_space<vmem>>, vector<8x128xf32>
    %add3A = arith.addf %get3A_1, %get3A_4 : vector<8x128xf32>
    %add3A_5 = arith.constant 1.000000e+00 : f32
    %add3A_6 = vector.broadcast %add3A_5 : f32 to vector<8x128xf32>
    %add3A_7 = arith.addf %add3A, %add3A_6 : vector<8x128xf32>
    %rsqrt3A = math.rsqrt %add3A_7 : vector<8x128xf32>
    %reshape3A = vector.shape_cast %rsqrt3A : vector<8x128xf32> to vector<1x1024xf32>
    %get3A_8 = arith.constant 0 : index
    %get3A_9 = arith.constant 0 : index
    %get3A_10 = arith.constant 0 : index
    %get3A_11 = vector.load %arg1[%get3A_8, %get3A_9, %get3A_10] : memref<2x1024x128xf32, #tpu.memory_space<vmem>>, vector<1x1024x128xf32>
    %get3A_12 = vector.shape_cast %get3A_11 : vector<1x1024x128xf32> to vector<1024x128xf32>
    %get3A_13 = arith.constant 1 : index
    %get3A_14 = arith.constant 0 : index
    %get3A_15 = arith.constant 0 : index
    %get3A_16 = vector.load %arg1[%get3A_13, %get3A_14, %get3A_15] : memref<2x1024x128xf32, #tpu.memory_space<vmem>>, vector<1x1024x128xf32>
    %get3A_17 = vector.shape_cast %get3A_16 : vector<1x1024x128xf32> to vector<1024x128xf32>
    %add3A_18 = arith.addf %get3A_12, %get3A_17 : vector<1024x128xf32>
    %get3A_19 = arith.constant 0 : index
    %get3A_20 = arith.constant 0 : index
    %get3A_21 = vector.load %arg2[%get3A_19, %get3A_20] : memref<1024x128xf32, #tpu.memory_space<vmem>>, vector<1024x128xf32>
    %add3A_22 = arith.addf %add3A_18, %get3A_21 : vector<1024x128xf32>
    %get3A_23 = arith.constant 0 : index
    %get3A_24 = arith.constant 0 : index
    %get3A_25 = vector.load %arg6[%get3A_23, %get3A_24] : memref<128x64xf32, #tpu.memory_space<vmem>>, vector<128x64xf32>
    %dot_general3A = arith.constant dense<0.000000e+00> : vector<64x1024xf32>
    %dot_general3A_26 = tpu.matmul %get3A_25, %add3A_22, %dot_general3A {dimension_numbers = #tpu.dot_dimension_numbers<[0], [1], [1], [0], [0, 1, 1, 0], [], []>, transpose_lhs_hint = false} : vector<128x64xf32>, vector<1024x128xf32>, vector<64x1024xf32> -> vector<64x1024xf32>
    %mul3A = vector.broadcast %reshape3A : vector<1x1024xf32> to vector<64x1024xf32>
    %mul3A_27 = arith.mulf %mul3A, %dot_general3A_26 : vector<64x1024xf32>
    %get3A_28 = arith.constant 0 : index
    %get3A_29 = arith.constant 0 : index
    %get3A_30 = vector.load %arg5[%get3A_28, %get3A_29] : memref<64x1xf32, #tpu.memory_space<vmem>>, vector<64x1xf32>
    %add3A_31 = vector.broadcast %get3A_30 : vector<64x1xf32> to vector<64x1024xf32>
    %add3A_32 = arith.addf %mul3A_27, %add3A_31 : vector<64x1024xf32>
    %swap3A = arith.constant 0 : index
    %swap3A_33 = arith.constant 0 : index
    %swap3A_34 = vector.load %arg7[%swap3A, %swap3A_33] : memref<64x1024xf32, #tpu.memory_space<vmem>>, vector<64x1024xf32>
    tpu.vector_store %arg7[%swap3A, %swap3A_33], %add3A_32 {strides = array<i32>} : memref<64x1024xf32, #tpu.memory_space<vmem>>, vector<64x1024xf32>,
    return
  }
  func.func @transform_0(%arg0: i32) -> (i32, i32, i32) {
    %c0_i32 = arith.constant 0 : i32
    %c0_i32_0 = arith.constant 0 : i32
    %c0_i32_1 = arith.constant 0 : i32
    return %c0_i32, %arg0, %c0_i32_0 : i32, i32, i32
  }
  func.func @transform_1(%arg0: i32) -> (i32, i32) {
    %c0_i32 = arith.constant 0 : i32
    %c0_i32_0 = arith.constant 0 : i32
    return %arg0, %c0_i32 : i32, i32
  }
  func.func @transform_2(%arg0: i32) -> (i32, i32) {
    %c0_i32 = arith.constant 0 : i32
    %c0_i32_0 = arith.constant 0 : i32
    return %arg0, %c0_i32 : i32, i32
  }
  func.func @transform_3(%arg0: i32) -> (i32, i32) {
    %c0_i32 = arith.constant 0 : i32
    %c0_i32_0 = arith.constant 0 : i32
    return %arg0, %c0_i32 : i32, i32
  }
  func.func @transform_4(%arg0: i32) -> (i32, i32) {
    %c0_i32 = arith.constant 0 : i32
    %c0_i32_0 = arith.constant 0 : i32
    %c0_i32_1 = arith.constant 0 : i32
    return %c0_i32, %c0_i32_0 : i32, i32
  }
  func.func @transform_5(%arg0: i32) -> (i32, i32) {
    %c0_i32 = arith.constant 0 : i32
    %c0_i32_0 = arith.constant 0 : i32
    %c0_i32_1 = arith.constant 0 : i32
    return %c0_i32, %c0_i32_0 : i32, i32
  }
  func.func @transform_6(%arg0: i32) -> (i32, i32) {
    %c0_i32 = arith.constant 0 : i32
    %c0_i32_0 = arith.constant 0 : i32
    return %c0_i32, %arg0 : i32, i32
  }
}

</mosaic_0001>

<sc_bundles>
// kernel: kernel.12.cloned.1.call-start
scs
__scs_entry_jumppad:
0x0: {  	(pc) =	sbr.rel $0x88, $3  }
0x1: {  	(tag) =	ssettag $0x0;
	lr =	simm.s32 $0x1  }
0x2: {  	[smem:$0x3F9B] =	sst lr;
	_ =	strace $0xD0000000  }
0x3: {  	_ = 	snop  }
0x4: {  	_ = 	snop  }
0x5: {  	_ = 	snop  }
0x6: {  	_ = 	snop  }
0x7: {  	_ = 	snop  }
__scs_overlays_trampoline_lowered:
0x8: {  	[smem:$0x3FAA] =	sst s0  }
0x9: {  	[smem:$0x3FAB] =	sst s1  }
0xa: {  	[smem:$0x3FAC] =	sst s2  }
0xb: {  	[smem:$0x3FAD] =	sst s3  }
0xc: {  	[smem:$0x3FAE] =	sst s4  }
0xd: {  	[smem:$0x3FAF] =	sst s5  }
0xe: {  	[smem:$0x3FB0] =	sst s6  }
0xf: {  	[smem:$0x3FB1] =	sst s7  }
0x10: {  	[smem:$0x3FB2] =	sst s8  }
0x11: {  	[smem:$0x3FB3] =	sst s9;
	s0 =	simm.s32 @!p0 $0x0  }
0x12: {  	s1 =	sld [smem:$0x3F99];
	s0 =	simm.s32 @p0 $0x1  }
0x13: {  	[smem:$0x3FB4] =	sst s0;
	s0 =	simm.s32 @!p1 $0x0  }
0x14: {  	s2 =	sld [smem:$0x3F98];
	s0 =	simm.s32 @p1 $0x1  }
0x15: {  	[smem:$0x3FB5] =	sst s0;
	s0 =	simm.s32 @!p2 $0x0  }
0x16: {  	s3 =	sld [smem:$0x3FDB];
	s0 =	simm.s32 @p2 $0x1  }
0x17: {  	s4 =	simm.s32 $0x1BF5;
	[smem:$0x3FB7] =	sst s0  }
0x18: {  	s0 =	sld [smem:$0x3F9A];
	_ =	swait.ge [sflag:s4], $0x0  }
0x19: {  	s7 =	sld [smem:$0x3F9B]  }
0x1a: {  	s8 =	sadd.s32 $0xFFFFE003, lr  }
0x1b: {  	s9 =	sadd.s32 $0xFFFFFEF7, lr;
	s5 =	simm.s32 $0xFFFFFFFF;
	p2 =	slt.u32 s8, $0xFFFFF086  }
0x1c: {  	p1 =	slt.u32 s9, $0xF7A;
	s5 =	simm.s32 @!p2 $0x0  }
0x1d: {  	s5 =	simm.s32 @p1 $0x1;
	p0 =	seq.s32 s7, s2  }
0x1e: {  	s7 =	smul.u32 @!p0 $0xF7A, s2;
	p2 =	seq.s32 @!p0 s5, $0x0  }
0x1f: {  	s9 =	smul.u32 $0xF7A, s1;
	s8 =	simm.s32 @!p0 $0x1BF5;
	p2 =	por !p2, p0  }
0x20: {  	[sflag:s8] =	ssyncset.s32 @!p0 $0xFFFFF086;
	s6 =	sadd.s32 @!p0 s3, s7;
	s7 =	simm.s32 @!p0 $0x108  }
0x21: {  	s3 =	sadd.s32 s3, s9;
	s6 =	sadd.s32 @!p0 $0x88, s6;
	s7 =	simm.s32 @p2 $0x1082  }
0x22: {  	[simem:s7], [sflag:s8] =	dma.local @!p0 [hbm:s6], $0xF7A  }
0x23: {  	s9 =	sor.u32 $0xD0000000, s2;
	s6 =	simm.s32 $0x108;
	_ =	swait.ge @!p0 [sflag:s8], $0x0  }
0x24: {  	s3 =	sadd.s32 $0x88, s3;
	s6 =	simm.s32 @!p1 $0x1082;
	[sflag:s4] =	ssyncset.s32 $0xFFFFF086  }
0x25: {  	[simem:s6], [sflag:s4] =	dma.local [hbm:s3], $0xF7A  }
0x26: {  	[smem:$0x3F9B] =	sst s1;
	(tag) =	ssettag s2;
	_ =	strace s9  }
0x27: {  	s1 =	sld [smem:$0x3FAB]  }
0x28: {  	s2 =	sld [smem:$0x3FAC]  }
0x29: {  	s4 =	sld [smem:$0x3FAE]  }
0x2a: {  	p0 =	seq.s32 s5, $0x0;
	s5 =	sld [smem:$0x3FAF]  }
0x2b: {  	s6 =	sld [smem:$0x3FB0]  }
0x2c: {  	s7 =	sld [smem:$0x3FB1]  }
0x2d: {  	s3 =	simm.s32 $0x108;
	s8 =	sld [smem:$0x3FB2]  }
0x2e: {  	s3 =	simm.s32 @!p0 $0x1082;
	s9 =	sld [smem:$0x3FB3]  }
0x2f: {  	lr =	sadd.s32 s0, s3;
	s0 =	sld [smem:$0x3FAA]  }
0x30: {  	s3 =	sld [smem:$0x3FAD]  }
0x31: {  	[smem:$0x3FB6] =	sst s10  }
0x32: {  	s10 =	sld [smem:$0x3FB4];
	_ =	sdelay $0x3  }
0x33: {  	p0 =	seq.s32 s10, $0x1;
	s10 =	sld [smem:$0x3FB6];
	_ =	sdelay $0x3  }
0x34: {  	[smem:$0x3FB6] =	sst s10  }
0x35: {  	s10 =	sld [smem:$0x3FB5];
	_ =	sdelay $0x3  }
0x36: {  	p1 =	seq.s32 s10, $0x1;
	s10 =	sld [smem:$0x3FB6];
	_ =	sdelay $0x3  }
0x37: {  	[smem:$0x3FB6] =	sst s10  }
0x38: {  	s10 =	sld [smem:$0x3FB7]  }
0x39: {  	_ = 	snop;
	(pc) =	sbr.ind lr, $3  }
0x3a: {  	_ = 	snop  }
0x3b: {  	_ = 	snop  }
0x3c: {  	p2 =	seq.s32 s10, $0x1;
	s10 =	sld [smem:$0x3FB6]  }
0x3d: {  	_ =	shalt  }
0x3e: {  	_ =	shalt  }
0x3f: {  	_ =	shalt  }
0x40: {  	_ =	shalt  }
0x41: {  	_ =	shalt  }
0x42: {  	_ =	shalt  }
0x43: {  	_ =	shalt  }
0x44: {  	_ =	shalt  }
0x45: {  	_ =	shalt  }
0x46: {  	_ =	shalt  }
0x47: {  	_ =	shalt  }
0x48: {  	_ =	shalt  }
0x49: {  	_ =	shalt  }
0x4a: {  	_ =	shalt  }
0x4b: {  	_ =	shalt  }
0x4c: {  	_ =	shalt  }
0x4d: {  	_ =	shalt  }
0x4e: {  	_ =	shalt  }
0x4f: {  	_ =	shalt  }
0x50: {  	_ =	shalt  }
0x51: {  	_ =	shalt  }
0x52: {  	_ =	shalt  }
0x53: {  	_ =	shalt  }
0x54: {  	_ =	shalt  }
0x55: {  	_ =	shalt  }
0x56: {  	_ =	shalt  }
0x57: {  	_ =	shalt  }
0x58: {  	_ =	shalt  }
0x59: {  	_ =	shalt  }
0x5a: {  	_ =	shalt  }
0x5b: {  	_ =	shalt  }
0x5c: {  	_ =	shalt  }
0x5d: {  	_ =	shalt  }
0x5e: {  	_ =	shalt  }
0x5f: {  	_ =	shalt  }
0x60: {  	_ =	shalt  }
0x61: {  	_ =	shalt  }
0x62: {  	_ =	shalt  }
0x63: {  	_ =	shalt  }
0x64: {  	_ =	shalt  }
0x65: {  	_ =	shalt  }
0x66: {  	_ =	shalt  }
0x67: {  	_ =	shalt  }
0x68: {  	_ =	shalt  }
0x69: {  	_ =	shalt  }
0x6a: {  	_ =	shalt  }
0x6b: {  	_ =	shalt  }
0x6c: {  	_ =	shalt  }
0x6d: {  	_ =	shalt  }
0x6e: {  	_ =	shalt  }
0x6f: {  	_ =	shalt  }
0x70: {  	_ =	shalt  }
0x71: {  	_ =	shalt  }
0x72: {  	_ =	shalt  }
0x73: {  	_ =	shalt  }
0x74: {  	_ =	shalt  }
0x75: {  	_ =	shalt  }
0x76: {  	_ =	shalt  }
0x77: {  	_ =	shalt  }
0x78: {  	_ =	shalt  }
0x79: {  	_ =	shalt  }
0x7a: {  	_ =	shalt  }
0x7b: {  	_ =	shalt  }
0x7c: {  	_ =	shalt  }
0x7d: {  	_ =	shalt  }
0x7e: {  	_ =	shalt  }
0x7f: {  	_ =	shalt  }
0x80: {  	_ =	shalt  }
0x81: {  	_ =	shalt  }
0x82: {  	_ =	shalt  }
0x83: {  	_ =	shalt  }
0x84: {  	_ =	shalt  }
0x85: {  	_ =	shalt  }
0x86: {  	_ =	shalt  }
0x87: {  	_ =	shalt  }
.Lfunc_end0:
.L_simem_size_0:
called_computation.1_lowered:
.L_overlay_start_0:
0x88: {  	s2 =	sld [smem:$0x3FD9]  }
0x89: {  	s3 =	sld [smem:$0x3FFE];
	_ =	sdelay $0x1  }
0x8a: {  	s1 =	srdreg.scid  }
0x8b: {  	s0 =	sand.u32 $0x1, s1  }
0x8c: {  	s17 =	sshll.u32 s0, $0xA;
	s2 =	sadd.s32 s3, s2  }
0x8d: {  	s2 =	sadd.s32 s2, s17  }
0x8e: {  	[smem:$0x3FC2] =	sst s2  }
0x8f: {  	_ = 	snop  }
0x90: {  	s2 =	sld [smem:$0x3FC8];
	(tm) =	ssettm $0x1  }
0x91: {  	s18 =	sld [smem:$0x3FFB];
	_ =	sdelay $0x3  }
0x92: {  	_ =	strace s18  }
0x93: {  	s3 =	sld [smem:$0x3FFC];
	_ =	sdelay $0x3  }
0x94: {  	_ =	strace s3  }
0x95: {  	s3 =	sld [smem:$0x3FFD];
	_ =	sdelay $0x3  }
0x96: {  	_ =	strace s3  }
0x97: {  	_ =	strace $0x8FFFFFFF  }
0x98: {  	s19 =	sld [smem:$0x3FDB];
	_ =	sdelay $0x1  }
0x99: {  	s4 =	simm.s32 $_scs_section_size  }
0x9a: {  	s5 =	simm.s32 $_size__tile_overlayer_lowered;
	s6 =	simm.s32 $_tile_overlayer_lowered  }
0x9b: {  	s22 =	simm.s32 $0x1BFF;
	s21 =	sshll.u32 s6, $0x1;
	s3 =	sadd.s32 s4, s19  }
0x9c: {  	s7 =	simm.s32 $0x0;
	s20 =	sshll.u32 s5, $0x1;
	s5 =	sadd.s32 s21, s3  }
0x9d: {  	[timem:s7], [sflag:s22] =	dma.local [hbm:s5], s20  }
0x9e: {  	_ =	swait.ge [sflag:s22], s20  }
0x9f: {  	s4 =	ssub.s32 $0x0, s20;
	[sflag:s22] =	ssyncset.done $0x0  }
0xa0: {  	[sflag:s22] =	ssyncadd.s32 s4;
	_ =	sdelay $0x1  }
0xa1: {  	s23 =	simm.s32 $0x1B8B  }
0xa2: {  	_ =	swait.ge [sflag:s23], $0x1  }
0xa3: {  	[sflag:s23] =	ssyncset.done $0x0  }
0xa4: {  	s25 =	simm.s32 $0x1B8E;
	s24 =	sld [smem:$0x3FFE];
	[sflag:s23] =	ssyncadd.s32 $0xFFFFFFFF  }
0xa5: {  	s26 =	simm.s32 $execute0_lowered;
	[smem:$0x3FD2] =	sst s25  }
0xa6: {  	s5 =	sshll.u32 s26, $0x1;
	_ =	strace $0x80000049;
	[dreg:$0x1] =	wrdreg $0xFFFFFFFF  }
0xa7: {  	s28 =	simm.s32 $_size_execute0_lowered;
	s3 =	sadd.s32 s3, s5;
	[dreg:$0x0] =	wrdreg $0x0  }
0xa8: {  	s5 =	sshll.u32 s28, $0x1;
	[dreg:$0x2] =	wrdreg s3  }
0xa9: {  	[dreg:$0x3] =	wrdreg s5  }
0xaa: {  	[dreg:$0x4] =	wrdreg $0xC0  }
0xab: {  	_ =	task [dreg:s7], $0x5FFFF  }
0xac: {  	[dreg:$0x1] =	wrdreg $0xFFFFFFFF  }
0xad: {  	[dreg:$0x0] =	wrdreg $0x60  }
0xae: {  	[dreg:$0x2] =	wrdreg s24  }
0xaf: {  	[dreg:$0x3] =	wrdreg s2  }
0xb0: {  	[dreg:$0x4] =	wrdreg $0x94000  }
0xb1: {  	[dreg:$0x5] =	wrdreg $0x9  }
0xb2: {  	_ =	task.clear_ibuf [dreg:s7], $0x6FFFF;
	_ =	strace $0x90000049  }
0xb3: {  	s29 =	simm.s32 $0x9;
	_ =	strace $0x8000004B  }
0xb4: {  	_ =	swait.ge [sflag:s29], $0x1  }
0xb5: {  	[sflag:s29] =	ssyncadd.s32 $0xFFFFFFFF  }
0xb6: {  	_ =	strace $0x9000004B  }
0xb7: {  	_ =	sfence  }
0xb8: {  	s30 =	sld [smem:$0x0];
	_ =	sdelay $0x2  }
0xb9: {  	s31 =	sshll.u32 s1, $0xD;
	s1 =	sshrl.u32 s1, $0x2  }
0xba: {  	s3 =	sand.u32 $0x4000, s31;
	s1 =	sadd.s32 s1, s30  }
0xbb: {  	s0 =	sor.u32 s3, s0;
	s1 =	sshll.u32 s1, $0x11  }
0xbc: {  	s0 =	sor.u32 s1, s0  }
0xbd: {  	s0 =	sadd.s32 $0x8F2B, s0  }
0xbe: {  	[sflag:s0] =	ssyncadd.remote.s32 $0x1  }
0xbf: {  	_ =	sfence.sel $0xFFFF  }
0xc0: {  	[dreg:$0x0] =	wrdreg $0xFFFFFFFF;
	(pc) =	sbr.abs _section_cstart, $3  }
0xc1: {  	[dreg:$0x1] =	wrdreg $0xFFFFFFFF  }
0xc2: {  	_ =	task.clear_ibuf [dreg:s7], $0x2FFFF;
	_ =	strace $0x9FFFFFFF  }
0xc3: {  	(tm) =	ssettm $0x7FFFFFFF  }
tec
execute0_lowered:
.L_overlay_start_1:
0x0: {  	(tag) =	ssettag $0x1  }
0x1: {  	s0 =	rddreg [dreg:$0x0]  }
0x2: {  	s1 =	rddreg [dreg:$0x1];
	s11 =	stileid.u32  }
0x3: {  	s2 =	rddreg [dreg:$0x2];
	s6 =	smul.u32 $0x14000, s11  }
0x4: {  	s3 =	srdreg.scid;
	s22 =	smul.u32 $0x50000, s11  }
0x5: {  	s5 =	sand.u32 $0x1, s3;
	s3 =	simm.s32 $0x0;
	s20 =	smul.u32 $0x980, s11  }
0x6: {  	s4 =	smul.u32 $0x140000, s5;
	s7 =	sshll.u32 s5, $0x4;
	s9 =	ssub.s32 $0x2, s5  }
0x7: {  	s17 =	smul.u32 $0x9800, s5;
	s7 =	sor.u32 s11, s7;
	s10 =	sshrl.u32 s9, $0x1  }
0x8: {  	[smem:$0x7FF] =	sst s3;
	s8 =	smul.u32 $0x980, s7;
	s23 =	ssub.s32 s9, s10  }
0x9: {  	_ =	strace $0x8000004A;
	s6 =	sadd.s32 s6, s4;
	s28 =	smax.u32 s23, $0x1  }
0xa: {  	s4 =	sadd.s32 $0x2400, s0;
	s12 =	sadd.s32 s1, s8;
	[dreg:$0x9] =	wrdreg s28  }
0xb: {  	s6 =	sshrl.u32 s6, $0x3;
	s24 =	sadd.s32 $0x20, s12;
	[dreg:$0x4] =	wrdreg s12  }
0xc: {  	s0 =	sadd.s32 s6, s0;
	s25 =	sadd.s32 $0x40, s12;
	[dreg:$0x5] =	wrdreg s24  }
0xd: {  	s8 =	sshrl.u32 s22, $0x2;
	s26 =	sadd.s32 $0x60, s12;
	[dreg:$0x6] =	wrdreg s25  }
0xe: {  	s9 =	sadd.s32 s8, s2;
	s0 =	sadd.s32 $0x29600, s0;
	[dreg:$0x7] =	wrdreg s26  }
0xf: {  	s11 =	simm.s32 $0x200;
	[dreg:$0x8] =	wrdreg s0;
	s6 =	sadd.s32 $0x1000, s9  }
0x10: {  	s18 =	sshll.u32 s7, $0x5;
	s8 =	sadd.s32 $0x2000, s9;
	[dreg:$0xa] =	wrdreg s6  }
0x11: {  	s19 =	sor.u32 $0x9C0, s7;
	s10 =	sadd.s32 $0x3000, s9;
	[dreg:$0xb] =	wrdreg s8  }
0x12: {  	s5 =	sadd.s32 s18, s1;
	s12 =	sadd.s32 $0x4000, s9;
	[dreg:$0xc] =	wrdreg s10  }
0x13: {  	s21 =	sshll.u32 s19, $0x5;
	s13 =	sadd.s32 $0x5000, s9;
	[dreg:$0xd] =	wrdreg s12  }
0x14: {  	p0 =	sgt.u32 s19, $0x9C3;
	s14 =	sadd.s32 $0x6000, s9;
	[dreg:$0xe] =	wrdreg s13  }
0x15: {  	s18 =	simm.s32 $0x1;
	s15 =	sadd.s32 $0x7000, s9;
	[dreg:$0xf] =	wrdreg s14  }
0x16: {  	s19 =	simm.s32 $0x2;
	s16 =	sadd.s32 $0x8000, s9;
	[dreg:$0x10] =	wrdreg s15  }
0x17: {  	s0 =	sadd.s32 s17, s1;
	s1 =	sadd.s32 s1, s21;
	[dreg:$0x11] =	wrdreg s16  }
0x18: {  	s22 =	sadd.s32 $0x9000, s9;
	s23 =	sadd.s32 $0xA000, s9;
	[dreg:$0x12] =	wrdreg s1  }
0x19: {  	s24 =	sadd.s32 $0x13000, s5;
	s25 =	sadd.s32 $0x13400, s5;
	[dreg:$0x13] =	wrdreg s22  }
0x1a: {  	s26 =	sadd.s32 $0xB000, s9;
	s28 =	sadd.s32 $0xC000, s9;
	[dreg:$0x14] =	wrdreg s23  }
0x1b: {  	s29 =	sadd.s32 $0xD000, s9;
	s30 =	sadd.s32 $0xE000, s9;
	[dreg:$0x15] =	wrdreg s24  }
0x1c: {  	s31 =	sadd.s32 $0xF000, s9;
	s7 =	sadd.s32 $0x13000, s9;
	[dreg:$0x16] =	wrdreg s25  }
0x1d: {  	s17 =	simm.s32 $0x4400;
	s21 =	simm.s32 $0x380;
	[dreg:$0x17] =	wrdreg s26  }
.Ltmp0:
0x1e: {  	s22 =	sadd.s32 s20, s0;
	[dreg:$0x18] =	wrdreg s28;
	(pc) =	sbr.rel .LBB2_1-.Ltmp0, $4  }
0x1f: {  	s0 =	sadd.s32 $0x10000, s9;
	s1 =	sadd.s32 $0x11000, s9;
	s6 =	sadd.s32 $0x12000, s9  }
0x20: {  	s8 =	simm.s32 $0x100;
	s10 =	simm.s32 $0x3;
	s12 =	simm.s32 $0x300  }
0x21: {  	s13 =	simm.s32 $0x80;
	s14 =	simm.s32 $0x400;
	s15 =	simm.s32 $0x8400  }
0x22: {  	v0 =	vimm.f32 $0.0e+00;
	s16 =	simm.s32 $0x4;
	s20 =	simm.s32 $0x180;
	s23 =	simm.s32 $0x0  }
.LBB2_6:
0x23: {  	s5 =	rddreg [dreg:$0x15]  }
0x24: {  	[tilespmem:s3], [sflag:$0x3] =	stream.linear.gather [hbm4b:s5+s3], $0x100, $0x38;
	[tilespmem:$0x1D400] =	vst v63  }
0x25: {  	_ =	swait.ge [sflag:s10], $0x100  }
0x26: {  	[sflag:s10] =	ssyncset.done $0x0  }
0x27: {  	[sflag:s10] =	ssyncadd.s32 $0xFFFFFF00  }
0x28: {  	[tilespmem:s14], [sflag:$0x1] =	stream.indirect.gather [hbm4b:s4+s13], $0x80, s3, s13, $0xb8;
	[tilespmem:$0x1D400] =	vst v63  }
0x29: {  	_ =	swait.ge [sflag:s18], $0x4000  }
0x2a: {  	[sflag:s18] =	ssyncset.done $0x0  }
0x2b: {  	[sflag:s18] =	ssyncadd.s32 $0xFFFFC000  }
0x2c: {  	[spmem:s2] =	stream.indirect.scatter.add.f32 [tilespmem:s14], [sflag:$0x4], $0x80, s13, s13, $0xb8;
	[tilespmem:$0x1D400] =	vst v63  }
0x2d: {  	_ =	swait.ge [sflag:s16], $0x4000  }
0x2e: {  	[sflag:s16] =	ssyncset.done $0x0  }
0x2f: {  	s28 =	rddreg [dreg:$0x16];
	[sflag:s16] =	ssyncadd.s32 $0xFFFFC000  }
0x30: {  	[tilespmem:s3], [sflag:$0x3] =	stream.linear.gather [hbm4b:s28+s3], $0x100, $0x38;
	[tilespmem:$0x1D400] =	vst v63  }
0x31: {  	_ =	swait.ge [sflag:s10], $0x100  }
0x32: {  	[sflag:s10] =	ssyncset.done $0x0  }
0x33: {  	[sflag:s10] =	ssyncadd.s32 $0xFFFFFF00  }
0x34: {  	[tilespmem:s14], [sflag:$0x1] =	stream.indirect.gather [hbm4b:s4+s13], $0x80, s3, s13, $0xb8;
	[tilespmem:$0x1D400] =	vst v63  }
0x35: {  	_ =	swait.ge [sflag:s18], $0x4000  }
0x36: {  	[sflag:s18] =	ssyncset.done $0x0  }
0x37: {  	[sflag:s18] =	ssyncadd.s32 $0xFFFFC000  }
0x38: {  	[spmem:s2] =	stream.indirect.scatter.add.f32 [tilespmem:s14], [sflag:$0x4], $0x80, s13, s13, $0xb8;
	[tilespmem:$0x1D400] =	vst v63  }
0x39: {  	_ =	swait.ge [sflag:s16], $0x4000  }
0x3a: {  	[sflag:s16] =	ssyncset.done $0x0  }
0x3b: {  	s5 =	simm.s32 @!p0 $0x0;
	s24 =	rddreg [dreg:$0x12];
	[sflag:s16] =	ssyncadd.s32 $0xFFFFC000  }
0x3c: {  	[tilespmem:s5], [sflag:$0x3] =	stream.linear.gather @!p0 [hbm4b:s24+s5], $0x100, $0x38;
	[tilespmem:$0x1D400] =	vst v63  }
0x3d: {  	s24 =	simm.s32 @!p0 $0x3  }
0x3e: {  	_ =	swait.ge @!p0 [sflag:s24], $0x100  }
0x3f: {  	[sflag:s24] =	ssyncset.done @!p0 $0x0  }
0x40: {  	s25 =	simm.s32 @!p0 $0x400;
	[sflag:s24] =	ssyncadd.s32 @!p0 $0xFFFFFF00;
	s24 =	simm.s32 @!p0 $0x80  }
0x41: {  	[tilespmem:s25], [sflag:$0x1] =	stream.indirect.gather @!p0 [hbm4b:s4+s24], $0x80, s5, s24, $0xb8;
	[tilespmem:$0x1D400] =	vst v63  }
0x42: {  	s5 =	simm.s32 @!p0 $0x1  }
0x43: {  	_ =	swait.ge @!p0 [sflag:s5], $0x4000  }
0x44: {  	[sflag:s5] =	ssyncset.done @!p0 $0x0  }
0x45: {  	[sflag:s5] =	ssyncadd.s32 @!p0 $0xFFFFC000;
	s5 =	simm.s32 @!p0 $0x4  }
0x46: {  	[spmem:s2] =	stream.indirect.scatter.add.f32 @!p0 [tilespmem:s25], [sflag:$0x4], $0x80, s24, s24, $0xb8;
	[tilespmem:$0x1D400] =	vst v63  }
0x47: {  	_ =	swait.ge @!p0 [sflag:s5], $0x4000  }
0x48: {  	[sflag:s5] =	ssyncset.done @!p0 $0x0  }
0x49: {  	s24 =	stileid.u32;
	[sflag:s5] =	ssyncadd.s32 @!p0 $0xFFFFC000  }
0x4a: {  	s5 =	sshll.u32 s24, $0x6;
	[bflag:$0x0] =	sbarrier.arrive $0xFFFF  }
0x4b: {  	s25 =	sshrl.u32 s9, $0x3;
	s5 =	sor.u32 $0x1C04, s5;
	s26 =	rddreg [dreg:$0x8]  }
0x4c: {  	[hbm:s26], [sflag:s5] =	dma.local [spmem:s25], $0x2800  }
0x4d: {  	_ =	swait.ge [sflag:s16], $0x2800  }
0x4e: {  	s23 =	sadd.s32 $0x1, s23;
	s28 =	rddreg [dreg:$0x9]  }
0x4f: {  	p1 =	sne.s32 s23, s28  }
.Ltmp1:
0x50: {  	_ = 	snop;
	(pc) =	sbr.rel @!p1 .LBB2_7-.Ltmp1, $3  }
0x51: {  	_ =	sdelay $0x1  }
0x52: {  	[sflag:s16] =	ssyncset.done $0x0  }
0x53: {  	[sflag:s16] =	ssyncadd.s32 $0xFFFFD800  }
.LBB2_1:
0x54: {  	s5 =	rddreg [dreg:$0x4]  }
0x55: {  	[tilespmem:s3], [sflag:$0x3] =	stream.linear.gather [hbm4b:s5+s3], $0x100, $0x38;
	[tilespmem:$0x1D400] =	vst v63  }
0x56: {  	s28 =	rddreg [dreg:$0x5];
	s24 =	simm.s32 $0x200;
	s5 =	simm.s32 $0x0  }
0x57: {  	[tilespmem:s8], [sflag:$0x3] =	stream.linear.gather [hbm4b:s28+s3], $0x100, $0x38;
	[tilespmem:$0x1D400] =	vst v63  }
.LBB2_2:
0x58: {  	p1 =	sne.s32 s24, $0x3E00;
	[tilespmem:s5+$0x8470] =	vst v0  }
0x59: {  	[tilespmem:s5+$0x8400] =	vst v0  }
0x5a: {  	[tilespmem:s5+$0x8410] =	vst v0  }
.Ltmp2:
0x5b: {  	[tilespmem:s5+$0x8420] =	vst v0;
	(pc) =	sbr.rel @p1 .LBB2_2-.Ltmp2, $4  }
0x5c: {  	[tilespmem:s5+$0x8430] =	vst v0  }
0x5d: {  	[tilespmem:s5+$0x8440] =	vst v0  }
0x5e: {  	[tilespmem:s5+$0x8450] =	vst v0  }
0x5f: {  	[tilespmem:s5+$0x8460] =	vst v0;
	s5 =	sshra.s32 s24, $0x2;
	s24 =	sadd.s32 $0x200, s24  }
0x60: {  	[tilespmem:s5+$0x8470] =	vst v0  }
0x61: {  	[tilespmem:s5+$0x8400] =	vst v0  }
0x62: {  	[tilespmem:s5+$0x8410] =	vst v0  }
0x63: {  	[tilespmem:s5+$0x8420] =	vst v0  }
0x64: {  	[tilespmem:s5+$0x8430] =	vst v0  }
0x65: {  	[tilespmem:s5+$0x8440] =	vst v0  }
0x66: {  	[tilespmem:s5+$0x8450] =	vst v0  }
0x67: {  	[tilespmem:s5+$0x8460] =	vst v0  }
0x68: {  	_ =	swait.ge [sflag:s10], $0x100  }
0x69: {  	[sflag:s10] =	ssyncset.done $0x0  }
0x6a: {  	[sflag:s10] =	ssyncadd.s32 $0xFFFFFF00  }
0x6b: {  	_ =	swait.ge [sflag:s10], $0x100  }
0x6c: {  	[sflag:s10] =	ssyncset.done $0x0  }
0x6d: {  	s5 =	simm.s32 $0x0;
	s24 =	rddreg [dreg:$0x6];
	[sflag:s10] =	ssyncadd.s32 $0xFFFFFF00  }
0x6e: {  	[tilespmem:s11], [sflag:$0x3] =	stream.linear.gather [hbm4b:s24+s5], $0x100, $0x38;
	[tilespmem:$0x1D400] =	vst v63  }
0x6f: {  	s28 =	rddreg [dreg:$0x7]  }
0x70: {  	[tilespmem:s12], [sflag:$0x3] =	stream.linear.gather [hbm4b:s28+s5], $0x100, $0x38;
	[tilespmem:$0x1D400] =	vst v63  }
0x71: {  	_ = 	snop  }
0x72: {  	[tilespmem:s14], [sflag:$0x1] =	stream.indirect.gather [hbm4b:s4+s13], $0x80, s5, s13, $0xb8;
	[tilespmem:$0x1D400] =	vst v63  }
0x73: {  	_ = 	snop  }
0x74: {  	[spmem:s9] =	stream.linear.scatter [tilespmem:s15], [sflag:$0x4], $0x1000, $0x38;
	[tilespmem:$0x1D400] =	vst v63  }
0x75: {  	_ =	swait.ge [sflag:s16], $0x1000  }
0x76: {  	[sflag:s16] =	ssyncset.done $0x0  }
0x77: {  	s25 =	rddreg [dreg:$0xa];
	[sflag:s16] =	ssyncadd.s32 $0xFFFFF000  }
0x78: {  	[spmem:s25] =	stream.linear.scatter [tilespmem:s15], [sflag:$0x4], $0x1000, $0x38;
	[tilespmem:$0x1D400] =	vst v63  }
0x79: {  	_ =	swait.ge [sflag:s16], $0x1000  }
0x7a: {  	[sflag:s16] =	ssyncset.done $0x0  }
0x7b: {  	s26 =	rddreg [dreg:$0xb];
	[sflag:s16] =	ssyncadd.s32 $0xFFFFF000  }
0x7c: {  	[spmem:s26] =	stream.linear.scatter [tilespmem:s15], [sflag:$0x4], $0x1000, $0x38;
	[tilespmem:$0x1D400] =	vst v63  }
0x7d: {  	_ =	swait.ge [sflag:s16], $0x1000  }
0x7e: {  	[sflag:s16] =	ssyncset.done $0x0  }
0x7f: {  	s28 =	rddreg [dreg:$0xc];
	[sflag:s16] =	ssyncadd.s32 $0xFFFFF000  }
0x80: {  	[spmem:s28] =	stream.linear.scatter [tilespmem:s15], [sflag:$0x4], $0x1000, $0x38;
	[tilespmem:$0x1D400] =	vst v63  }
0x81: {  	_ =	swait.ge [sflag:s16], $0x1000  }
0x82: {  	[sflag:s16] =	ssyncset.done $0x0  }
0x83: {  	s25 =	rddreg [dreg:$0xd];
	[sflag:s16] =	ssyncadd.s32 $0xFFFFF000  }
0x84: {  	[spmem:s25] =	stream.linear.scatter [tilespmem:s15], [sflag:$0x4], $0x1000, $0x38;
	[tilespmem:$0x1D400] =	vst v63  }
0x85: {  	_ =	swait.ge [sflag:s16], $0x1000  }
0x86: {  	[sflag:s16] =	ssyncset.done $0x0  }
0x87: {  	s26 =	rddreg [dreg:$0xe];
	[sflag:s16] =	ssyncadd.s32 $0xFFFFF000  }
0x88: {  	[spmem:s26] =	stream.linear.scatter [tilespmem:s15], [sflag:$0x4], $0x1000, $0x38;
	[tilespmem:$0x1D400] =	vst v63  }
0x89: {  	_ =	swait.ge [sflag:s16], $0x1000  }
0x8a: {  	[sflag:s16] =	ssyncset.done $0x0  }
0x8b: {  	s28 =	rddreg [dreg:$0xf];
	[sflag:s16] =	ssyncadd.s32 $0xFFFFF000  }
0x8c: {  	[spmem:s28] =	stream.linear.scatter [tilespmem:s15], [sflag:$0x4], $0x1000, $0x38;
	[tilespmem:$0x1D400] =	vst v63  }
0x8d: {  	_ =	swait.ge [sflag:s16], $0x1000  }
0x8e: {  	[sflag:s16] =	ssyncset.done $0x0  }
0x8f: {  	s25 =	rddreg [dreg:$0x10];
	[sflag:s16] =	ssyncadd.s32 $0xFFFFF000  }
0x90: {  	[spmem:s25] =	stream.linear.scatter [tilespmem:s15], [sflag:$0x4], $0x1000, $0x38;
	[tilespmem:$0x1D400] =	vst v63  }
0x91: {  	_ =	swait.ge [sflag:s16], $0x1000  }
0x92: {  	[sflag:s16] =	ssyncset.done $0x0  }
0x93: {  	s26 =	rddreg [dreg:$0x11];
	[sflag:s16] =	ssyncadd.s32 $0xFFFFF000  }
0x94: {  	[spmem:s26] =	stream.linear.scatter [tilespmem:s15], [sflag:$0x4], $0x1000, $0x38;
	[tilespmem:$0x1D400] =	vst v63  }
0x95: {  	_ =	swait.ge [sflag:s16], $0x1000  }
0x96: {  	[sflag:s16] =	ssyncset.done $0x0  }
0x97: {  	s28 =	rddreg [dreg:$0x13];
	[sflag:s16] =	ssyncadd.s32 $0xFFFFF000  }
0x98: {  	[spmem:s28] =	stream.linear.scatter [tilespmem:s15], [sflag:$0x4], $0x1000, $0x38;
	[tilespmem:$0x1D400] =	vst v63  }
0x99: {  	_ =	swait.ge [sflag:s16], $0x1000  }
0x9a: {  	[sflag:s16] =	ssyncset.done $0x0  }
0x9b: {  	s25 =	rddreg [dreg:$0x14];
	[sflag:s16] =	ssyncadd.s32 $0xFFFFF000  }
0x9c: {  	[spmem:s25] =	stream.linear.scatter [tilespmem:s15], [sflag:$0x4], $0x1000, $0x38;
	[tilespmem:$0x1D400] =	vst v63  }
0x9d: {  	_ =	swait.ge [sflag:s16], $0x1000  }
0x9e: {  	[sflag:s16] =	ssyncset.done $0x0  }
0x9f: {  	s26 =	rddreg [dreg:$0x17];
	[sflag:s16] =	ssyncadd.s32 $0xFFFFF000  }
0xa0: {  	[spmem:s26] =	stream.linear.scatter [tilespmem:s15], [sflag:$0x4], $0x1000, $0x38;
	[tilespmem:$0x1D400] =	vst v63  }
0xa1: {  	_ =	swait.ge [sflag:s16], $0x1000  }
0xa2: {  	[sflag:s16] =	ssyncset.done $0x0  }
0xa3: {  	s28 =	rddreg [dreg:$0x18];
	[sflag:s16] =	ssyncadd.s32 $0xFFFFF000  }
0xa4: {  	[spmem:s28] =	stream.linear.scatter [tilespmem:s15], [sflag:$0x4], $0x1000, $0x38;
	[tilespmem:$0x1D400] =	vst v63  }
0xa5: {  	_ =	swait.ge [sflag:s16], $0x1000  }
0xa6: {  	[sflag:s16] =	ssyncset.done $0x0  }
0xa7: {  	[sflag:s16] =	ssyncadd.s32 $0xFFFFF000  }
0xa8: {  	[spmem:s29] =	stream.linear.scatter [tilespmem:s15], [sflag:$0x4], $0x1000, $0x38;
	[tilespmem:$0x1D400] =	vst v63  }
0xa9: {  	_ =	swait.ge [sflag:s16], $0x1000  }
0xaa: {  	[sflag:s16] =	ssyncset.done $0x0  }
0xab: {  	[sflag:s16] =	ssyncadd.s32 $0xFFFFF000  }
0xac: {  	[spmem:s30] =	stream.linear.scatter [tilespmem:s15], [sflag:$0x4], $0x1000, $0x38;
	[tilespmem:$0x1D400] =	vst v63  }
0xad: {  	_ =	swait.ge [sflag:s16], $0x1000  }
0xae: {  	[sflag:s16] =	ssyncset.done $0x0  }
0xaf: {  	[sflag:s16] =	ssyncadd.s32 $0xFFFFF000  }
0xb0: {  	[spmem:s31] =	stream.linear.scatter [tilespmem:s15], [sflag:$0x4], $0x1000, $0x38;
	[tilespmem:$0x1D400] =	vst v63  }
0xb1: {  	_ =	swait.ge [sflag:s16], $0x1000  }
0xb2: {  	[sflag:s16] =	ssyncset.done $0x0  }
0xb3: {  	[sflag:s16] =	ssyncadd.s32 $0xFFFFF000  }
0xb4: {  	[spmem:s0] =	stream.linear.scatter [tilespmem:s15], [sflag:$0x4], $0x1000, $0x38;
	[tilespmem:$0x1D400] =	vst v63  }
0xb5: {  	_ =	swait.ge [sflag:s16], $0x1000  }
0xb6: {  	[sflag:s16] =	ssyncset.done $0x0  }
0xb7: {  	[sflag:s16] =	ssyncadd.s32 $0xFFFFF000  }
0xb8: {  	[spmem:s1] =	stream.linear.scatter [tilespmem:s15], [sflag:$0x4], $0x1000, $0x38;
	[tilespmem:$0x1D400] =	vst v63  }
0xb9: {  	_ =	swait.ge [sflag:s16], $0x1000  }
0xba: {  	[sflag:s16] =	ssyncset.done $0x0  }
0xbb: {  	[sflag:s16] =	ssyncadd.s32 $0xFFFFF000  }
0xbc: {  	[spmem:s6] =	stream.linear.scatter [tilespmem:s15], [sflag:$0x4], $0x1000, $0x38;
	[tilespmem:$0x1D400] =	vst v63  }
0xbd: {  	_ =	swait.ge [sflag:s16], $0x1000  }
0xbe: {  	[sflag:s16] =	ssyncset.done $0x0  }
0xbf: {  	[sflag:s16] =	ssyncadd.s32 $0xFFFFF000  }
0xc0: {  	[spmem:s7] =	stream.linear.scatter [tilespmem:s15], [sflag:$0x4], $0x1000, $0x38;
	[tilespmem:$0x1D400] =	vst v63  }
0xc1: {  	_ =	swait.ge [sflag:s16], $0x1000  }
0xc2: {  	[sflag:s16] =	ssyncset.done $0x0  }
0xc3: {  	[sflag:s16] =	ssyncadd.s32 $0xFFFFF000  }
0xc4: {  	[bflag:$0x0] =	sbarrier.arrive $0xFFFF  }
.LBB2_4:
0xc5: {  	[tilespmem:s17], [sflag:$0x2] =	stream.indirect.gather [hbm4b:s4+s13], $0x80, s8, s13, $0xb8;
	[tilespmem:$0x1D400] =	vst v63  }
0xc6: {  	_ =	swait.ge [sflag:s18], $0x4000  }
0xc7: {  	[sflag:s18] =	ssyncset.done $0x0  }
0xc8: {  	[sflag:s18] =	ssyncadd.s32 $0xFFFFC000  }
0xc9: {  	[spmem:s2] =	stream.indirect.scatter.add.f32 [tilespmem:s14], [sflag:$0x4], $0x80, s13, s13, $0xb8;
	[tilespmem:$0x1D400] =	vst v63  }
0xca: {  	_ =	swait.ge [sflag:s16], $0x4000  }
0xcb: {  	[sflag:s16] =	ssyncset.done $0x0  }
0xcc: {  	[sflag:s16] =	ssyncadd.s32 $0xFFFFC000  }
0xcd: {  	_ =	swait.ge [sflag:s10], $0x100  }
0xce: {  	[sflag:s10] =	ssyncset.done $0x0  }
0xcf: {  	[sflag:s10] =	ssyncadd.s32 $0xFFFFFF00  }
0xd0: {  	_ =	swait.ge [sflag:s10], $0x100  }
0xd1: {  	[sflag:s10] =	ssyncset.done $0x0  }
0xd2: {  	[sflag:s10] =	ssyncadd.s32 $0xFFFFFF00  }
0xd3: {  	[tilespmem:s14], [sflag:$0x1] =	stream.indirect.gather [hbm4b:s4+s13], $0x80, s11, s13, $0xb8;
	[tilespmem:$0x1D400] =	vst v63  }
0xd4: {  	_ =	swait.ge [sflag:s19], $0x4000  }
0xd5: {  	[sflag:s19] =	ssyncset.done $0x0  }
0xd6: {  	[sflag:s19] =	ssyncadd.s32 $0xFFFFC000  }
0xd7: {  	[spmem:s2] =	stream.indirect.scatter.add.f32 [tilespmem:s17], [sflag:$0x4], $0x80, s20, s13, $0xb8;
	[tilespmem:$0x1D400] =	vst v63  }
0xd8: {  	p1 =	seq.s32 s5, $0x900;
	_ =	swait.ge [sflag:s16], $0x4000  }
0xd9: {  	s24 =	simm.s32 @p1 $0x80;
	[sflag:s16] =	ssyncset.done $0x0  }
0xda: {  	s25 =	simm.s32 @p1 $0x300;
	s26 =	simm.s32 @p1 $0x4400;
	[sflag:s16] =	ssyncadd.s32 $0xFFFFC000  }
0xdb: {  	[tilespmem:s26], [sflag:$0x2] =	stream.indirect.gather @p1 [hbm4b:s4+s24], $0x80, s25, s24, $0xb8;
	[tilespmem:$0x1D400] =	vst v63  }
0xdc: {  	s25 =	simm.s32 @p1 $0x1  }
0xdd: {  	_ =	swait.ge @p1 [sflag:s25], $0x4000  }
0xde: {  	[sflag:s25] =	ssyncset.done @p1 $0x0  }
0xdf: {  	s26 =	simm.s32 @p1 $0x400;
	[sflag:s25] =	ssyncadd.s32 @p1 $0xFFFFC000;
	s25 =	simm.s32 @p1 $0x280  }
0xe0: {  	[spmem:s2] =	stream.indirect.scatter.add.f32 @p1 [tilespmem:s26], [sflag:$0x4], $0x80, s25, s24, $0xb8;
	[tilespmem:$0x1D400] =	vst v63  }
0xe1: {  	s24 =	simm.s32 @p1 $0x4  }
0xe2: {  	_ =	swait.ge @p1 [sflag:s24], $0x4000  }
0xe3: {  	s25 =	sadd.s32 @!p1 s5, s22;
	[sflag:s24] =	ssyncset.done @p1 $0x0  }
0xe4: {  	s26 =	simm.s32 @!p1 $0x0;
	[sflag:s24] =	ssyncadd.s32 @p1 $0xFFFFC000;
	s24 =	sadd.s32 @!p1 $0x80, s25  }
0xe5: {  	[tilespmem:s26], [sflag:$0x3] =	stream.linear.gather @!p1 [hbm4b:s24+s26], $0x100, $0x38;
	[tilespmem:$0x1D400] =	vst v63  }
0xe6: {  	s24 =	sadd.s32 @!p1 $0xA0, s25;
	s25 =	simm.s32 @!p1 $0x100  }
0xe7: {  	[tilespmem:s25], [sflag:$0x3] =	stream.linear.gather @!p1 [hbm4b:s24+s26], $0x100, $0x38;
	[tilespmem:$0x1D400] =	vst v63  }
0xe8: {  	s28 =	simm.s32 @!p1 $0x4400;
	s24 =	simm.s32 @!p1 $0x80;
	s25 =	simm.s32 @!p1 $0x300  }
0xe9: {  	[tilespmem:s28], [sflag:$0x2] =	stream.indirect.gather @!p1 [hbm4b:s4+s24], $0x80, s25, s24, $0xb8;
	[tilespmem:$0x1D400] =	vst v63  }
0xea: {  	s25 =	simm.s32 @!p1 $0x1  }
0xeb: {  	_ =	swait.ge @!p1 [sflag:s25], $0x4000  }
0xec: {  	[sflag:s25] =	ssyncset.done @!p1 $0x0  }
0xed: {  	s28 =	simm.s32 @!p1 $0x400;
	[sflag:s25] =	ssyncadd.s32 @!p1 $0xFFFFC000;
	s25 =	simm.s32 @!p1 $0x280  }
0xee: {  	[spmem:s2] =	stream.indirect.scatter.add.f32 @!p1 [tilespmem:s28], [sflag:$0x4], $0x80, s25, s24, $0xb8;
	[tilespmem:$0x1D400] =	vst v63  }
0xef: {  	s25 =	simm.s32 @!p1 $0x4  }
0xf0: {  	_ =	swait.ge @!p1 [sflag:s25], $0x4000  }
0xf1: {  	[sflag:s25] =	ssyncset.done @!p1 $0x0  }
0xf2: {  	[sflag:s25] =	ssyncadd.s32 @!p1 $0xFFFFC000;
	s25 =	simm.s32 @!p1 $0x3  }
0xf3: {  	_ =	swait.ge @!p1 [sflag:s25], $0x100  }
0xf4: {  	[sflag:s25] =	ssyncset.done @!p1 $0x0  }
0xf5: {  	[sflag:s25] =	ssyncadd.s32 @!p1 $0xFFFFFF00  }
0xf6: {  	_ =	swait.ge @!p1 [sflag:s25], $0x100  }
0xf7: {  	[sflag:s25] =	ssyncset.done @!p1 $0x0  }
0xf8: {  	[sflag:s25] =	ssyncadd.s32 @!p1 $0xFFFFFF00  }
0xf9: {  	[tilespmem:s28], [sflag:$0x1] =	stream.indirect.gather @!p1 [hbm4b:s4+s24], $0x80, s26, s24, $0xb8;
	[tilespmem:$0x1D400] =	vst v63  }
0xfa: {  	_ =	swait.ge [sflag:s19], $0x4000  }
0xfb: {  	[sflag:s19] =	ssyncset.done $0x0  }
.Ltmp3:
0xfc: {  	[sflag:s19] =	ssyncadd.s32 $0xFFFFC000;
	(pc) =	sbr.rel @p1 .LBB2_6-.Ltmp3, $4  }
0xfd: {  	[spmem:s2] =	stream.indirect.scatter.add.f32 [tilespmem:s17], [sflag:$0x4], $0x80, s21, s13, $0xb8;
	[tilespmem:$0x1D400] =	vst v63  }
0xfe: {  	_ =	swait.ge [sflag:s16], $0x4000  }
0xff: {  	[sflag:s16] =	ssyncset.done $0x0  }
0x100: {  	[sflag:s16] =	ssyncadd.s32 $0xFFFFC000  }
.Ltmp4:
0x101: {  	s24 =	sadd.s32 s5, s22;
	(pc) =	sbr.rel .LBB2_4-.Ltmp4, $4  }
0x102: {  	s25 =	sadd.s32 $0xC0, s24  }
0x103: {  	[tilespmem:s11], [sflag:$0x3] =	stream.linear.gather [hbm4b:s25+s3], $0x100, $0x38;
	[tilespmem:$0x1D400] =	vst v63  }
0x104: {  	s5 =	sadd.s32 $0x80, s5;
	s24 =	sadd.s32 $0xE0, s24  }
0x105: {  	[tilespmem:s12], [sflag:$0x3] =	stream.linear.gather [hbm4b:s24+s3], $0x100, $0x38;
	[tilespmem:$0x1D400] =	vst v63  }
.LBB2_7:
0x106: {  	_ =	sfence.sel $0x180000  }
0x107: {  	[bflag:$0x0] =	sbarrier.arrive $0xFFFF  }
0x108: {  	_ =	strace $0x9000004A  }
0x109: {  	s0 =	stileid.u32;
	[bflag:$0x2] =	sbarrier.arrive $0xFFFF  }
0x10a: {  	p0 =	sne.s32 s0, $0x0;
	s0 =	rddreg [dreg:$0x3]  }
0x10b: {  	s0 =	sadd.s32 @!p0 $0x100000, s0  }
0x10c: {  	[sflag:s0] =	ssyncadd.tile.s32 @!p0 $0x1;
	_ =	shalt  }
.Lfunc_end2:
_tile_overlayer_lowered:
.L_overlay_start_2:
0x10d: {  	(tag) =	ssettag $0x2  }
0x10e: {  	s0 =	rddreg [dreg:$0x0];
	s2 =	stileid.u32  }
0x10f: {  	s1 =	rddreg [dreg:$0x1];
	p0 =	sne.s32 s2, $0x0  }
0x110: {  	s3 =	rddreg [dreg:$0x2];
	[bflag:$0x3] =	sbarrier.arrive $0xFFFF;
	s2 =	simm.s32 @!p0 $0x1C04  }
0x111: {  	[timem:s3], [sflag:s2] =	dma.local @!p0 [hbm:s0], s1  }
0x112: {  	s0 =	simm.s32 @!p0 $0x4  }
0x113: {  	_ =	swait.ge @!p0 [sflag:s0], s1  }
0x114: {  	s1 =	ssub.s32 @!p0 $0x0, s1;
	[sflag:s0] =	ssyncset.done @!p0 $0x0  }
0x115: {  	[sflag:s0] =	ssyncadd.s32 @!p0 s1  }
0x116: {  	[bflag:$0x3] =	sbarrier.arrive $0xFFFF  }
0x117: {  	_ =	shalt  }

// kernel: kernel.15.cloned.1.call-start
scs
__scs_entry_jumppad:
0x0: {  	(pc) =	sbr.rel $0x88, $3  }
0x1: {  	(tag) =	ssettag $0x0;
	lr =	simm.s32 $0x1  }
0x2: {  	[smem:$0x3F9B] =	sst lr;
	_ =	strace $0xD0000000  }
0x3: {  	_ = 	snop  }
0x4: {  	_ = 	snop  }
0x5: {  	_ = 	snop  }
0x6: {  	_ = 	snop  }
0x7: {  	_ = 	snop  }
__scs_overlays_trampoline_lowered:
0x8: {  	[smem:$0x3FAA] =	sst s0  }
0x9: {  	[smem:$0x3FAB] =	sst s1  }
0xa: {  	[smem:$0x3FAC] =	sst s2  }
0xb: {  	[smem:$0x3FAD] =	sst s3  }
0xc: {  	[smem:$0x3FAE] =	sst s4  }
0xd: {  	[smem:$0x3FAF] =	sst s5  }
0xe: {  	[smem:$0x3FB0] =	sst s6  }
0xf: {  	[smem:$0x3FB1] =	sst s7  }
0x10: {  	[smem:$0x3FB2] =	sst s8  }
0x11: {  	[smem:$0x3FB3] =	sst s9;
	s0 =	simm.s32 @!p0 $0x0  }
0x12: {  	s1 =	sld [smem:$0x3F99];
	s0 =	simm.s32 @p0 $0x1  }
0x13: {  	[smem:$0x3FB4] =	sst s0;
	s0 =	simm.s32 @!p1 $0x0  }
0x14: {  	s2 =	sld [smem:$0x3F98];
	s0 =	simm.s32 @p1 $0x1  }
0x15: {  	[smem:$0x3FB5] =	sst s0;
	s0 =	simm.s32 @!p2 $0x0  }
0x16: {  	s3 =	sld [smem:$0x3FDB];
	s0 =	simm.s32 @p2 $0x1  }
0x17: {  	s4 =	simm.s32 $0x1BF5;
	[smem:$0x3FB7] =	sst s0  }
0x18: {  	s0 =	sld [smem:$0x3F9A];
	_ =	swait.ge [sflag:s4], $0x0  }
0x19: {  	s7 =	sld [smem:$0x3F9B]  }
0x1a: {  	s8 =	sadd.s32 $0xFFFFE003, lr  }
0x1b: {  	s9 =	sadd.s32 $0xFFFFFEF7, lr;
	s5 =	simm.s32 $0xFFFFFFFF;
	p2 =	slt.u32 s8, $0xFFFFF086  }
0x1c: {  	p1 =	slt.u32 s9, $0xF7A;
	s5 =	simm.s32 @!p2 $0x0  }
0x1d: {  	s5 =	simm.s32 @p1 $0x1;
	p0 =	seq.s32 s7, s2  }
0x1e: {  	s7 =	smul.u32 @!p0 $0xF7A, s2;
	p2 =	seq.s32 @!p0 s5, $0x0  }
0x1f: {  	s9 =	smul.u32 $0xF7A, s1;
	s8 =	simm.s32 @!p0 $0x1BF5;
	p2 =	por !p2, p0  }
0x20: {  	[sflag:s8] =	ssyncset.s32 @!p0 $0xFFFFF086;
	s6 =	sadd.s32 @!p0 s3, s7;
	s7 =	simm.s32 @!p0 $0x108  }
0x21: {  	s3 =	sadd.s32 s3, s9;
	s6 =	sadd.s32 @!p0 $0x88, s6;
	s7 =	simm.s32 @p2 $0x1082  }
0x22: {  	[simem:s7], [sflag:s8] =	dma.local @!p0 [hbm:s6], $0xF7A  }
0x23: {  	s9 =	sor.u32 $0xD0000000, s2;
	s6 =	simm.s32 $0x108;
	_ =	swait.ge @!p0 [sflag:s8], $0x0  }
0x24: {  	s3 =	sadd.s32 $0x88, s3;
	s6 =	simm.s32 @!p1 $0x1082;
	[sflag:s4] =	ssyncset.s32 $0xFFFFF086  }
0x25: {  	[simem:s6], [sflag:s4] =	dma.local [hbm:s3], $0xF7A  }
0x26: {  	[smem:$0x3F9B] =	sst s1;
	(tag) =	ssettag s2;
	_ =	strace s9  }
0x27: {  	s1 =	sld [smem:$0x3FAB]  }
0x28: {  	s2 =	sld [smem:$0x3FAC]  }
0x29: {  	s4 =	sld [smem:$0x3FAE]  }
0x2a: {  	p0 =	seq.s32 s5, $0x0;
	s5 =	sld [smem:$0x3FAF]  }
0x2b: {  	s6 =	sld [smem:$0x3FB0]  }
0x2c: {  	s7 =	sld [smem:$0x3FB1]  }
0x2d: {  	s3 =	simm.s32 $0x108;
	s8 =	sld [smem:$0x3FB2]  }
0x2e: {  	s3 =	simm.s32 @!p0 $0x1082;
	s9 =	sld [smem:$0x3FB3]  }
0x2f: {  	lr =	sadd.s32 s0, s3;
	s0 =	sld [smem:$0x3FAA]  }
0x30: {  	s3 =	sld [smem:$0x3FAD]  }
0x31: {  	[smem:$0x3FB6] =	sst s10  }
0x32: {  	s10 =	sld [smem:$0x3FB4];
	_ =	sdelay $0x3  }
0x33: {  	p0 =	seq.s32 s10, $0x1;
	s10 =	sld [smem:$0x3FB6];
	_ =	sdelay $0x3  }
0x34: {  	[smem:$0x3FB6] =	sst s10  }
0x35: {  	s10 =	sld [smem:$0x3FB5];
	_ =	sdelay $0x3  }
0x36: {  	p1 =	seq.s32 s10, $0x1;
	s10 =	sld [smem:$0x3FB6];
	_ =	sdelay $0x3  }
0x37: {  	[smem:$0x3FB6] =	sst s10  }
0x38: {  	s10 =	sld [smem:$0x3FB7]  }
0x39: {  	_ = 	snop;
	(pc) =	sbr.ind lr, $3  }
0x3a: {  	_ = 	snop  }
0x3b: {  	_ = 	snop  }
0x3c: {  	p2 =	seq.s32 s10, $0x1;
	s10 =	sld [smem:$0x3FB6]  }
0x3d: {  	_ =	shalt  }
0x3e: {  	_ =	shalt  }
0x3f: {  	_ =	shalt  }
0x40: {  	_ =	shalt  }
0x41: {  	_ =	shalt  }
0x42: {  	_ =	shalt  }
0x43: {  	_ =	shalt  }
0x44: {  	_ =	shalt  }
0x45: {  	_ =	shalt  }
0x46: {  	_ =	shalt  }
0x47: {  	_ =	shalt  }
0x48: {  	_ =	shalt  }
0x49: {  	_ =	shalt  }
0x4a: {  	_ =	shalt  }
0x4b: {  	_ =	shalt  }
0x4c: {  	_ =	shalt  }
0x4d: {  	_ =	shalt  }
0x4e: {  	_ =	shalt  }
0x4f: {  	_ =	shalt  }
0x50: {  	_ =	shalt  }
0x51: {  	_ =	shalt  }
0x52: {  	_ =	shalt  }
0x53: {  	_ =	shalt  }
0x54: {  	_ =	shalt  }
0x55: {  	_ =	shalt  }
0x56: {  	_ =	shalt  }
0x57: {  	_ =	shalt  }
0x58: {  	_ =	shalt  }
0x59: {  	_ =	shalt  }
0x5a: {  	_ =	shalt  }
0x5b: {  	_ =	shalt  }
0x5c: {  	_ =	shalt  }
0x5d: {  	_ =	shalt  }
0x5e: {  	_ =	shalt  }
0x5f: {  	_ =	shalt  }
0x60: {  	_ =	shalt  }
0x61: {  	_ =	shalt  }
0x62: {  	_ =	shalt  }
0x63: {  	_ =	shalt  }
0x64: {  	_ =	shalt  }
0x65: {  	_ =	shalt  }
0x66: {  	_ =	shalt  }
0x67: {  	_ =	shalt  }
0x68: {  	_ =	shalt  }
0x69: {  	_ =	shalt  }
0x6a: {  	_ =	shalt  }
0x6b: {  	_ =	shalt  }
0x6c: {  	_ =	shalt  }
0x6d: {  	_ =	shalt  }
0x6e: {  	_ =	shalt  }
0x6f: {  	_ =	shalt  }
0x70: {  	_ =	shalt  }
0x71: {  	_ =	shalt  }
0x72: {  	_ =	shalt  }
0x73: {  	_ =	shalt  }
0x74: {  	_ =	shalt  }
0x75: {  	_ =	shalt  }
0x76: {  	_ =	shalt  }
0x77: {  	_ =	shalt  }
0x78: {  	_ =	shalt  }
0x79: {  	_ =	shalt  }
0x7a: {  	_ =	shalt  }
0x7b: {  	_ =	shalt  }
0x7c: {  	_ =	shalt  }
0x7d: {  	_ =	shalt  }
0x7e: {  	_ =	shalt  }
0x7f: {  	_ =	shalt  }
0x80: {  	_ =	shalt  }
0x81: {  	_ =	shalt  }
0x82: {  	_ =	shalt  }
0x83: {  	_ =	shalt  }
0x84: {  	_ =	shalt  }
0x85: {  	_ =	shalt  }
0x86: {  	_ =	shalt  }
0x87: {  	_ =	shalt  }
.Lfunc_end0:
.L_simem_size_0:
called_computation.2_lowered:
.L_overlay_start_0:
0x88: {  	s2 =	sld [smem:$0x3FD9]  }
0x89: {  	s3 =	sld [smem:$0x3FFE];
	_ =	sdelay $0x1  }
0x8a: {  	s1 =	srdreg.scid  }
0x8b: {  	s0 =	sand.u32 $0x1, s1  }
0x8c: {  	s17 =	sshll.u32 s0, $0xA;
	s2 =	sadd.s32 s3, s2  }
0x8d: {  	s2 =	sadd.s32 s2, s17  }
0x8e: {  	[smem:$0x3FC2] =	sst s2  }
0x8f: {  	_ = 	snop  }
0x90: {  	s2 =	sld [smem:$0x3FC8];
	(tm) =	ssettm $0x1  }
0x91: {  	s18 =	sld [smem:$0x3FFB];
	_ =	sdelay $0x3  }
0x92: {  	_ =	strace s18  }
0x93: {  	s3 =	sld [smem:$0x3FFC];
	_ =	sdelay $0x3  }
0x94: {  	_ =	strace s3  }
0x95: {  	s3 =	sld [smem:$0x3FFD];
	_ =	sdelay $0x3  }
0x96: {  	_ =	strace s3  }
0x97: {  	_ =	strace $0x8FFFFFFF  }
0x98: {  	s19 =	sld [smem:$0x3FDB];
	_ =	sdelay $0x1  }
0x99: {  	s4 =	simm.s32 $_scs_section_size  }
0x9a: {  	s5 =	simm.s32 $_size__tile_overlayer_lowered;
	s6 =	simm.s32 $_tile_overlayer_lowered  }
0x9b: {  	s22 =	simm.s32 $0x1BFF;
	s21 =	sshll.u32 s6, $0x1;
	s3 =	sadd.s32 s4, s19  }
0x9c: {  	s7 =	simm.s32 $0x0;
	s20 =	sshll.u32 s5, $0x1;
	s5 =	sadd.s32 s21, s3  }
0x9d: {  	[timem:s7], [sflag:s22] =	dma.local [hbm:s5], s20  }
0x9e: {  	_ =	swait.ge [sflag:s22], s20  }
0x9f: {  	s4 =	ssub.s32 $0x0, s20;
	[sflag:s22] =	ssyncset.done $0x0  }
0xa0: {  	[sflag:s22] =	ssyncadd.s32 s4;
	_ =	sdelay $0x1  }
0xa1: {  	s23 =	simm.s32 $0x1B8B  }
0xa2: {  	_ =	swait.ge [sflag:s23], $0x1  }
0xa3: {  	[sflag:s23] =	ssyncset.done $0x0  }
0xa4: {  	s25 =	simm.s32 $0x1B8E;
	s24 =	sld [smem:$0x3FFE];
	[sflag:s23] =	ssyncadd.s32 $0xFFFFFFFF  }
0xa5: {  	s26 =	simm.s32 $execute0_lowered;
	[smem:$0x3FD2] =	sst s25  }
0xa6: {  	s5 =	sshll.u32 s26, $0x1;
	_ =	strace $0x8000004C;
	[dreg:$0x1] =	wrdreg $0xFFFFFFFF  }
0xa7: {  	s28 =	simm.s32 $_size_execute0_lowered;
	s3 =	sadd.s32 s3, s5;
	[dreg:$0x0] =	wrdreg $0x0  }
0xa8: {  	s5 =	sshll.u32 s28, $0x1;
	[dreg:$0x2] =	wrdreg s3  }
0xa9: {  	[dreg:$0x3] =	wrdreg s5  }
0xaa: {  	[dreg:$0x4] =	wrdreg $0xC0  }
0xab: {  	_ =	task [dreg:s7], $0x5FFFF  }
0xac: {  	[dreg:$0x1] =	wrdreg $0xFFFFFFFF  }
0xad: {  	[dreg:$0x0] =	wrdreg $0x60  }
0xae: {  	[dreg:$0x2] =	wrdreg s24  }
0xaf: {  	[dreg:$0x3] =	wrdreg s2  }
0xb0: {  	[dreg:$0x4] =	wrdreg $0x94000  }
0xb1: {  	[dreg:$0x5] =	wrdreg $0x9  }
0xb2: {  	_ =	task.clear_ibuf [dreg:s7], $0x6FFFF;
	_ =	strace $0x9000004C  }
0xb3: {  	s29 =	simm.s32 $0x9;
	_ =	strace $0x8000004E  }
0xb4: {  	_ =	swait.ge [sflag:s29], $0x1  }
0xb5: {  	[sflag:s29] =	ssyncadd.s32 $0xFFFFFFFF  }
0xb6: {  	_ =	strace $0x9000004E  }
0xb7: {  	_ =	sfence  }
0xb8: {  	s30 =	sld [smem:$0x0];
	_ =	sdelay $0x2  }
0xb9: {  	s31 =	sshll.u32 s1, $0xD;
	s1 =	sshrl.u32 s1, $0x2  }
0xba: {  	s3 =	sand.u32 $0x4000, s31;
	s1 =	sadd.s32 s1, s30  }
0xbb: {  	s0 =	sor.u32 s3, s0;
	s1 =	sshll.u32 s1, $0x11  }
0xbc: {  	s0 =	sor.u32 s1, s0  }
0xbd: {  	s0 =	sadd.s32 $0x8F2B, s0  }
0xbe: {  	[sflag:s0] =	ssyncadd.remote.s32 $0x1  }
0xbf: {  	_ =	sfence.sel $0xFFFF  }
0xc0: {  	[dreg:$0x0] =	wrdreg $0xFFFFFFFF;
	(pc) =	sbr.abs _section_cstart, $3  }
0xc1: {  	[dreg:$0x1] =	wrdreg $0xFFFFFFFF  }
0xc2: {  	_ =	task.clear_ibuf [dreg:s7], $0x2FFFF;
	_ =	strace $0x9FFFFFFF  }
0xc3: {  	(tm) =	ssettm $0x7FFFFFFF  }
tec
execute0_lowered:
.L_overlay_start_1:
0x0: {  	(tag) =	ssettag $0x1  }
0x1: {  	s0 =	rddreg [dreg:$0x0]  }
0x2: {  	s1 =	rddreg [dreg:$0x1];
	s11 =	stileid.u32  }
0x3: {  	s2 =	rddreg [dreg:$0x2];
	s6 =	smul.u32 $0x14000, s11  }
0x4: {  	s3 =	srdreg.scid;
	s22 =	smul.u32 $0x50000, s11  }
0x5: {  	s5 =	sand.u32 $0x1, s3;
	s3 =	simm.s32 $0x0;
	s20 =	smul.u32 $0x980, s11  }
0x6: {  	s4 =	smul.u32 $0x140000, s5;
	s7 =	sshll.u32 s5, $0x4;
	s9 =	ssub.s32 $0x2, s5  }
0x7: {  	s17 =	smul.u32 $0x9800, s5;
	s7 =	sor.u32 s11, s7;
	s10 =	sshrl.u32 s9, $0x1  }
0x8: {  	[smem:$0x7FF] =	sst s3;
	s8 =	smul.u32 $0x980, s7;
	s23 =	ssub.s32 s9, s10  }
0x9: {  	_ =	strace $0x8000004D;
	s6 =	sadd.s32 s6, s4;
	s28 =	smax.u32 s23, $0x1  }
0xa: {  	s4 =	sadd.s32 $0x2400, s0;
	s12 =	sadd.s32 s1, s8;
	[dreg:$0x9] =	wrdreg s28  }
0xb: {  	s6 =	sshrl.u32 s6, $0x3;
	s24 =	sadd.s32 $0x20, s12;
	[dreg:$0x4] =	wrdreg s12  }
0xc: {  	s0 =	sadd.s32 s6, s0;
	s25 =	sadd.s32 $0x40, s12;
	[dreg:$0x5] =	wrdreg s24  }
0xd: {  	s8 =	sshrl.u32 s22, $0x2;
	s26 =	sadd.s32 $0x60, s12;
	[dreg:$0x6] =	wrdreg s25  }
0xe: {  	s9 =	sadd.s32 s8, s2;
	s0 =	sadd.s32 $0x29600, s0;
	[dreg:$0x7] =	wrdreg s26  }
0xf: {  	s11 =	simm.s32 $0x200;
	[dreg:$0x8] =	wrdreg s0;
	s6 =	sadd.s32 $0x1000, s9  }
0x10: {  	s18 =	sshll.u32 s7, $0x5;
	s8 =	sadd.s32 $0x2000, s9;
	[dreg:$0xa] =	wrdreg s6  }
0x11: {  	s19 =	sor.u32 $0x9C0, s7;
	s10 =	sadd.s32 $0x3000, s9;
	[dreg:$0xb] =	wrdreg s8  }
0x12: {  	s5 =	sadd.s32 s18, s1;
	s12 =	sadd.s32 $0x4000, s9;
	[dreg:$0xc] =	wrdreg s10  }
0x13: {  	s21 =	sshll.u32 s19, $0x5;
	s13 =	sadd.s32 $0x5000, s9;
	[dreg:$0xd] =	wrdreg s12  }
0x14: {  	p0 =	sgt.u32 s19, $0x9C3;
	s14 =	sadd.s32 $0x6000, s9;
	[dreg:$0xe] =	wrdreg s13  }
0x15: {  	s18 =	simm.s32 $0x1;
	s15 =	sadd.s32 $0x7000, s9;
	[dreg:$0xf] =	wrdreg s14  }
0x16: {  	s19 =	simm.s32 $0x2;
	s16 =	sadd.s32 $0x8000, s9;
	[dreg:$0x10] =	wrdreg s15  }
0x17: {  	s0 =	sadd.s32 s17, s1;
	s1 =	sadd.s32 s1, s21;
	[dreg:$0x11] =	wrdreg s16  }
0x18: {  	s22 =	sadd.s32 $0x9000, s9;
	s23 =	sadd.s32 $0xA000, s9;
	[dreg:$0x12] =	wrdreg s1  }
0x19: {  	s24 =	sadd.s32 $0x13000, s5;
	s25 =	sadd.s32 $0x13400, s5;
	[dreg:$0x13] =	wrdreg s22  }
0x1a: {  	s26 =	sadd.s32 $0xB000, s9;
	s28 =	sadd.s32 $0xC000, s9;
	[dreg:$0x14] =	wrdreg s23  }
0x1b: {  	s29 =	sadd.s32 $0xD000, s9;
	s30 =	sadd.s32 $0xE000, s9;
	[dreg:$0x15] =	wrdreg s24  }
0x1c: {  	s31 =	sadd.s32 $0xF000, s9;
	s7 =	sadd.s32 $0x13000, s9;
	[dreg:$0x16] =	wrdreg s25  }
0x1d: {  	s17 =	simm.s32 $0x4400;
	s21 =	simm.s32 $0x380;
	[dreg:$0x17] =	wrdreg s26  }
.Ltmp0:
0x1e: {  	s22 =	sadd.s32 s20, s0;
	[dreg:$0x18] =	wrdreg s28;
	(pc) =	sbr.rel .LBB2_1-.Ltmp0, $4  }
0x1f: {  	s0 =	sadd.s32 $0x10000, s9;
	s1 =	sadd.s32 $0x11000, s9;
	s6 =	sadd.s32 $0x12000, s9  }
0x20: {  	s8 =	simm.s32 $0x100;
	s10 =	simm.s32 $0x3;
	s12 =	simm.s32 $0x300  }
0x21: {  	s13 =	simm.s32 $0x80;
	s14 =	simm.s32 $0x400;
	s15 =	simm.s32 $0x8400  }
0x22: {  	v0 =	vimm.f32 $0.0e+00;
	s16 =	simm.s32 $0x4;
	s20 =	simm.s32 $0x180;
	s23 =	simm.s32 $0x0  }
.LBB2_6:
0x23: {  	s5 =	rddreg [dreg:$0x15]  }
0x24: {  	[tilespmem:s3], [sflag:$0x3] =	stream.linear.gather [hbm4b:s5+s3], $0x100, $0x38;
	[tilespmem:$0x1D400] =	vst v63  }
0x25: {  	_ =	swait.ge [sflag:s10], $0x100  }
0x26: {  	[sflag:s10] =	ssyncset.done $0x0  }
0x27: {  	[sflag:s10] =	ssyncadd.s32 $0xFFFFFF00  }
0x28: {  	[tilespmem:s14], [sflag:$0x1] =	stream.indirect.gather [hbm4b:s4+s13], $0x80, s3, s13, $0xb8;
	[tilespmem:$0x1D400] =	vst v63  }
0x29: {  	_ =	swait.ge [sflag:s18], $0x4000  }
0x2a: {  	[sflag:s18] =	ssyncset.done $0x0  }
0x2b: {  	[sflag:s18] =	ssyncadd.s32 $0xFFFFC000  }
0x2c: {  	[spmem:s2] =	stream.indirect.scatter.add.f32 [tilespmem:s14], [sflag:$0x4], $0x80, s13, s13, $0xb8;
	[tilespmem:$0x1D400] =	vst v63  }
0x2d: {  	_ =	swait.ge [sflag:s16], $0x4000  }
0x2e: {  	[sflag:s16] =	ssyncset.done $0x0  }
0x2f: {  	s28 =	rddreg [dreg:$0x16];
	[sflag:s16] =	ssyncadd.s32 $0xFFFFC000  }
0x30: {  	[tilespmem:s3], [sflag:$0x3] =	stream.linear.gather [hbm4b:s28+s3], $0x100, $0x38;
	[tilespmem:$0x1D400] =	vst v63  }
0x31: {  	_ =	swait.ge [sflag:s10], $0x100  }
0x32: {  	[sflag:s10] =	ssyncset.done $0x0  }
0x33: {  	[sflag:s10] =	ssyncadd.s32 $0xFFFFFF00  }
0x34: {  	[tilespmem:s14], [sflag:$0x1] =	stream.indirect.gather [hbm4b:s4+s13], $0x80, s3, s13, $0xb8;
	[tilespmem:$0x1D400] =	vst v63  }
0x35: {  	_ =	swait.ge [sflag:s18], $0x4000  }
0x36: {  	[sflag:s18] =	ssyncset.done $0x0  }
0x37: {  	[sflag:s18] =	ssyncadd.s32 $0xFFFFC000  }
0x38: {  	[spmem:s2] =	stream.indirect.scatter.add.f32 [tilespmem:s14], [sflag:$0x4], $0x80, s13, s13, $0xb8;
	[tilespmem:$0x1D400] =	vst v63  }
0x39: {  	_ =	swait.ge [sflag:s16], $0x4000  }
0x3a: {  	[sflag:s16] =	ssyncset.done $0x0  }
0x3b: {  	s5 =	simm.s32 @!p0 $0x0;
	s24 =	rddreg [dreg:$0x12];
	[sflag:s16] =	ssyncadd.s32 $0xFFFFC000  }
0x3c: {  	[tilespmem:s5], [sflag:$0x3] =	stream.linear.gather @!p0 [hbm4b:s24+s5], $0x100, $0x38;
	[tilespmem:$0x1D400] =	vst v63  }
0x3d: {  	s24 =	simm.s32 @!p0 $0x3  }
0x3e: {  	_ =	swait.ge @!p0 [sflag:s24], $0x100  }
0x3f: {  	[sflag:s24] =	ssyncset.done @!p0 $0x0  }
0x40: {  	s25 =	simm.s32 @!p0 $0x400;
	[sflag:s24] =	ssyncadd.s32 @!p0 $0xFFFFFF00;
	s24 =	simm.s32 @!p0 $0x80  }
0x41: {  	[tilespmem:s25], [sflag:$0x1] =	stream.indirect.gather @!p0 [hbm4b:s4+s24], $0x80, s5, s24, $0xb8;
	[tilespmem:$0x1D400] =	vst v63  }
0x42: {  	s5 =	simm.s32 @!p0 $0x1  }
0x43: {  	_ =	swait.ge @!p0 [sflag:s5], $0x4000  }
0x44: {  	[sflag:s5] =	ssyncset.done @!p0 $0x0  }
0x45: {  	[sflag:s5] =	ssyncadd.s32 @!p0 $0xFFFFC000;
	s5 =	simm.s32 @!p0 $0x4  }
0x46: {  	[spmem:s2] =	stream.indirect.scatter.add.f32 @!p0 [tilespmem:s25], [sflag:$0x4], $0x80, s24, s24, $0xb8;
	[tilespmem:$0x1D400] =	vst v63  }
0x47: {  	_ =	swait.ge @!p0 [sflag:s5], $0x4000  }
0x48: {  	[sflag:s5] =	ssyncset.done @!p0 $0x0  }
0x49: {  	s24 =	stileid.u32;
	[sflag:s5] =	ssyncadd.s32 @!p0 $0xFFFFC000  }
0x4a: {  	s5 =	sshll.u32 s24, $0x6;
	[bflag:$0x0] =	sbarrier.arrive $0xFFFF  }
0x4b: {  	s25 =	sshrl.u32 s9, $0x3;
	s5 =	sor.u32 $0x1C04, s5;
	s26 =	rddreg [dreg:$0x8]  }
0x4c: {  	[hbm:s26], [sflag:s5] =	dma.local [spmem:s25], $0x2800  }
0x4d: {  	_ =	swait.ge [sflag:s16], $0x2800  }
0x4e: {  	s23 =	sadd.s32 $0x1, s23;
	s28 =	rddreg [dreg:$0x9]  }
0x4f: {  	p1 =	sne.s32 s23, s28  }
.Ltmp1:
0x50: {  	_ = 	snop;
	(pc) =	sbr.rel @!p1 .LBB2_7-.Ltmp1, $3  }
0x51: {  	_ =	sdelay $0x1  }
0x52: {  	[sflag:s16] =	ssyncset.done $0x0  }
0x53: {  	[sflag:s16] =	ssyncadd.s32 $0xFFFFD800  }
.LBB2_1:
0x54: {  	s5 =	rddreg [dreg:$0x4]  }
0x55: {  	[tilespmem:s3], [sflag:$0x3] =	stream.linear.gather [hbm4b:s5+s3], $0x100, $0x38;
	[tilespmem:$0x1D400] =	vst v63  }
0x56: {  	s28 =	rddreg [dreg:$0x5];
	s24 =	simm.s32 $0x200;
	s5 =	simm.s32 $0x0  }
0x57: {  	[tilespmem:s8], [sflag:$0x3] =	stream.linear.gather [hbm4b:s28+s3], $0x100, $0x38;
	[tilespmem:$0x1D400] =	vst v63  }
.LBB2_2:
0x58: {  	p1 =	sne.s32 s24, $0x3E00;
	[tilespmem:s5+$0x8470] =	vst v0  }
0x59: {  	[tilespmem:s5+$0x8400] =	vst v0  }
0x5a: {  	[tilespmem:s5+$0x8410] =	vst v0  }
.Ltmp2:
0x5b: {  	[tilespmem:s5+$0x8420] =	vst v0;
	(pc) =	sbr.rel @p1 .LBB2_2-.Ltmp2, $4  }
0x5c: {  	[tilespmem:s5+$0x8430] =	vst v0  }
0x5d: {  	[tilespmem:s5+$0x8440] =	vst v0  }
0x5e: {  	[tilespmem:s5+$0x8450] =	vst v0  }
0x5f: {  	[tilespmem:s5+$0x8460] =	vst v0;
	s5 =	sshra.s32 s24, $0x2;
	s24 =	sadd.s32 $0x200, s24  }
0x60: {  	[tilespmem:s5+$0x8470] =	vst v0  }
0x61: {  	[tilespmem:s5+$0x8400] =	vst v0  }
0x62: {  	[tilespmem:s5+$0x8410] =	vst v0  }
0x63: {  	[tilespmem:s5+$0x8420] =	vst v0  }
0x64: {  	[tilespmem:s5+$0x8430] =	vst v0  }
0x65: {  	[tilespmem:s5+$0x8440] =	vst v0  }
0x66: {  	[tilespmem:s5+$0x8450] =	vst v0  }
0x67: {  	[tilespmem:s5+$0x8460] =	vst v0  }
0x68: {  	_ =	swait.ge [sflag:s10], $0x100  }
0x69: {  	[sflag:s10] =	ssyncset.done $0x0  }
0x6a: {  	[sflag:s10] =	ssyncadd.s32 $0xFFFFFF00  }
0x6b: {  	_ =	swait.ge [sflag:s10], $0x100  }
0x6c: {  	[sflag:s10] =	ssyncset.done $0x0  }
0x6d: {  	s5 =	simm.s32 $0x0;
	s24 =	rddreg [dreg:$0x6];
	[sflag:s10] =	ssyncadd.s32 $0xFFFFFF00  }
0x6e: {  	[tilespmem:s11], [sflag:$0x3] =	stream.linear.gather [hbm4b:s24+s5], $0x100, $0x38;
	[tilespmem:$0x1D400] =	vst v63  }
0x6f: {  	s28 =	rddreg [dreg:$0x7]  }
0x70: {  	[tilespmem:s12], [sflag:$0x3] =	stream.linear.gather [hbm4b:s28+s5], $0x100, $0x38;
	[tilespmem:$0x1D400] =	vst v63  }
0x71: {  	_ = 	snop  }
0x72: {  	[tilespmem:s14], [sflag:$0x1] =	stream.indirect.gather [hbm4b:s4+s13], $0x80, s5, s13, $0xb8;
	[tilespmem:$0x1D400] =	vst v63  }
0x73: {  	_ = 	snop  }
0x74: {  	[spmem:s9] =	stream.linear.scatter [tilespmem:s15], [sflag:$0x4], $0x1000, $0x38;
	[tilespmem:$0x1D400] =	vst v63  }
0x75: {  	_ =	swait.ge [sflag:s16], $0x1000  }
0x76: {  	[sflag:s16] =	ssyncset.done $0x0  }
0x77: {  	s25 =	rddreg [dreg:$0xa];
	[sflag:s16] =	ssyncadd.s32 $0xFFFFF000  }
0x78: {  	[spmem:s25] =	stream.linear.scatter [tilespmem:s15], [sflag:$0x4], $0x1000, $0x38;
	[tilespmem:$0x1D400] =	vst v63  }
0x79: {  	_ =	swait.ge [sflag:s16], $0x1000  }
0x7a: {  	[sflag:s16] =	ssyncset.done $0x0  }
0x7b: {  	s26 =	rddreg [dreg:$0xb];
	[sflag:s16] =	ssyncadd.s32 $0xFFFFF000  }
0x7c: {  	[spmem:s26] =	stream.linear.scatter [tilespmem:s15], [sflag:$0x4], $0x1000, $0x38;
	[tilespmem:$0x1D400] =	vst v63  }
0x7d: {  	_ =	swait.ge [sflag:s16], $0x1000  }
0x7e: {  	[sflag:s16] =	ssyncset.done $0x0  }
0x7f: {  	s28 =	rddreg [dreg:$0xc];
	[sflag:s16] =	ssyncadd.s32 $0xFFFFF000  }
0x80: {  	[spmem:s28] =	stream.linear.scatter [tilespmem:s15], [sflag:$0x4], $0x1000, $0x38;
	[tilespmem:$0x1D400] =	vst v63  }
0x81: {  	_ =	swait.ge [sflag:s16], $0x1000  }
0x82: {  	[sflag:s16] =	ssyncset.done $0x0  }
0x83: {  	s25 =	rddreg [dreg:$0xd];
	[sflag:s16] =	ssyncadd.s32 $0xFFFFF000  }
0x84: {  	[spmem:s25] =	stream.linear.scatter [tilespmem:s15], [sflag:$0x4], $0x1000, $0x38;
	[tilespmem:$0x1D400] =	vst v63  }
0x85: {  	_ =	swait.ge [sflag:s16], $0x1000  }
0x86: {  	[sflag:s16] =	ssyncset.done $0x0  }
0x87: {  	s26 =	rddreg [dreg:$0xe];
	[sflag:s16] =	ssyncadd.s32 $0xFFFFF000  }
0x88: {  	[spmem:s26] =	stream.linear.scatter [tilespmem:s15], [sflag:$0x4], $0x1000, $0x38;
	[tilespmem:$0x1D400] =	vst v63  }
0x89: {  	_ =	swait.ge [sflag:s16], $0x1000  }
0x8a: {  	[sflag:s16] =	ssyncset.done $0x0  }
0x8b: {  	s28 =	rddreg [dreg:$0xf];
	[sflag:s16] =	ssyncadd.s32 $0xFFFFF000  }
0x8c: {  	[spmem:s28] =	stream.linear.scatter [tilespmem:s15], [sflag:$0x4], $0x1000, $0x38;
	[tilespmem:$0x1D400] =	vst v63  }
0x8d: {  	_ =	swait.ge [sflag:s16], $0x1000  }
0x8e: {  	[sflag:s16] =	ssyncset.done $0x0  }
0x8f: {  	s25 =	rddreg [dreg:$0x10];
	[sflag:s16] =	ssyncadd.s32 $0xFFFFF000  }
0x90: {  	[spmem:s25] =	stream.linear.scatter [tilespmem:s15], [sflag:$0x4], $0x1000, $0x38;
	[tilespmem:$0x1D400] =	vst v63  }
0x91: {  	_ =	swait.ge [sflag:s16], $0x1000  }
0x92: {  	[sflag:s16] =	ssyncset.done $0x0  }
0x93: {  	s26 =	rddreg [dreg:$0x11];
	[sflag:s16] =	ssyncadd.s32 $0xFFFFF000  }
0x94: {  	[spmem:s26] =	stream.linear.scatter [tilespmem:s15], [sflag:$0x4], $0x1000, $0x38;
	[tilespmem:$0x1D400] =	vst v63  }
0x95: {  	_ =	swait.ge [sflag:s16], $0x1000  }
0x96: {  	[sflag:s16] =	ssyncset.done $0x0  }
0x97: {  	s28 =	rddreg [dreg:$0x13];
	[sflag:s16] =	ssyncadd.s32 $0xFFFFF000  }
0x98: {  	[spmem:s28] =	stream.linear.scatter [tilespmem:s15], [sflag:$0x4], $0x1000, $0x38;
	[tilespmem:$0x1D400] =	vst v63  }
0x99: {  	_ =	swait.ge [sflag:s16], $0x1000  }
0x9a: {  	[sflag:s16] =	ssyncset.done $0x0  }
0x9b: {  	s25 =	rddreg [dreg:$0x14];
	[sflag:s16] =	ssyncadd.s32 $0xFFFFF000  }
0x9c: {  	[spmem:s25] =	stream.linear.scatter [tilespmem:s15], [sflag:$0x4], $0x1000, $0x38;
	[tilespmem:$0x1D400] =	vst v63  }
0x9d: {  	_ =	swait.ge [sflag:s16], $0x1000  }
0x9e: {  	[sflag:s16] =	ssyncset.done $0x0  }
0x9f: {  	s26 =	rddreg [dreg:$0x17];
	[sflag:s16] =	ssyncadd.s32 $0xFFFFF000  }
0xa0: {  	[spmem:s26] =	stream.linear.scatter [tilespmem:s15], [sflag:$0x4], $0x1000, $0x38;
	[tilespmem:$0x1D400] =	vst v63  }
0xa1: {  	_ =	swait.ge [sflag:s16], $0x1000  }
0xa2: {  	[sflag:s16] =	ssyncset.done $0x0  }
0xa3: {  	s28 =	rddreg [dreg:$0x18];
	[sflag:s16] =	ssyncadd.s32 $0xFFFFF000  }
0xa4: {  	[spmem:s28] =	stream.linear.scatter [tilespmem:s15], [sflag:$0x4], $0x1000, $0x38;
	[tilespmem:$0x1D400] =	vst v63  }
0xa5: {  	_ =	swait.ge [sflag:s16], $0x1000  }
0xa6: {  	[sflag:s16] =	ssyncset.done $0x0  }
0xa7: {  	[sflag:s16] =	ssyncadd.s32 $0xFFFFF000  }
0xa8: {  	[spmem:s29] =	stream.linear.scatter [tilespmem:s15], [sflag:$0x4], $0x1000, $0x38;
	[tilespmem:$0x1D400] =	vst v63  }
0xa9: {  	_ =	swait.ge [sflag:s16], $0x1000  }
0xaa: {  	[sflag:s16] =	ssyncset.done $0x0  }
0xab: {  	[sflag:s16] =	ssyncadd.s32 $0xFFFFF000  }
0xac: {  	[spmem:s30] =	stream.linear.scatter [tilespmem:s15], [sflag:$0x4], $0x1000, $0x38;
	[tilespmem:$0x1D400] =	vst v63  }
0xad: {  	_ =	swait.ge [sflag:s16], $0x1000  }
0xae: {  	[sflag:s16] =	ssyncset.done $0x0  }
0xaf: {  	[sflag:s16] =	ssyncadd.s32 $0xFFFFF000  }
0xb0: {  	[spmem:s31] =	stream.linear.scatter [tilespmem:s15], [sflag:$0x4], $0x1000, $0x38;
	[tilespmem:$0x1D400] =	vst v63  }
0xb1: {  	_ =	swait.ge [sflag:s16], $0x1000  }
0xb2: {  	[sflag:s16] =	ssyncset.done $0x0  }
0xb3: {  	[sflag:s16] =	ssyncadd.s32 $0xFFFFF000  }
0xb4: {  	[spmem:s0] =	stream.linear.scatter [tilespmem:s15], [sflag:$0x4], $0x1000, $0x38;
	[tilespmem:$0x1D400] =	vst v63  }
0xb5: {  	_ =	swait.ge [sflag:s16], $0x1000  }
0xb6: {  	[sflag:s16] =	ssyncset.done $0x0  }
0xb7: {  	[sflag:s16] =	ssyncadd.s32 $0xFFFFF000  }
0xb8: {  	[spmem:s1] =	stream.linear.scatter [tilespmem:s15], [sflag:$0x4], $0x1000, $0x38;
	[tilespmem:$0x1D400] =	vst v63  }
0xb9: {  	_ =	swait.ge [sflag:s16], $0x1000  }
0xba: {  	[sflag:s16] =	ssyncset.done $0x0  }
0xbb: {  	[sflag:s16] =	ssyncadd.s32 $0xFFFFF000  }
0xbc: {  	[spmem:s6] =	stream.linear.scatter [tilespmem:s15], [sflag:$0x4], $0x1000, $0x38;
	[tilespmem:$0x1D400] =	vst v63  }
0xbd: {  	_ =	swait.ge [sflag:s16], $0x1000  }
0xbe: {  	[sflag:s16] =	ssyncset.done $0x0  }
0xbf: {  	[sflag:s16] =	ssyncadd.s32 $0xFFFFF000  }
0xc0: {  	[spmem:s7] =	stream.linear.scatter [tilespmem:s15], [sflag:$0x4], $0x1000, $0x38;
	[tilespmem:$0x1D400] =	vst v63  }
0xc1: {  	_ =	swait.ge [sflag:s16], $0x1000  }
0xc2: {  	[sflag:s16] =	ssyncset.done $0x0  }
0xc3: {  	[sflag:s16] =	ssyncadd.s32 $0xFFFFF000  }
0xc4: {  	[bflag:$0x0] =	sbarrier.arrive $0xFFFF  }
.LBB2_4:
0xc5: {  	[tilespmem:s17], [sflag:$0x2] =	stream.indirect.gather [hbm4b:s4+s13], $0x80, s8, s13, $0xb8;
	[tilespmem:$0x1D400] =	vst v63  }
0xc6: {  	_ =	swait.ge [sflag:s18], $0x4000  }
0xc7: {  	[sflag:s18] =	ssyncset.done $0x0  }
0xc8: {  	[sflag:s18] =	ssyncadd.s32 $0xFFFFC000  }
0xc9: {  	[spmem:s2] =	stream.indirect.scatter.add.f32 [tilespmem:s14], [sflag:$0x4], $0x80, s13, s13, $0xb8;
	[tilespmem:$0x1D400] =	vst v63  }
0xca: {  	_ =	swait.ge [sflag:s16], $0x4000  }
0xcb: {  	[sflag:s16] =	ssyncset.done $0x0  }
0xcc: {  	[sflag:s16] =	ssyncadd.s32 $0xFFFFC000  }
0xcd: {  	_ =	swait.ge [sflag:s10], $0x100  }
0xce: {  	[sflag:s10] =	ssyncset.done $0x0  }
0xcf: {  	[sflag:s10] =	ssyncadd.s32 $0xFFFFFF00  }
0xd0: {  	_ =	swait.ge [sflag:s10], $0x100  }
0xd1: {  	[sflag:s10] =	ssyncset.done $0x0  }
0xd2: {  	[sflag:s10] =	ssyncadd.s32 $0xFFFFFF00  }
0xd3: {  	[tilespmem:s14], [sflag:$0x1] =	stream.indirect.gather [hbm4b:s4+s13], $0x80, s11, s13, $0xb8;
	[tilespmem:$0x1D400] =	vst v63  }
0xd4: {  	_ =	swait.ge [sflag:s19], $0x4000  }
0xd5: {  	[sflag:s19] =	ssyncset.done $0x0  }
0xd6: {  	[sflag:s19] =	ssyncadd.s32 $0xFFFFC000  }
0xd7: {  	[spmem:s2] =	stream.indirect.scatter.add.f32 [tilespmem:s17], [sflag:$0x4], $0x80, s20, s13, $0xb8;
	[tilespmem:$0x1D400] =	vst v63  }
0xd8: {  	p1 =	seq.s32 s5, $0x900;
	_ =	swait.ge [sflag:s16], $0x4000  }
0xd9: {  	s24 =	simm.s32 @p1 $0x80;
	[sflag:s16] =	ssyncset.done $0x0  }
0xda: {  	s25 =	simm.s32 @p1 $0x300;
	s26 =	simm.s32 @p1 $0x4400;
	[sflag:s16] =	ssyncadd.s32 $0xFFFFC000  }
0xdb: {  	[tilespmem:s26], [sflag:$0x2] =	stream.indirect.gather @p1 [hbm4b:s4+s24], $0x80, s25, s24, $0xb8;
	[tilespmem:$0x1D400] =	vst v63  }
0xdc: {  	s25 =	simm.s32 @p1 $0x1  }
0xdd: {  	_ =	swait.ge @p1 [sflag:s25], $0x4000  }
0xde: {  	[sflag:s25] =	ssyncset.done @p1 $0x0  }
0xdf: {  	s26 =	simm.s32 @p1 $0x400;
	[sflag:s25] =	ssyncadd.s32 @p1 $0xFFFFC000;
	s25 =	simm.s32 @p1 $0x280  }
0xe0: {  	[spmem:s2] =	stream.indirect.scatter.add.f32 @p1 [tilespmem:s26], [sflag:$0x4], $0x80, s25, s24, $0xb8;
	[tilespmem:$0x1D400] =	vst v63  }
0xe1: {  	s24 =	simm.s32 @p1 $0x4  }
0xe2: {  	_ =	swait.ge @p1 [sflag:s24], $0x4000  }
0xe3: {  	s25 =	sadd.s32 @!p1 s5, s22;
	[sflag:s24] =	ssyncset.done @p1 $0x0  }
0xe4: {  	s26 =	simm.s32 @!p1 $0x0;
	[sflag:s24] =	ssyncadd.s32 @p1 $0xFFFFC000;
	s24 =	sadd.s32 @!p1 $0x80, s25  }
0xe5: {  	[tilespmem:s26], [sflag:$0x3] =	stream.linear.gather @!p1 [hbm4b:s24+s26], $0x100, $0x38;
	[tilespmem:$0x1D400] =	vst v63  }
0xe6: {  	s24 =	sadd.s32 @!p1 $0xA0, s25;
	s25 =	simm.s32 @!p1 $0x100  }
0xe7: {  	[tilespmem:s25], [sflag:$0x3] =	stream.linear.gather @!p1 [hbm4b:s24+s26], $0x100, $0x38;
	[tilespmem:$0x1D400] =	vst v63  }
0xe8: {  	s28 =	simm.s32 @!p1 $0x4400;
	s24 =	simm.s32 @!p1 $0x80;
	s25 =	simm.s32 @!p1 $0x300  }
0xe9: {  	[tilespmem:s28], [sflag:$0x2] =	stream.indirect.gather @!p1 [hbm4b:s4+s24], $0x80, s25, s24, $0xb8;
	[tilespmem:$0x1D400] =	vst v63  }
0xea: {  	s25 =	simm.s32 @!p1 $0x1  }
0xeb: {  	_ =	swait.ge @!p1 [sflag:s25], $0x4000  }
0xec: {  	[sflag:s25] =	ssyncset.done @!p1 $0x0  }
0xed: {  	s28 =	simm.s32 @!p1 $0x400;
	[sflag:s25] =	ssyncadd.s32 @!p1 $0xFFFFC000;
	s25 =	simm.s32 @!p1 $0x280  }
0xee: {  	[spmem:s2] =	stream.indirect.scatter.add.f32 @!p1 [tilespmem:s28], [sflag:$0x4], $0x80, s25, s24, $0xb8;
	[tilespmem:$0x1D400] =	vst v63  }
0xef: {  	s25 =	simm.s32 @!p1 $0x4  }
0xf0: {  	_ =	swait.ge @!p1 [sflag:s25], $0x4000  }
0xf1: {  	[sflag:s25] =	ssyncset.done @!p1 $0x0  }
0xf2: {  	[sflag:s25] =	ssyncadd.s32 @!p1 $0xFFFFC000;
	s25 =	simm.s32 @!p1 $0x3  }
0xf3: {  	_ =	swait.ge @!p1 [sflag:s25], $0x100  }
0xf4: {  	[sflag:s25] =	ssyncset.done @!p1 $0x0  }
0xf5: {  	[sflag:s25] =	ssyncadd.s32 @!p1 $0xFFFFFF00  }
0xf6: {  	_ =	swait.ge @!p1 [sflag:s25], $0x100  }
0xf7: {  	[sflag:s25] =	ssyncset.done @!p1 $0x0  }
0xf8: {  	[sflag:s25] =	ssyncadd.s32 @!p1 $0xFFFFFF00  }
0xf9: {  	[tilespmem:s28], [sflag:$0x1] =	stream.indirect.gather @!p1 [hbm4b:s4+s24], $0x80, s26, s24, $0xb8;
	[tilespmem:$0x1D400] =	vst v63  }
0xfa: {  	_ =	swait.ge [sflag:s19], $0x4000  }
0xfb: {  	[sflag:s19] =	ssyncset.done $0x0  }
.Ltmp3:
0xfc: {  	[sflag:s19] =	ssyncadd.s32 $0xFFFFC000;
	(pc) =	sbr.rel @p1 .LBB2_6-.Ltmp3, $4  }
0xfd: {  	[spmem:s2] =	stream.indirect.scatter.add.f32 [tilespmem:s17], [sflag:$0x4], $0x80, s21, s13, $0xb8;
	[tilespmem:$0x1D400] =	vst v63  }
0xfe: {  	_ =	swait.ge [sflag:s16], $0x4000  }
0xff: {  	[sflag:s16] =	ssyncset.done $0x0  }
0x100: {  	[sflag:s16] =	ssyncadd.s32 $0xFFFFC000  }
.Ltmp4:
0x101: {  	s24 =	sadd.s32 s5, s22;
	(pc) =	sbr.rel .LBB2_4-.Ltmp4, $4  }
0x102: {  	s25 =	sadd.s32 $0xC0, s24  }
0x103: {  	[tilespmem:s11], [sflag:$0x3] =	stream.linear.gather [hbm4b:s25+s3], $0x100, $0x38;
	[tilespmem:$0x1D400] =	vst v63  }
0x104: {  	s5 =	sadd.s32 $0x80, s5;
	s24 =	sadd.s32 $0xE0, s24  }
0x105: {  	[tilespmem:s12], [sflag:$0x3] =	stream.linear.gather [hbm4b:s24+s3], $0x100, $0x38;
	[tilespmem:$0x1D400] =	vst v63  }
.LBB2_7:
0x106: {  	_ =	sfence.sel $0x180000  }
0x107: {  	[bflag:$0x0] =	sbarrier.arrive $0xFFFF  }
0x108: {  	_ =	strace $0x9000004D  }
0x109: {  	s0 =	stileid.u32;
	[bflag:$0x2] =	sbarrier.arrive $0xFFFF  }
0x10a: {  	p0 =	sne.s32 s0, $0x0;
	s0 =	rddreg [dreg:$0x3]  }
0x10b: {  	s0 =	sadd.s32 @!p0 $0x100000, s0  }
0x10c: {  	[sflag:s0] =	ssyncadd.tile.s32 @!p0 $0x1;
	_ =	shalt  }
.Lfunc_end2:
_tile_overlayer_lowered:
.L_overlay_start_2:
0x10d: {  	(tag) =	ssettag $0x2  }
0x10e: {  	s0 =	rddreg [dreg:$0x0];
	s2 =	stileid.u32  }
0x10f: {  	s1 =	rddreg [dreg:$0x1];
	p0 =	sne.s32 s2, $0x0  }
0x110: {  	s3 =	rddreg [dreg:$0x2];
	[bflag:$0x3] =	sbarrier.arrive $0xFFFF;
	s2 =	simm.s32 @!p0 $0x1C04  }
0x111: {  	[timem:s3], [sflag:s2] =	dma.local @!p0 [hbm:s0], s1  }
0x112: {  	s0 =	simm.s32 @!p0 $0x4  }
0x113: {  	_ =	swait.ge @!p0 [sflag:s0], s1  }
0x114: {  	s1 =	ssub.s32 @!p0 $0x0, s1;
	[sflag:s0] =	ssyncset.done @!p0 $0x0  }
0x115: {  	[sflag:s0] =	ssyncadd.s32 @!p0 s1  }
0x116: {  	[bflag:$0x3] =	sbarrier.arrive $0xFFFF  }
0x117: {  	_ =	shalt  }

// kernel: kernel.9.cloned.1.call-start
scs
__scs_entry_jumppad:
0x0: {  	(pc) =	sbr.rel $0x88, $3  }
0x1: {  	(tag) =	ssettag $0x0;
	lr =	simm.s32 $0x1  }
0x2: {  	[smem:$0x3F9B] =	sst lr;
	_ =	strace $0xD0000000  }
0x3: {  	_ = 	snop  }
0x4: {  	_ = 	snop  }
0x5: {  	_ = 	snop  }
0x6: {  	_ = 	snop  }
0x7: {  	_ = 	snop  }
__scs_overlays_trampoline_lowered:
0x8: {  	[smem:$0x3FAA] =	sst s0  }
0x9: {  	[smem:$0x3FAB] =	sst s1  }
0xa: {  	[smem:$0x3FAC] =	sst s2  }
0xb: {  	[smem:$0x3FAD] =	sst s3  }
0xc: {  	[smem:$0x3FAE] =	sst s4  }
0xd: {  	[smem:$0x3FAF] =	sst s5  }
0xe: {  	[smem:$0x3FB0] =	sst s6  }
0xf: {  	[smem:$0x3FB1] =	sst s7  }
0x10: {  	[smem:$0x3FB2] =	sst s8  }
0x11: {  	[smem:$0x3FB3] =	sst s9;
	s0 =	simm.s32 @!p0 $0x0  }
0x12: {  	s1 =	sld [smem:$0x3F99];
	s0 =	simm.s32 @p0 $0x1  }
0x13: {  	[smem:$0x3FB4] =	sst s0;
	s0 =	simm.s32 @!p1 $0x0  }
0x14: {  	s2 =	sld [smem:$0x3F98];
	s0 =	simm.s32 @p1 $0x1  }
0x15: {  	[smem:$0x3FB5] =	sst s0;
	s0 =	simm.s32 @!p2 $0x0  }
0x16: {  	s3 =	sld [smem:$0x3FDB];
	s0 =	simm.s32 @p2 $0x1  }
0x17: {  	s4 =	simm.s32 $0x1BF5;
	[smem:$0x3FB7] =	sst s0  }
0x18: {  	s0 =	sld [smem:$0x3F9A];
	_ =	swait.ge [sflag:s4], $0x0  }
0x19: {  	s7 =	sld [smem:$0x3F9B]  }
0x1a: {  	s8 =	sadd.s32 $0xFFFFE003, lr  }
0x1b: {  	s9 =	sadd.s32 $0xFFFFFEF7, lr;
	s5 =	simm.s32 $0xFFFFFFFF;
	p2 =	slt.u32 s8, $0xFFFFF086  }
0x1c: {  	p1 =	slt.u32 s9, $0xF7A;
	s5 =	simm.s32 @!p2 $0x0  }
0x1d: {  	s5 =	simm.s32 @p1 $0x1;
	p0 =	seq.s32 s7, s2  }
0x1e: {  	s7 =	smul.u32 @!p0 $0xF7A, s2;
	p2 =	seq.s32 @!p0 s5, $0x0  }
0x1f: {  	s9 =	smul.u32 $0xF7A, s1;
	s8 =	simm.s32 @!p0 $0x1BF5;
	p2 =	por !p2, p0  }
0x20: {  	[sflag:s8] =	ssyncset.s32 @!p0 $0xFFFFF086;
	s6 =	sadd.s32 @!p0 s3, s7;
	s7 =	simm.s32 @!p0 $0x108  }
0x21: {  	s3 =	sadd.s32 s3, s9;
	s6 =	sadd.s32 @!p0 $0x88, s6;
	s7 =	simm.s32 @p2 $0x1082  }
0x22: {  	[simem:s7], [sflag:s8] =	dma.local @!p0 [hbm:s6], $0xF7A  }
0x23: {  	s9 =	sor.u32 $0xD0000000, s2;
	s6 =	simm.s32 $0x108;
	_ =	swait.ge @!p0 [sflag:s8], $0x0  }
0x24: {  	s3 =	sadd.s32 $0x88, s3;
	s6 =	simm.s32 @!p1 $0x1082;
	[sflag:s4] =	ssyncset.s32 $0xFFFFF086  }
0x25: {  	[simem:s6], [sflag:s4] =	dma.local [hbm:s3], $0xF7A  }
0x26: {  	[smem:$0x3F9B] =	sst s1;
	(tag) =	ssettag s2;
	_ =	strace s9  }
0x27: {  	s1 =	sld [smem:$0x3FAB]  }
0x28: {  	s2 =	sld [smem:$0x3FAC]  }
0x29: {  	s4 =	sld [smem:$0x3FAE]  }
0x2a: {  	p0 =	seq.s32 s5, $0x0;
	s5 =	sld [smem:$0x3FAF]  }
0x2b: {  	s6 =	sld [smem:$0x3FB0]  }
0x2c: {  	s7 =	sld [smem:$0x3FB1]  }
0x2d: {  	s3 =	simm.s32 $0x108;
	s8 =	sld [smem:$0x3FB2]  }
0x2e: {  	s3 =	simm.s32 @!p0 $0x1082;
	s9 =	sld [smem:$0x3FB3]  }
0x2f: {  	lr =	sadd.s32 s0, s3;
	s0 =	sld [smem:$0x3FAA]  }
0x30: {  	s3 =	sld [smem:$0x3FAD]  }
0x31: {  	[smem:$0x3FB6] =	sst s10  }
0x32: {  	s10 =	sld [smem:$0x3FB4];
	_ =	sdelay $0x3  }
0x33: {  	p0 =	seq.s32 s10, $0x1;
	s10 =	sld [smem:$0x3FB6];
	_ =	sdelay $0x3  }
0x34: {  	[smem:$0x3FB6] =	sst s10  }
0x35: {  	s10 =	sld [smem:$0x3FB5];
	_ =	sdelay $0x3  }
0x36: {  	p1 =	seq.s32 s10, $0x1;
	s10 =	sld [smem:$0x3FB6];
	_ =	sdelay $0x3  }
0x37: {  	[smem:$0x3FB6] =	sst s10  }
0x38: {  	s10 =	sld [smem:$0x3FB7]  }
0x39: {  	_ = 	snop;
	(pc) =	sbr.ind lr, $3  }
0x3a: {  	_ = 	snop  }
0x3b: {  	_ = 	snop  }
0x3c: {  	p2 =	seq.s32 s10, $0x1;
	s10 =	sld [smem:$0x3FB6]  }
0x3d: {  	_ =	shalt  }
0x3e: {  	_ =	shalt  }
0x3f: {  	_ =	shalt  }
0x40: {  	_ =	shalt  }
0x41: {  	_ =	shalt  }
0x42: {  	_ =	shalt  }
0x43: {  	_ =	shalt  }
0x44: {  	_ =	shalt  }
0x45: {  	_ =	shalt  }
0x46: {  	_ =	shalt  }
0x47: {  	_ =	shalt  }
0x48: {  	_ =	shalt  }
0x49: {  	_ =	shalt  }
0x4a: {  	_ =	shalt  }
0x4b: {  	_ =	shalt  }
0x4c: {  	_ =	shalt  }
0x4d: {  	_ =	shalt  }
0x4e: {  	_ =	shalt  }
0x4f: {  	_ =	shalt  }
0x50: {  	_ =	shalt  }
0x51: {  	_ =	shalt  }
0x52: {  	_ =	shalt  }
0x53: {  	_ =	shalt  }
0x54: {  	_ =	shalt  }
0x55: {  	_ =	shalt  }
0x56: {  	_ =	shalt  }
0x57: {  	_ =	shalt  }
0x58: {  	_ =	shalt  }
0x59: {  	_ =	shalt  }
0x5a: {  	_ =	shalt  }
0x5b: {  	_ =	shalt  }
0x5c: {  	_ =	shalt  }
0x5d: {  	_ =	shalt  }
0x5e: {  	_ =	shalt  }
0x5f: {  	_ =	shalt  }
0x60: {  	_ =	shalt  }
0x61: {  	_ =	shalt  }
0x62: {  	_ =	shalt  }
0x63: {  	_ =	shalt  }
0x64: {  	_ =	shalt  }
0x65: {  	_ =	shalt  }
0x66: {  	_ =	shalt  }
0x67: {  	_ =	shalt  }
0x68: {  	_ =	shalt  }
0x69: {  	_ =	shalt  }
0x6a: {  	_ =	shalt  }
0x6b: {  	_ =	shalt  }
0x6c: {  	_ =	shalt  }
0x6d: {  	_ =	shalt  }
0x6e: {  	_ =	shalt  }
0x6f: {  	_ =	shalt  }
0x70: {  	_ =	shalt  }
0x71: {  	_ =	shalt  }
0x72: {  	_ =	shalt  }
0x73: {  	_ =	shalt  }
0x74: {  	_ =	shalt  }
0x75: {  	_ =	shalt  }
0x76: {  	_ =	shalt  }
0x77: {  	_ =	shalt  }
0x78: {  	_ =	shalt  }
0x79: {  	_ =	shalt  }
0x7a: {  	_ =	shalt  }
0x7b: {  	_ =	shalt  }
0x7c: {  	_ =	shalt  }
0x7d: {  	_ =	shalt  }
0x7e: {  	_ =	shalt  }
0x7f: {  	_ =	shalt  }
0x80: {  	_ =	shalt  }
0x81: {  	_ =	shalt  }
0x82: {  	_ =	shalt  }
0x83: {  	_ =	shalt  }
0x84: {  	_ =	shalt  }
0x85: {  	_ =	shalt  }
0x86: {  	_ =	shalt  }
0x87: {  	_ =	shalt  }
.Lfunc_end0:
.L_simem_size_0:
called_computation_lowered:
.L_overlay_start_0:
0x88: {  	s2 =	sld [smem:$0x3FD9]  }
0x89: {  	s3 =	sld [smem:$0x3FFE];
	_ =	sdelay $0x1  }
0x8a: {  	s1 =	srdreg.scid  }
0x8b: {  	s0 =	sand.u32 $0x1, s1  }
0x8c: {  	s18 =	sshll.u32 s0, $0xA;
	s2 =	sadd.s32 s3, s2  }
0x8d: {  	s2 =	sadd.s32 s2, s18  }
0x8e: {  	[smem:$0x3FC2] =	sst s2  }
0x8f: {  	_ = 	snop  }
0x90: {  	s2 =	sld [smem:$0x3FC8]  }
0x91: {  	s19 =	sld [smem:$0x3FD0];
	(tm) =	ssettm $0x1  }
0x92: {  	s4 =	sld [smem:$0x3FFB];
	_ =	sdelay $0x3  }
0x93: {  	_ =	strace s4  }
0x94: {  	s4 =	sld [smem:$0x3FFC];
	_ =	sdelay $0x3  }
0x95: {  	_ =	strace s4  }
0x96: {  	s4 =	sld [smem:$0x3FFD];
	_ =	sdelay $0x3  }
0x97: {  	_ =	strace s4  }
0x98: {  	_ =	strace $0x8FFFFFFF  }
0x99: {  	s20 =	sld [smem:$0x3FDB];
	_ =	sdelay $0x1  }
0x9a: {  	s5 =	simm.s32 $_scs_section_size  }
0x9b: {  	s6 =	simm.s32 $_size__tile_overlayer_lowered;
	s7 =	simm.s32 $_tile_overlayer_lowered  }
0x9c: {  	s23 =	simm.s32 $0x1BFF;
	s22 =	sshll.u32 s7, $0x1;
	s4 =	sadd.s32 s5, s20  }
0x9d: {  	s8 =	simm.s32 $0x0;
	s21 =	sshll.u32 s6, $0x1;
	s6 =	sadd.s32 s22, s4  }
0x9e: {  	[timem:s8], [sflag:s23] =	dma.local [hbm:s6], s21  }
0x9f: {  	_ =	swait.ge [sflag:s23], s21  }
0xa0: {  	s5 =	ssub.s32 $0x0, s21;
	[sflag:s23] =	ssyncset.done $0x0  }
0xa1: {  	[sflag:s23] =	ssyncadd.s32 s5;
	_ =	sdelay $0x1  }
0xa2: {  	s24 =	simm.s32 $0x1B8B  }
0xa3: {  	_ =	swait.ge [sflag:s24], $0x1  }
0xa4: {  	[sflag:s24] =	ssyncset.done $0x0  }
0xa5: {  	s25 =	simm.s32 $0x1B8E;
	[sflag:s24] =	ssyncadd.s32 $0xFFFFFFFF  }
0xa6: {  	s26 =	simm.s32 $execute0_lowered;
	[smem:$0x3FD2] =	sst s25  }
0xa7: {  	s5 =	sshll.u32 s26, $0x1;
	_ =	strace $0x80000046;
	[dreg:$0x1] =	wrdreg $0xFFFFFFFF  }
0xa8: {  	s28 =	simm.s32 $_size_execute0_lowered;
	s4 =	sadd.s32 s4, s5;
	[dreg:$0x0] =	wrdreg $0x0  }
0xa9: {  	s5 =	sshll.u32 s28, $0x1;
	[dreg:$0x2] =	wrdreg s4  }
0xaa: {  	[dreg:$0x3] =	wrdreg s5  }
0xab: {  	[dreg:$0x4] =	wrdreg $0xC0  }
0xac: {  	_ =	task [dreg:s8], $0x5FFFF  }
0xad: {  	[dreg:$0x1] =	wrdreg $0xFFFFFFFF  }
0xae: {  	[dreg:$0x0] =	wrdreg $0x60  }
0xaf: {  	[dreg:$0x2] =	wrdreg s2  }
0xb0: {  	[dreg:$0x3] =	wrdreg s19  }
0xb1: {  	[dreg:$0x4] =	wrdreg $0x7000  }
0xb2: {  	[dreg:$0x5] =	wrdreg $0x9  }
0xb3: {  	_ =	task.clear_ibuf [dreg:s8], $0x6FFFF;
	_ =	strace $0x90000046  }
0xb4: {  	s29 =	simm.s32 $0x9;
	_ =	strace $0x80000048  }
0xb5: {  	_ =	swait.ge [sflag:s29], $0x1  }
0xb6: {  	[sflag:s29] =	ssyncadd.s32 $0xFFFFFFFF  }
0xb7: {  	_ =	strace $0x90000048  }
0xb8: {  	_ =	sfence  }
0xb9: {  	s30 =	sld [smem:$0x0];
	_ =	sdelay $0x2  }
0xba: {  	s31 =	sshll.u32 s1, $0xD;
	s1 =	sshrl.u32 s1, $0x2  }
0xbb: {  	s3 =	sand.u32 $0x4000, s31;
	s1 =	sadd.s32 s1, s30  }
0xbc: {  	s0 =	sor.u32 s3, s0;
	s1 =	sshll.u32 s1, $0x11  }
0xbd: {  	s0 =	sor.u32 s1, s0  }
0xbe: {  	s0 =	sadd.s32 $0x8F2B, s0  }
0xbf: {  	[sflag:s0] =	ssyncadd.remote.s32 $0x1  }
0xc0: {  	_ =	sfence.sel $0xFFFF  }
0xc1: {  	[dreg:$0x0] =	wrdreg $0xFFFFFFFF;
	(pc) =	sbr.abs _section_cstart, $3  }
0xc2: {  	[dreg:$0x1] =	wrdreg $0xFFFFFFFF  }
0xc3: {  	_ =	task.clear_ibuf [dreg:s8], $0x2FFFF;
	_ =	strace $0x9FFFFFFF  }
0xc4: {  	(tm) =	ssettm $0x7FFFFFFF  }
0xc5: {  	_ =	shalt  }
tec
execute0_lowered:
.L_overlay_start_1:
0x0: {  	(tag) =	ssettag $0x1  }
0x1: {  	s13 =	rddreg [dreg:$0x0]  }
0x2: {  	s0 =	srdreg.scid;
	s9 =	rddreg [dreg:$0x1]  }
0x3: {  	s2 =	rddreg [dreg:$0x2];
	s3 =	simm.s32 $0x0;
	s17 =	simm.s32 $0x2  }
0x4: {  	s18 =	simm.s32 $0x1;
	s19 =	simm.s32 $0x200;
	s20 =	simm.s32 $0x300  }
0x5: {  	s21 =	simm.s32 $0x80;
	s11 =	sand.u32 $0x1, s0;
	s0 =	stileid.u32  }
0x6: {  	s22 =	simm.s32 $0x400;
	s23 =	simm.s32 $0x180;
	s6 =	smul.u32 $0x280, s0  }
0x7: {  	s24 =	simm.s32 $0x280;
	s26 =	simm.s32 $0x0;
	s7 =	smul.u32 $0x2800, s11  }
0x8: {  	[smem:$0x7FF] =	sst s3;
	s1 =	sshll.u32 s11, $0x4;
	s15 =	smul.u32 $0x9800, s11  }
0x9: {  	s5 =	ssub.s32 $0x2, s11;
	s16 =	smul.u32 $0x980, s0;
	s12 =	sor.u32 s0, s1  }
0xa: {  	s1 =	rddreg [dreg:$0x3];
	_ =	strace $0x80000047;
	s8 =	sshrl.u32 s5, $0x1  }
0xb: {  	s4 =	smul.u32 $0x980, s12;
	s10 =	ssub.s32 s5, s8;
	s29 =	sadd.s32 s6, s7  }
0xc: {  	s6 =	sadd.s32 s6, s2;
	s30 =	sshll.u32 s12, $0x5;
	s25 =	sor.u32 $0x9C0, s12  }
0xd: {  	s15 =	sadd.s32 s15, s13;
	s14 =	sshrl.u32 s29, $0x3;
	s10 =	smax.u32 s10, $0x1  }
0xe: {  	s31 =	sshll.u32 s25, $0x5;
	p0 =	sgt.u32 s25, $0x9C3;
	s25 =	simm.s32 $0x380  }
0xf: {  	s4 =	sadd.s32 s13, s4;
	s9 =	sadd.s32 s9, s14;
	s14 =	sadd.s32 s30, s13  }
0x10: {  	s13 =	sadd.s32 s13, s31;
	s5 =	sadd.s32 $0x20, s4;
	s7 =	sadd.s32 $0x40, s4  }
0x11: {  	s8 =	sadd.s32 $0x60, s4;
	s11 =	sadd.s32 $0x13000, s14;
	s12 =	sadd.s32 $0x13400, s14  }
0x12: {  	v0 =	vimm.f32 $0.0e+00;
	v1 =	vimm.f32 $1.000000000e+00;
	s14 =	sadd.s32 s16, s15;
	s15 =	simm.s32 $0x100;
	s16 =	simm.s32 $0x480  }
.LBB2_1:
0x13: {  	[tilespmem:s3], [sflag:$0x1] =	stream.linear.gather [hbm4b:s4+s3], $0x100, $0x38;
	[tilespmem:$0x980] =	vst v63  }
0x14: {  	_ = 	snop  }
0x15: {  	[tilespmem:s15], [sflag:$0x1] =	stream.linear.gather [hbm4b:s5+s3], $0x100, $0x38;
	[tilespmem:$0x980] =	vst v63  }
0x16: {  	[tilespmem:$0x480] =	vst v0  }
0x17: {  	[tilespmem:$0x490] =	vst v0  }
0x18: {  	[tilespmem:$0x4A0] =	vst v0  }
0x19: {  	[tilespmem:$0x4B0] =	vst v0  }
0x1a: {  	[tilespmem:$0x4C0] =	vst v0  }
0x1b: {  	[tilespmem:$0x4D0] =	vst v0  }
0x1c: {  	[tilespmem:$0x4E0] =	vst v0  }
0x1d: {  	[tilespmem:$0x4F0] =	vst v0  }
0x1e: {  	[tilespmem:$0x500] =	vst v0  }
0x1f: {  	[tilespmem:$0x510] =	vst v0  }
0x20: {  	[tilespmem:$0x520] =	vst v0  }
0x21: {  	[tilespmem:$0x530] =	vst v0  }
0x22: {  	[tilespmem:$0x540] =	vst v0  }
0x23: {  	[tilespmem:$0x550] =	vst v0  }
0x24: {  	[tilespmem:$0x560] =	vst v0  }
0x25: {  	[tilespmem:$0x570] =	vst v0  }
0x26: {  	[tilespmem:$0x580] =	vst v0  }
0x27: {  	[tilespmem:$0x590] =	vst v0  }
0x28: {  	[tilespmem:$0x5A0] =	vst v0  }
0x29: {  	[tilespmem:$0x5B0] =	vst v0  }
0x2a: {  	[tilespmem:$0x5C0] =	vst v0  }
0x2b: {  	[tilespmem:$0x5D0] =	vst v0  }
0x2c: {  	[tilespmem:$0x5E0] =	vst v0  }
0x2d: {  	[tilespmem:$0x5F0] =	vst v0  }
0x2e: {  	[tilespmem:$0x600] =	vst v0  }
0x2f: {  	[tilespmem:$0x610] =	vst v0  }
0x30: {  	[tilespmem:$0x620] =	vst v0  }
0x31: {  	[tilespmem:$0x630] =	vst v0  }
0x32: {  	[tilespmem:$0x640] =	vst v0  }
0x33: {  	[tilespmem:$0x650] =	vst v0  }
0x34: {  	[tilespmem:$0x660] =	vst v0  }
0x35: {  	[tilespmem:$0x670] =	vst v0  }
0x36: {  	[tilespmem:$0x680] =	vst v0  }
0x37: {  	[tilespmem:$0x690] =	vst v0  }
0x38: {  	[tilespmem:$0x6A0] =	vst v0  }
0x39: {  	[tilespmem:$0x6B0] =	vst v0  }
0x3a: {  	[tilespmem:$0x6C0] =	vst v0  }
0x3b: {  	[tilespmem:$0x6D0] =	vst v0  }
0x3c: {  	[tilespmem:$0x6E0] =	vst v0  }
0x3d: {  	[tilespmem:$0x6F0] =	vst v0  }
0x3e: {  	[tilespmem:$0x400] =	vst v1  }
0x3f: {  	[tilespmem:$0x410] =	vst v1  }
0x40: {  	[tilespmem:$0x420] =	vst v1  }
0x41: {  	[tilespmem:$0x430] =	vst v1  }
0x42: {  	[tilespmem:$0x440] =	vst v1  }
0x43: {  	[tilespmem:$0x450] =	vst v1  }
0x44: {  	[tilespmem:$0x460] =	vst v1  }
0x45: {  	[tilespmem:$0x470] =	vst v1  }
0x46: {  	[spmem:s6] =	stream.linear.scatter [tilespmem:s16], [sflag:$0x2], $0x280, $0x38;
	[tilespmem:$0x980] =	vst v63  }
0x47: {  	_ =	swait.ge [sflag:s17], $0x280  }
0x48: {  	[sflag:s17] =	ssyncset.done $0x0  }
0x49: {  	[sflag:s17] =	ssyncadd.s32 $0xFFFFFD80  }
0x4a: {  	_ =	swait.ge [sflag:s18], $0x100  }
0x4b: {  	[sflag:s18] =	ssyncset.done $0x0  }
0x4c: {  	[sflag:s18] =	ssyncadd.s32 $0xFFFFFF00  }
0x4d: {  	_ =	swait.ge [sflag:s18], $0x100  }
0x4e: {  	[sflag:s18] =	ssyncset.done $0x0  }
0x4f: {  	[sflag:s18] =	ssyncadd.s32 $0xFFFFFF00  }
0x50: {  	[tilespmem:s19], [sflag:$0x1] =	stream.linear.gather [hbm4b:s7+s3], $0x100, $0x38;
	[tilespmem:$0x980] =	vst v63  }
0x51: {  	_ = 	snop  }
0x52: {  	[tilespmem:s20], [sflag:$0x1] =	stream.linear.gather [hbm4b:s8+s3], $0x100, $0x38;
	[tilespmem:$0x980] =	vst v63  }
0x53: {  	[bflag:$0x0] =	sbarrier.arrive $0xFFFF  }
0x54: {  	[spmem:s2] =	stream.indirect.scatter.add.f32 [tilespmem:s22], [sflag:$0x2], $0x1, s21, s21, $0xb8;
	[tilespmem:$0x980] =	vst v63  }
0x55: {  	_ =	swait.ge [sflag:s17], $0x80  }
0x56: {  	[sflag:s17] =	ssyncset.done $0x0  }
0x57: {  	[sflag:s17] =	ssyncadd.s32 $0xFFFFFF80  }
0x58: {  	[spmem:s2] =	stream.indirect.scatter.add.f32 [tilespmem:s22], [sflag:$0x2], $0x1, s23, s21, $0xb8;
	[tilespmem:$0x980] =	vst v63  }
0x59: {  	_ =	swait.ge [sflag:s17], $0x80  }
0x5a: {  	s28 =	sadd.s32 $0x0, s14;
	[sflag:s17] =	ssyncset.done $0x0  }
0x5b: {  	s29 =	sadd.s32 $0x80, s28;
	[sflag:s17] =	ssyncadd.s32 $0xFFFFFF80  }
0x5c: {  	[tilespmem:s3], [sflag:$0x1] =	stream.linear.gather [hbm4b:s29+s3], $0x100, $0x38;
	[tilespmem:$0x980] =	vst v63  }
0x5d: {  	s30 =	sadd.s32 $0xA0, s28  }
0x5e: {  	[tilespmem:s15], [sflag:$0x1] =	stream.linear.gather [hbm4b:s30+s3], $0x100, $0x38;
	[tilespmem:$0x980] =	vst v63  }
0x5f: {  	_ =	swait.ge [sflag:s18], $0x100  }
0x60: {  	[sflag:s18] =	ssyncset.done $0x0  }
0x61: {  	[sflag:s18] =	ssyncadd.s32 $0xFFFFFF00  }
0x62: {  	_ =	swait.ge [sflag:s18], $0x100  }
0x63: {  	[sflag:s18] =	ssyncset.done $0x0  }
0x64: {  	[sflag:s18] =	ssyncadd.s32 $0xFFFFFF00  }
0x65: {  	[spmem:s2] =	stream.indirect.scatter.add.f32 [tilespmem:s22], [sflag:$0x2], $0x1, s24, s21, $0xb8;
	[tilespmem:$0x980] =	vst v63  }
0x66: {  	_ =	swait.ge [sflag:s17], $0x80  }
0x67: {  	[sflag:s17] =	ssyncset.done $0x0  }
0x68: {  	[sflag:s17] =	ssyncadd.s32 $0xFFFFFF80  }
0x69: {  	[spmem:s2] =	stream.indirect.scatter.add.f32 [tilespmem:s22], [sflag:$0x2], $0x1, s25, s21, $0xb8;
	[tilespmem:$0x980] =	vst v63  }
0x6a: {  	_ =	swait.ge [sflag:s17], $0x80  }
0x6b: {  	[sflag:s17] =	ssyncset.done $0x0  }
0x6c: {  	s31 =	sadd.s32 $0xC0, s28;
	[sflag:s17] =	ssyncadd.s32 $0xFFFFFF80  }
0x6d: {  	[tilespmem:s19], [sflag:$0x1] =	stream.linear.gather [hbm4b:s31+s3], $0x100, $0x38;
	[tilespmem:$0x980] =	vst v63  }
0x6e: {  	s28 =	sadd.s32 $0xE0, s28  }
0x6f: {  	[tilespmem:s20], [sflag:$0x1] =	stream.linear.gather [hbm4b:s28+s3], $0x100, $0x38;
	[tilespmem:$0x980] =	vst v63  }
0x70: {  	_ =	swait.ge [sflag:s18], $0x100  }
0x71: {  	[sflag:s18] =	ssyncset.done $0x0  }
0x72: {  	[sflag:s18] =	ssyncadd.s32 $0xFFFFFF00  }
0x73: {  	_ =	swait.ge [sflag:s18], $0x100  }
0x74: {  	s28 =	simm.s32 $0x80;
	[sflag:s18] =	ssyncset.done $0x0  }
.LBB2_2:
0x75: {  	p1 =	sne.s32 s28, $0x880  }
0x76: {  	[sflag:s18] =	ssyncadd.s32 $0xFFFFFF00;
	s29 =	smov.u32 s28;
	s28 =	sadd.s32 $0x80, s28  }
0x77: {  	[spmem:s2] =	stream.indirect.scatter.add.f32 [tilespmem:s22], [sflag:$0x2], $0x1, s21, s21, $0xb8;
	[tilespmem:$0x980] =	vst v63  }
0x78: {  	_ =	swait.ge [sflag:s17], $0x80  }
0x79: {  	[sflag:s17] =	ssyncset.done $0x0  }
0x7a: {  	[sflag:s17] =	ssyncadd.s32 $0xFFFFFF80  }
0x7b: {  	[spmem:s2] =	stream.indirect.scatter.add.f32 [tilespmem:s22], [sflag:$0x2], $0x1, s23, s21, $0xb8;
	[tilespmem:$0x980] =	vst v63  }
0x7c: {  	_ =	swait.ge [sflag:s17], $0x80  }
0x7d: {  	s29 =	sadd.s32 s29, s14;
	[sflag:s17] =	ssyncset.done $0x0  }
0x7e: {  	s30 =	sadd.s32 $0x80, s29;
	[sflag:s17] =	ssyncadd.s32 $0xFFFFFF80  }
0x7f: {  	[tilespmem:s3], [sflag:$0x1] =	stream.linear.gather [hbm4b:s30+s3], $0x100, $0x38;
	[tilespmem:$0x980] =	vst v63  }
0x80: {  	s30 =	sadd.s32 $0xA0, s29  }
0x81: {  	[tilespmem:s15], [sflag:$0x1] =	stream.linear.gather [hbm4b:s30+s3], $0x100, $0x38;
	[tilespmem:$0x980] =	vst v63  }
0x82: {  	_ =	swait.ge [sflag:s18], $0x100  }
0x83: {  	[sflag:s18] =	ssyncset.done $0x0  }
0x84: {  	[sflag:s18] =	ssyncadd.s32 $0xFFFFFF00  }
0x85: {  	_ =	swait.ge [sflag:s18], $0x100  }
0x86: {  	[sflag:s18] =	ssyncset.done $0x0  }
0x87: {  	[sflag:s18] =	ssyncadd.s32 $0xFFFFFF00  }
0x88: {  	[spmem:s2] =	stream.indirect.scatter.add.f32 [tilespmem:s22], [sflag:$0x2], $0x1, s24, s21, $0xb8;
	[tilespmem:$0x980] =	vst v63  }
0x89: {  	_ =	swait.ge [sflag:s17], $0x80  }
0x8a: {  	[sflag:s17] =	ssyncset.done $0x0  }
0x8b: {  	[sflag:s17] =	ssyncadd.s32 $0xFFFFFF80  }
0x8c: {  	[spmem:s2] =	stream.indirect.scatter.add.f32 [tilespmem:s22], [sflag:$0x2], $0x1, s25, s21, $0xb8;
	[tilespmem:$0x980] =	vst v63  }
0x8d: {  	_ =	swait.ge [sflag:s17], $0x80  }
0x8e: {  	[sflag:s17] =	ssyncset.done $0x0  }
0x8f: {  	s30 =	sadd.s32 $0xC0, s29;
	[sflag:s17] =	ssyncadd.s32 $0xFFFFFF80  }
0x90: {  	[tilespmem:s19], [sflag:$0x1] =	stream.linear.gather [hbm4b:s30+s3], $0x100, $0x38;
	[tilespmem:$0x980] =	vst v63  }
0x91: {  	s29 =	sadd.s32 $0xE0, s29  }
0x92: {  	[tilespmem:s20], [sflag:$0x1] =	stream.linear.gather [hbm4b:s29+s3], $0x100, $0x38;
	[tilespmem:$0x980] =	vst v63  }
.Ltmp0:
0x93: {  	_ =	swait.ge [sflag:s18], $0x100;
	(pc) =	sbr.rel @p1 .LBB2_2-.Ltmp0, $4  }
0x94: {  	[sflag:s18] =	ssyncset.done $0x0  }
0x95: {  	[sflag:s18] =	ssyncadd.s32 $0xFFFFFF00  }
0x96: {  	_ =	swait.ge [sflag:s18], $0x100  }
0x97: {  	[sflag:s18] =	ssyncset.done $0x0  }
0x98: {  	[sflag:s18] =	ssyncadd.s32 $0xFFFFFF00  }
0x99: {  	[spmem:s2] =	stream.indirect.scatter.add.f32 [tilespmem:s22], [sflag:$0x2], $0x1, s21, s21, $0xb8;
	[tilespmem:$0x980] =	vst v63  }
0x9a: {  	_ =	swait.ge [sflag:s17], $0x80  }
0x9b: {  	[sflag:s17] =	ssyncset.done $0x0  }
0x9c: {  	[sflag:s17] =	ssyncadd.s32 $0xFFFFFF80  }
0x9d: {  	[spmem:s2] =	stream.indirect.scatter.add.f32 [tilespmem:s22], [sflag:$0x2], $0x1, s23, s21, $0xb8;
	[tilespmem:$0x980] =	vst v63  }
0x9e: {  	_ =	swait.ge [sflag:s17], $0x80  }
0x9f: {  	[sflag:s17] =	ssyncset.done $0x0  }
0xa0: {  	[sflag:s17] =	ssyncadd.s32 $0xFFFFFF80  }
0xa1: {  	_ =	swait.ge [sflag:s18], $0x100  }
0xa2: {  	[sflag:s18] =	ssyncset.done $0x0  }
0xa3: {  	[sflag:s18] =	ssyncadd.s32 $0xFFFFFF00  }
0xa4: {  	_ =	swait.ge [sflag:s18], $0x100  }
0xa5: {  	[sflag:s18] =	ssyncset.done $0x0  }
0xa6: {  	[sflag:s18] =	ssyncadd.s32 $0xFFFFFF00  }
0xa7: {  	[spmem:s2] =	stream.indirect.scatter.add.f32 [tilespmem:s22], [sflag:$0x2], $0x1, s24, s21, $0xb8;
	[tilespmem:$0x980] =	vst v63  }
0xa8: {  	_ =	swait.ge [sflag:s17], $0x80  }
0xa9: {  	[sflag:s17] =	ssyncset.done $0x0  }
0xaa: {  	[sflag:s17] =	ssyncadd.s32 $0xFFFFFF80  }
0xab: {  	[spmem:s2] =	stream.indirect.scatter.add.f32 [tilespmem:s22], [sflag:$0x2], $0x1, s25, s21, $0xb8;
	[tilespmem:$0x980] =	vst v63  }
0xac: {  	_ =	swait.ge [sflag:s17], $0x80  }
0xad: {  	[sflag:s17] =	ssyncset.done $0x0  }
0xae: {  	[sflag:s17] =	ssyncadd.s32 $0xFFFFFF80  }
0xaf: {  	[tilespmem:s3], [sflag:$0x1] =	stream.linear.gather [hbm4b:s11+s3], $0x100, $0x38;
	[tilespmem:$0x980] =	vst v63  }
0xb0: {  	_ =	swait.ge [sflag:s18], $0x100  }
0xb1: {  	[sflag:s18] =	ssyncset.done $0x0  }
0xb2: {  	[sflag:s18] =	ssyncadd.s32 $0xFFFFFF00  }
0xb3: {  	[spmem:s2] =	stream.indirect.scatter.add.f32 [tilespmem:s22], [sflag:$0x2], $0x1, s21, s21, $0xb8;
	[tilespmem:$0x980] =	vst v63  }
0xb4: {  	_ =	swait.ge [sflag:s17], $0x80  }
0xb5: {  	[sflag:s17] =	ssyncset.done $0x0  }
0xb6: {  	[sflag:s17] =	ssyncadd.s32 $0xFFFFFF80  }
0xb7: {  	[tilespmem:s3], [sflag:$0x1] =	stream.linear.gather [hbm4b:s12+s3], $0x100, $0x38;
	[tilespmem:$0x980] =	vst v63  }
0xb8: {  	_ =	swait.ge [sflag:s18], $0x100  }
0xb9: {  	[sflag:s18] =	ssyncset.done $0x0  }
0xba: {  	[sflag:s18] =	ssyncadd.s32 $0xFFFFFF00  }
0xbb: {  	[spmem:s2] =	stream.indirect.scatter.add.f32 [tilespmem:s22], [sflag:$0x2], $0x1, s21, s21, $0xb8;
	[tilespmem:$0x980] =	vst v63  }
0xbc: {  	_ =	swait.ge [sflag:s17], $0x80  }
0xbd: {  	[sflag:s17] =	ssyncset.done $0x0  }
0xbe: {  	s28 =	simm.s32 @!p0 $0x0;
	[sflag:s17] =	ssyncadd.s32 $0xFFFFFF80  }
0xbf: {  	[tilespmem:s28], [sflag:$0x1] =	stream.linear.gather @!p0 [hbm4b:s13+s28], $0x100, $0x38;
	[tilespmem:$0x980] =	vst v63  }
0xc0: {  	s28 =	simm.s32 @!p0 $0x1  }
0xc1: {  	_ =	swait.ge @!p0 [sflag:s28], $0x100  }
0xc2: {  	[sflag:s28] =	ssyncset.done @!p0 $0x0  }
0xc3: {  	s29 =	simm.s32 @!p0 $0x400;
	[sflag:s28] =	ssyncadd.s32 @!p0 $0xFFFFFF00;
	s28 =	simm.s32 @!p0 $0x80  }
0xc4: {  	[spmem:s2] =	stream.indirect.scatter.add.f32 @!p0 [tilespmem:s29], [sflag:$0x2], $0x1, s28, s28, $0xb8;
	[tilespmem:$0x980] =	vst v63  }
0xc5: {  	s28 =	simm.s32 @!p0 $0x2  }
0xc6: {  	_ =	swait.ge @!p0 [sflag:s28], $0x80  }
0xc7: {  	s30 =	sshll.u32 s0, $0x6;
	s26 =	sadd.s32 $0x1, s26;
	[sflag:s28] =	ssyncset.done @!p0 $0x0  }
0xc8: {  	s31 =	sshrl.u32 s6, $0x3;
	p1 =	sne.s32 s26, s10;
	[sflag:s28] =	ssyncadd.s32 @!p0 $0xFFFFFF80  }
.Ltmp1:
0xc9: {  	s28 =	sor.u32 $0x1C02, s30;
	[bflag:$0x0] =	sbarrier.arrive $0xFFFF;
	(pc) =	sbr.rel @p1 .LBB2_1-.Ltmp1, $4  }
0xca: {  	[hbm:s9], [sflag:s28] =	dma.local [spmem:s31], $0x50  }
0xcb: {  	_ =	swait.ge [sflag:s17], $0x50  }
0xcc: {  	[sflag:s17] =	ssyncset.done $0x0  }
0xcd: {  	[sflag:s17] =	ssyncadd.s32 $0xFFFFFFB0  }
0xce: {  	_ =	sfence.sel $0x180000  }
0xcf: {  	[bflag:$0x0] =	sbarrier.arrive $0xFFFF  }
0xd0: {  	p0 =	sne.s32 s0, $0x0;
	_ =	strace $0x90000047  }
0xd1: {  	s0 =	sadd.s32 @!p0 $0x100000, s1;
	[bflag:$0x2] =	sbarrier.arrive $0xFFFF  }
0xd2: {  	[sflag:s0] =	ssyncadd.tile.s32 @!p0 $0x1;
	_ =	shalt  }
.Lfunc_end2:
_tile_overlayer_lowered:
.L_overlay_start_2:
0xd3: {  	(tag) =	ssettag $0x2  }
0xd4: {  	s0 =	rddreg [dreg:$0x0];
	s2 =	stileid.u32  }
0xd5: {  	s1 =	rddreg [dreg:$0x1];
	p0 =	sne.s32 s2, $0x0  }
0xd6: {  	s3 =	rddreg [dreg:$0x2];
	[bflag:$0x3] =	sbarrier.arrive $0xFFFF;
	s2 =	simm.s32 @!p0 $0x1C02  }
0xd7: {  	[timem:s3], [sflag:s2] =	dma.local @!p0 [hbm:s0], s1  }
0xd8: {  	s0 =	simm.s32 @!p0 $0x2  }
0xd9: {  	_ =	swait.ge @!p0 [sflag:s0], s1  }
0xda: {  	s1 =	ssub.s32 @!p0 $0x0, s1;
	[sflag:s0] =	ssyncset.done @!p0 $0x0  }
0xdb: {  	[sflag:s0] =	ssyncadd.s32 @!p0 s1  }
0xdc: {  	[bflag:$0x3] =	sbarrier.arrive $0xFFFF  }
0xdd: {  	_ =	shalt  }

</sc_bundles>
